<compile_context>
chip_gen: v7x
topology: tpu7x:2x2x1
jax: 0.10.2.dev20260603
libtpu: 0.0.44.dev20260713+nightly
codegen_flags: <defaults>
</compile_context>

<pallas_src>
import functools

import jax
import jax.numpy as jnp
from jax import lax
from jax.experimental import pallas as pl
from jax.experimental.pallas import tpu as pltpu
from jax.experimental.pallas import tpu_sc as plsc

_NC = 2
_NS = 16
_NW = _NC * _NS

_CIMG = 4
_NSLOT = 3
_NDRV = 2
_RA = 2


def _sc_body(n_chunks, in_hbm, out_hbm, bufs, rsems, wsems):
    c = lax.axis_index("c")
    s = lax.axis_index("s")

    for d in range(_NDRV):
        @pl.when(s == d)
        def _(d=d):
            chunks = list(range(d, n_chunks, _NDRV))

            def img0(g):
                return (c * n_chunks + g) * _CIMG

            def read(g, slot):
                pltpu.async_copy(
                    in_hbm.at[pl.ds(img0(g), _CIMG)], bufs[slot], rsems[slot])

            def wait_read(g, slot):
                pltpu.make_async_copy(
                    in_hbm.at[pl.ds(img0(g), _CIMG)], bufs[slot],
                    rsems[slot]).wait()

            def write(g, slot):
                pltpu.async_copy(
                    bufs[slot], out_hbm.at[pl.ds(img0(g), _CIMG)], wsems[slot])

            def wait_write(g, slot):
                pltpu.make_async_copy(
                    bufs[slot], out_hbm.at[pl.ds(img0(g), _CIMG)],
                    wsems[slot]).wait()

            base_slot = d * _NSLOT
            n = len(chunks)
            ra = min(_RA, n)
            for k in range(ra):
                read(chunks[k], base_slot + k % _NSLOT)
            for k in range(n):
                slot = base_slot + k % _NSLOT
                wait_read(chunks[k], slot)
                write(chunks[k], slot)
                nk = k + ra
                if nk < n:
                    conflict = nk - _NSLOT
                    if conflict >= 0:
                        wait_write(chunks[conflict],
                                   base_slot + conflict % _NSLOT)
                    read(chunks[nk], base_slot + nk % _NSLOT)
            for k in range(max(0, n - _NSLOT), n):
                wait_write(chunks[k], base_slot + k % _NSLOT)


def kernel(phi):
    B, H, W = phi.shape
    assert B % (_NC * _CIMG) == 0
    n_chunks = B // (_NC * _CIMG)

    mesh = plsc.VectorSubcoreMesh(core_axis_name="c", subcore_axis_name="s")
    run = pl.kernel(
        functools.partial(_sc_body, n_chunks),
        mesh=mesh,
        out_type=jax.ShapeDtypeStruct(phi.shape, phi.dtype),
        scratch_types=[
            [pltpu.VMEM_SHARED((_CIMG, H, W), jnp.float32)] * (_NSLOT * _NDRV),
            [pltpu.SemaphoreType.DMA] * (_NSLOT * _NDRV),
            [pltpu.SemaphoreType.DMA] * (_NSLOT * _NDRV),
        ],
    )
    return run(phi)

# --- scband reference (transcript-rebuilt; emitter-appended) ---
"""Pipeline reference for scband-geometry-31997506355966 (READ-ONLY COPY).

The authoritative reference and input builder live on the scoring server;
editing this copy changes nothing except your own understanding.
"""

import jax, jax.numpy as jnp
import numpy as np

LATTICE_SHAPE = (256, 256)

def make_checkerboard(shape):
    coords = np.indices(shape).sum(axis=0)
    return (coords % 2) == 0

_MASK = make_checkerboard(LATTICE_SHAPE)
_MASK_FLAT = _MASK.reshape(-1)
_IDX_A = jnp.asarray(np.nonzero(_MASK_FLAT)[0], dtype=jnp.int32)
_IDX_B = jnp.asarray(np.nonzero(~_MASK_FLAT)[0], dtype=jnp.int32)

def setup_inputs(seed: int = 0) -> dict:
    key = jax.random.key(seed)
    phi = jax.random.normal(key, (512,) + LATTICE_SHAPE, dtype=jnp.float32)
    return {"phi": phi}

def reference(phi):
    B = phi.shape[0]
    phi_flat = phi.reshape(B, -1)
    # partition: gather even-parity and odd-parity sites (checkerboard boolean mask)
    phi_a = jnp.take(phi_flat, _IDX_A, axis=1)
    phi_b = jnp.take(phi_flat, _IDX_B, axis=1)
    # restore: scatter-overwrite back into the full lattice
    out = jnp.zeros_like(phi_flat)
    out = out.at[:, _IDX_A].set(phi_a)
    out = out.at[:, _IDX_B].set(phi_b)
    return out.reshape(phi.shape)

if __name__ == "__main__":
    import jax
    _d = setup_inputs()
    print(jax.jit(kernel)(*tuple(_d.values())))

</pallas_src>

<mosaic_0001>
#map = affine_map<(d0, d1) -> (0, 0, 0)>
module attributes {stable_mosaic.version = 14 : i64} {
  func.func @_sc_body(%arg0: i32, %arg1: i32, %arg2: memref<512x256x256xf32, #tpu.memory_space<hbm>>, %arg3: memref<512x256x256xf32, #tpu.memory_space<hbm>>, %arg4: memref<4x256x256xf32, #tpu.memory_space<vmem_shared>>, %arg5: memref<4x256x256xf32, #tpu.memory_space<vmem_shared>>, %arg6: memref<4x256x256xf32, #tpu.memory_space<vmem_shared>>, %arg7: memref<4x256x256xf32, #tpu.memory_space<vmem_shared>>, %arg8: memref<4x256x256xf32, #tpu.memory_space<vmem_shared>>, %arg9: memref<4x256x256xf32, #tpu.memory_space<vmem_shared>>, %arg10: memref<!tpu.dma_semaphore, #tpu.memory_space<semaphore_mem>>, %arg11: memref<!tpu.dma_semaphore, #tpu.memory_space<semaphore_mem>>, %arg12: memref<!tpu.dma_semaphore, #tpu.memory_space<semaphore_mem>>, %arg13: memref<!tpu.dma_semaphore, #tpu.memory_space<semaphore_mem>>, %arg14: memref<!tpu.dma_semaphore, #tpu.memory_space<semaphore_mem>>, %arg15: memref<!tpu.dma_semaphore, #tpu.memory_space<semaphore_mem>>, %arg16: memref<!tpu.dma_semaphore, #tpu.memory_space<semaphore_mem>>, %arg17: memref<!tpu.dma_semaphore, #tpu.memory_space<semaphore_mem>>, %arg18: memref<!tpu.dma_semaphore, #tpu.memory_space<semaphore_mem>>, %arg19: memref<!tpu.dma_semaphore, #tpu.memory_space<semaphore_mem>>, %arg20: memref<!tpu.dma_semaphore, #tpu.memory_space<semaphore_mem>>, %arg21: memref<!tpu.dma_semaphore, #tpu.memory_space<semaphore_mem>>) attributes {dimension_semantics = [#tpu.dimension_semantics<core_parallel>, #tpu.dimension_semantics<subcore_parallel>], iteration_bounds = array<i64: 2, 16>, scalar_prefetch = 0 : i64, scratch_operands = 18 : i64, tpu.core_type = #tpu.core_type<sc_vector_subcore>, window_params = [{transform_indices = #map}, {transform_indices = #map}]} {
    %eq3A = arith.constant 0 : i32
    %eq3A_0 = arith.cmpi eq, %arg1, %eq3A : i32
    %convert_element_type3A = arith.extui %eq3A_0 : i1 to i32
    %cond3A = arith.constant 0 : i32
    %cond3A_1 = arith.cmpi ne, %convert_element_type3A, %cond3A : i32
    scf.if %cond3A_1 {
      %mul3A = arith.constant 64 : i32
      %mul3A_7 = arith.muli %arg0, %mul3A : i32
      %add3A = arith.constant 0 : i32
      %add3A_8 = arith.addi %mul3A_7, %add3A : i32
      %mul3A_9 = arith.constant 4 : i32
      %mul3A_10 = arith.muli %add3A_8, %mul3A_9 : i32
      %dma_start3A = arith.constant 0 : i32
      %dma_start3A_11 = arith.constant 0 : i32
      %dma_start3A_12 = tpu.memref_slice %arg2[%mul3A_10, %dma_start3A, %dma_start3A_11] : memref<512x256x256xf32, #tpu.memory_space<hbm>> -> memref<4x256x256xf32, #tpu.memory_space<hbm>>
      tpu.enqueue_dma source(%dma_start3A_12 : memref<4x256x256xf32, #tpu.memory_space<hbm>>) target(%arg4 : memref<4x256x256xf32, #tpu.memory_space<vmem_shared>>) target_semaphore(%arg10 : memref<!tpu.dma_semaphore, #tpu.memory_space<semaphore_mem>>)
      %mul3A_13 = arith.constant 64 : i32
      %mul3A_14 = arith.muli %arg0, %mul3A_13 : i32
      %add3A_15 = arith.constant 2 : i32
      %add3A_16 = arith.addi %mul3A_14, %add3A_15 : i32
      %mul3A_17 = arith.constant 4 : i32
      %mul3A_18 = arith.muli %add3A_16, %mul3A_17 : i32
      %dma_start3A_19 = arith.constant 0 : i32
      %dma_start3A_20 = arith.constant 0 : i32
      %dma_start3A_21 = tpu.memref_slice %arg2[%mul3A_18, %dma_start3A_19, %dma_start3A_20] : memref<512x256x256xf32, #tpu.memory_space<hbm>> -> memref<4x256x256xf32, #tpu.memory_space<hbm>>
      tpu.enqueue_dma source(%dma_start3A_21 : memref<4x256x256xf32, #tpu.memory_space<hbm>>) target(%arg5 : memref<4x256x256xf32, #tpu.memory_space<vmem_shared>>) target_semaphore(%arg11 : memref<!tpu.dma_semaphore, #tpu.memory_space<semaphore_mem>>)
      %mul3A_22 = arith.constant 64 : i32
      %mul3A_23 = arith.muli %arg0, %mul3A_22 : i32
      %add3A_24 = arith.constant 0 : i32
      %add3A_25 = arith.addi %mul3A_23, %add3A_24 : i32
      %mul3A_26 = arith.constant 4 : i32
      %mul3A_27 = arith.muli %add3A_25, %mul3A_26 : i32
      %dma_wait3A = arith.constant 0 : i32
      %dma_wait3A_28 = arith.constant 0 : i32
      %dma_wait3A_29 = tpu.memref_slice %arg2[%mul3A_27, %dma_wait3A, %dma_wait3A_28] : memref<512x256x256xf32, #tpu.memory_space<hbm>> -> memref<4x256x256xf32, #tpu.memory_space<hbm>>
      tpu.wait_dma2 semaphore(%arg10 : memref<!tpu.dma_semaphore, #tpu.memory_space<semaphore_mem>>) src(%dma_wait3A_29 : memref<4x256x256xf32, #tpu.memory_space<hbm>>) dst(%arg4 : memref<4x256x256xf32, #tpu.memory_space<vmem_shared>>)
      %mul3A_30 = arith.constant 64 : i32
      %mul3A_31 = arith.muli %arg0, %mul3A_30 : i32
      %add3A_32 = arith.constant 0 : i32
      %add3A_33 = arith.addi %mul3A_31, %add3A_32 : i32
      %mul3A_34 = arith.constant 4 : i32
      %mul3A_35 = arith.muli %add3A_33, %mul3A_34 : i32
      %dma_start3A_36 = arith.constant 0 : i32
      %dma_start3A_37 = arith.constant 0 : i32
      %dma_start3A_38 = tpu.memref_slice %arg3[%mul3A_35, %dma_start3A_36, %dma_start3A_37] : memref<512x256x256xf32, #tpu.memory_space<hbm>> -> memref<4x256x256xf32, #tpu.memory_space<hbm>>
      tpu.enqueue_dma source(%arg4 : memref<4x256x256xf32, #tpu.memory_space<vmem_shared>>) target(%dma_start3A_38 : memref<4x256x256xf32, #tpu.memory_space<hbm>>) target_semaphore(%arg16 : memref<!tpu.dma_semaphore, #tpu.memory_space<semaphore_mem>>)
      %mul3A_39 = arith.constant 64 : i32
      %mul3A_40 = arith.muli %arg0, %mul3A_39 : i32
      %add3A_41 = arith.constant 4 : i32
      %add3A_42 = arith.addi %mul3A_40, %add3A_41 : i32
      %mul3A_43 = arith.constant 4 : i32
      %mul3A_44 = arith.muli %add3A_42, %mul3A_43 : i32
      %dma_start3A_45 = arith.constant 0 : i32
      %dma_start3A_46 = arith.constant 0 : i32
      %dma_start3A_47 = tpu.memref_slice %arg2[%mul3A_44, %dma_start3A_45, %dma_start3A_46] : memref<512x256x256xf32, #tpu.memory_space<hbm>> -> memref<4x256x256xf32, #tpu.memory_space<hbm>>
      tpu.enqueue_dma source(%dma_start3A_47 : memref<4x256x256xf32, #tpu.memory_space<hbm>>) target(%arg6 : memref<4x256x256xf32, #tpu.memory_space<vmem_shared>>) target_semaphore(%arg12 : memref<!tpu.dma_semaphore, #tpu.memory_space<semaphore_mem>>)
      %mul3A_48 = arith.constant 64 : i32
      %mul3A_49 = arith.muli %arg0, %mul3A_48 : i32
      %add3A_50 = arith.constant 2 : i32
      %add3A_51 = arith.addi %mul3A_49, %add3A_50 : i32
      %mul3A_52 = arith.constant 4 : i32
      %mul3A_53 = arith.muli %add3A_51, %mul3A_52 : i32
      %dma_wait3A_54 = arith.constant 0 : i32
      %dma_wait3A_55 = arith.constant 0 : i32
      %dma_wait3A_56 = tpu.memref_slice %arg2[%mul3A_53, %dma_wait3A_54, %dma_wait3A_55] : memref<512x256x256xf32, #tpu.memory_space<hbm>> -> memref<4x256x256xf32, #tpu.memory_space<hbm>>
      tpu.wait_dma2 semaphore(%arg11 : memref<!tpu.dma_semaphore, #tpu.memory_space<semaphore_mem>>) src(%dma_wait3A_56 : memref<4x256x256xf32, #tpu.memory_space<hbm>>) dst(%arg5 : memref<4x256x256xf32, #tpu.memory_space<vmem_shared>>)
      %mul3A_57 = arith.constant 64 : i32
      %mul3A_58 = arith.muli %arg0, %mul3A_57 : i32
      %add3A_59 = arith.constant 2 : i32
      %add3A_60 = arith.addi %mul3A_58, %add3A_59 : i32
      %mul3A_61 = arith.constant 4 : i32
      %mul3A_62 = arith.muli %add3A_60, %mul3A_61 : i32
      %dma_start3A_63 = arith.constant 0 : i32
      %dma_start3A_64 = arith.constant 0 : i32
      %dma_start3A_65 = tpu.memref_slice %arg3[%mul3A_62, %dma_start3A_63, %dma_start3A_64] : memref<512x256x256xf32, #tpu.memory_space<hbm>> -> memref<4x256x256xf32, #tpu.memory_space<hbm>>
      tpu.enqueue_dma source(%arg5 : memref<4x256x256xf32, #tpu.memory_space<vmem_shared>>) target(%dma_start3A_65 : memref<4x256x256xf32, #tpu.memory_space<hbm>>) target_semaphore(%arg17 : memref<!tpu.dma_semaphore, #tpu.memory_space<semaphore_mem>>)
      %mul3A_66 = arith.constant 64 : i32
      %mul3A_67 = arith.muli %arg0, %mul3A_66 : i32
      %add3A_68 = arith.constant 0 : i32
      %add3A_69 = arith.addi %mul3A_67, %add3A_68 : i32
      %mul3A_70 = arith.constant 4 : i32
      %mul3A_71 = arith.muli %add3A_69, %mul3A_70 : i32
      %dma_wait3A_72 = arith.constant 0 : i32
      %dma_wait3A_73 = arith.constant 0 : i32
      %dma_wait3A_74 = tpu.memref_slice %arg3[%mul3A_71, %dma_wait3A_72, %dma_wait3A_73] : memref<512x256x256xf32, #tpu.memory_space<hbm>> -> memref<4x256x256xf32, #tpu.memory_space<hbm>>
      tpu.wait_dma2 semaphore(%arg16 : memref<!tpu.dma_semaphore, #tpu.memory_space<semaphore_mem>>) src(%arg4 : memref<4x256x256xf32, #tpu.memory_space<vmem_shared>>) dst(%dma_wait3A_74 : memref<4x256x256xf32, #tpu.memory_space<hbm>>)
      %mul3A_75 = arith.constant 64 : i32
      %mul3A_76 = arith.muli %arg0, %mul3A_75 : i32
      %add3A_77 = arith.constant 6 : i32
      %add3A_78 = arith.addi %mul3A_76, %add3A_77 : i32
      %mul3A_79 = arith.constant 4 : i32
      %mul3A_80 = arith.muli %add3A_78, %mul3A_79 : i32
      %dma_start3A_81 = arith.constant 0 : i32
      %dma_start3A_82 = arith.constant 0 : i32
      %dma_start3A_83 = tpu.memref_slice %arg2[%mul3A_80, %dma_start3A_81, %dma_start3A_82] : memref<512x256x256xf32, #tpu.memory_space<hbm>> -> memref<4x256x256xf32, #tpu.memory_space<hbm>>
      tpu.enqueue_dma source(%dma_start3A_83 : memref<4x256x256xf32, #tpu.memory_space<hbm>>) target(%arg4 : memref<4x256x256xf32, #tpu.memory_space<vmem_shared>>) target_semaphore(%arg10 : memref<!tpu.dma_semaphore, #tpu.memory_space<semaphore_mem>>)
      %mul3A_84 = arith.constant 64 : i32
      %mul3A_85 = arith.muli %arg0, %mul3A_84 : i32
      %add3A_86 = arith.constant 4 : i32
      %add3A_87 = arith.addi %mul3A_85, %add3A_86 : i32
      %mul3A_88 = arith.constant 4 : i32
      %mul3A_89 = arith.muli %add3A_87, %mul3A_88 : i32
      %dma_wait3A_90 = arith.constant 0 : i32
      %dma_wait3A_91 = arith.constant 0 : i32
      %dma_wait3A_92 = tpu.memref_slice %arg2[%mul3A_89, %dma_wait3A_90, %dma_wait3A_91] : memref<512x256x256xf32, #tpu.memory_space<hbm>> -> memref<4x256x256xf32, #tpu.memory_space<hbm>>
      tpu.wait_dma2 semaphore(%arg12 : memref<!tpu.dma_semaphore, #tpu.memory_space<semaphore_mem>>) src(%dma_wait3A_92 : memref<4x256x256xf32, #tpu.memory_space<hbm>>) dst(%arg6 : memref<4x256x256xf32, #tpu.memory_space<vmem_shared>>)
      %mul3A_93 = arith.constant 64 : i32
      %mul3A_94 = arith.muli %arg0, %mul3A_93 : i32
      %add3A_95 = arith.constant 4 : i32
      %add3A_96 = arith.addi %mul3A_94, %add3A_95 : i32
      %mul3A_97 = arith.constant 4 : i32
      %mul3A_98 = arith.muli %add3A_96, %mul3A_97 : i32
      %dma_start3A_99 = arith.constant 0 : i32
      %dma_start3A_100 = arith.constant 0 : i32
      %dma_start3A_101 = tpu.memref_slice %arg3[%mul3A_98, %dma_start3A_99, %dma_start3A_100] : memref<512x256x256xf32, #tpu.memory_space<hbm>> -> memref<4x256x256xf32, #tpu.memory_space<hbm>>
      tpu.enqueue_dma source(%arg6 : memref<4x256x256xf32, #tpu.memory_space<vmem_shared>>) target(%dma_start3A_101 : memref<4x256x256xf32, #tpu.memory_space<hbm>>) target_semaphore(%arg18 : memref<!tpu.dma_semaphore, #tpu.memory_space<semaphore_mem>>)
      %mul3A_102 = arith.constant 64 : i32
      %mul3A_103 = arith.muli %arg0, %mul3A_102 : i32
      %add3A_104 = arith.constant 2 : i32
      %add3A_105 = arith.addi %mul3A_103, %add3A_104 : i32
      %mul3A_106 = arith.constant 4 : i32
      %mul3A_107 = arith.muli %add3A_105, %mul3A_106 : i32
      %dma_wait3A_108 = arith.constant 0 : i32
      %dma_wait3A_109 = arith.constant 0 : i32
      %dma_wait3A_110 = tpu.memref_slice %arg3[%mul3A_107, %dma_wait3A_108, %dma_wait3A_109] : memref<512x256x256xf32, #tpu.memory_space<hbm>> -> memref<4x256x256xf32, #tpu.memory_space<hbm>>
      tpu.wait_dma2 semaphore(%arg17 : memref<!tpu.dma_semaphore, #tpu.memory_space<semaphore_mem>>) src(%arg5 : memref<4x256x256xf32, #tpu.memory_space<vmem_shared>>) dst(%dma_wait3A_110 : memref<4x256x256xf32, #tpu.memory_space<hbm>>)
      %mul3A_111 = arith.constant 64 : i32
      %mul3A_112 = arith.muli %arg0, %mul3A_111 : i32
      %add3A_113 = arith.constant 8 : i32
      %add3A_114 = arith.addi %mul3A_112, %add3A_113 : i32
      %mul3A_115 = arith.constant 4 : i32
      %mul3A_116 = arith.muli %add3A_114, %mul3A_115 : i32
      %dma_start3A_117 = arith.constant 0 : i32
      %dma_start3A_118 = arith.constant 0 : i32
      %dma_start3A_119 = tpu.memref_slice %arg2[%mul3A_116, %dma_start3A_117, %dma_start3A_118] : memref<512x256x256xf32, #tpu.memory_space<hbm>> -> memref<4x256x256xf32, #tpu.memory_space<hbm>>
      tpu.enqueue_dma source(%dma_start3A_119 : memref<4x256x256xf32, #tpu.memory_space<hbm>>) target(%arg5 : memref<4x256x256xf32, #tpu.memory_space<vmem_shared>>) target_semaphore(%arg11 : memref<!tpu.dma_semaphore, #tpu.memory_space<semaphore_mem>>)
      %mul3A_120 = arith.constant 64 : i32
      %mul3A_121 = arith.muli %arg0, %mul3A_120 : i32
      %add3A_122 = arith.constant 6 : i32
      %add3A_123 = arith.addi %mul3A_121, %add3A_122 : i32
      %mul3A_124 = arith.constant 4 : i32
      %mul3A_125 = arith.muli %add3A_123, %mul3A_124 : i32
      %dma_wait3A_126 = arith.constant 0 : i32
      %dma_wait3A_127 = arith.constant 0 : i32
      %dma_wait3A_128 = tpu.memref_slice %arg2[%mul3A_125, %dma_wait3A_126, %dma_wait3A_127] : memref<512x256x256xf32, #tpu.memory_space<hbm>> -> memref<4x256x256xf32, #tpu.memory_space<hbm>>
      tpu.wait_dma2 semaphore(%arg10 : memref<!tpu.dma_semaphore, #tpu.memory_space<semaphore_mem>>) src(%dma_wait3A_128 : memref<4x256x256xf32, #tpu.memory_space<hbm>>) dst(%arg4 : memref<4x256x256xf32, #tpu.memory_space<vmem_shared>>)
      %mul3A_129 = arith.constant 64 : i32
      %mul3A_130 = arith.muli %arg0, %mul3A_129 : i32
      %add3A_131 = arith.constant 6 : i32
      %add3A_132 = arith.addi %mul3A_130, %add3A_131 : i32
      %mul3A_133 = arith.constant 4 : i32
      %mul3A_134 = arith.muli %add3A_132, %mul3A_133 : i32
      %dma_start3A_135 = arith.constant 0 : i32
      %dma_start3A_136 = arith.constant 0 : i32
      %dma_start3A_137 = tpu.memref_slice %arg3[%mul3A_134, %dma_start3A_135, %dma_start3A_136] : memref<512x256x256xf32, #tpu.memory_space<hbm>> -> memref<4x256x256xf32, #tpu.memory_space<hbm>>
      tpu.enqueue_dma source(%arg4 : memref<4x256x256xf32, #tpu.memory_space<vmem_shared>>) target(%dma_start3A_137 : memref<4x256x256xf32, #tpu.memory_space<hbm>>) target_semaphore(%arg16 : memref<!tpu.dma_semaphore, #tpu.memory_space<semaphore_mem>>)
      %mul3A_138 = arith.constant 64 : i32
      %mul3A_139 = arith.muli %arg0, %mul3A_138 : i32
      %add3A_140 = arith.constant 4 : i32
      %add3A_141 = arith.addi %mul3A_139, %add3A_140 : i32
      %mul3A_142 = arith.constant 4 : i32
      %mul3A_143 = arith.muli %add3A_141, %mul3A_142 : i32
      %dma_wait3A_144 = arith.constant 0 : i32
      %dma_wait3A_145 = arith.constant 0 : i32
      %dma_wait3A_146 = tpu.memref_slice %arg3[%mul3A_143, %dma_wait3A_144, %dma_wait3A_145] : memref<512x256x256xf32, #tpu.memory_space<hbm>> -> memref<4x256x256xf32, #tpu.memory_space<hbm>>
      tpu.wait_dma2 semaphore(%arg18 : memref<!tpu.dma_semaphore, #tpu.memory_space<semaphore_mem>>) src(%arg6 : memref<4x256x256xf32, #tpu.memory_space<vmem_shared>>) dst(%dma_wait3A_146 : memref<4x256x256xf32, #tpu.memory_space<hbm>>)
      %mul3A_147 = arith.constant 64 : i32
      %mul3A_148 = arith.muli %arg0, %mul3A_147 : i32
      %add3A_149 = arith.constant 10 : i32
      %add3A_150 = arith.addi %mul3A_148, %add3A_149 : i32
      %mul3A_151 = arith.constant 4 : i32
      %mul3A_152 = arith.muli %add3A_150, %mul3A_151 : i32
      %dma_start3A_153 = arith.constant 0 : i32
      %dma_start3A_154 = arith.constant 0 : i32
      %dma_start3A_155 = tpu.memref_slice %arg2[%mul3A_152, %dma_start3A_153, %dma_start3A_154] : memref<512x256x256xf32, #tpu.memory_space<hbm>> -> memref<4x256x256xf32, #tpu.memory_space<hbm>>
      tpu.enqueue_dma source(%dma_start3A_155 : memref<4x256x256xf32, #tpu.memory_space<hbm>>) target(%arg6 : memref<4x256x256xf32, #tpu.memory_space<vmem_shared>>) target_semaphore(%arg12 : memref<!tpu.dma_semaphore, #tpu.memory_space<semaphore_mem>>)
      %mul3A_156 = arith.constant 64 : i32
      %mul3A_157 = arith.muli %arg0, %mul3A_156 : i32
      %add3A_158 = arith.constant 8 : i32
      %add3A_159 = arith.addi %mul3A_157, %add3A_158 : i32
      %mul3A_160 = arith.constant 4 : i32
      %mul3A_161 = arith.muli %add3A_159, %mul3A_160 : i32
      %dma_wait3A_162 = arith.constant 0 : i32
      %dma_wait3A_163 = arith.constant 0 : i32
      %dma_wait3A_164 = tpu.memref_slice %arg2[%mul3A_161, %dma_wait3A_162, %dma_wait3A_163] : memref<512x256x256xf32, #tpu.memory_space<hbm>> -> memref<4x256x256xf32, #tpu.memory_space<hbm>>
      tpu.wait_dma2 semaphore(%arg11 : memref<!tpu.dma_semaphore, #tpu.memory_space<semaphore_mem>>) src(%dma_wait3A_164 : memref<4x256x256xf32, #tpu.memory_space<hbm>>) dst(%arg5 : memref<4x256x256xf32, #tpu.memory_space<vmem_shared>>)
      %mul3A_165 = arith.constant 64 : i32
      %mul3A_166 = arith.muli %arg0, %mul3A_165 : i32
      %add3A_167 = arith.constant 8 : i32
      %add3A_168 = arith.addi %mul3A_166, %add3A_167 : i32
      %mul3A_169 = arith.constant 4 : i32
      %mul3A_170 = arith.muli %add3A_168, %mul3A_169 : i32
      %dma_start3A_171 = arith.constant 0 : i32
      %dma_start3A_172 = arith.constant 0 : i32
      %dma_start3A_173 = tpu.memref_slice %arg3[%mul3A_170, %dma_start3A_171, %dma_start3A_172] : memref<512x256x256xf32, #tpu.memory_space<hbm>> -> memref<4x256x256xf32, #tpu.memory_space<hbm>>
      tpu.enqueue_dma source(%arg5 : memref<4x256x256xf32, #tpu.memory_space<vmem_shared>>) target(%dma_start3A_173 : memref<4x256x256xf32, #tpu.memory_space<hbm>>) target_semaphore(%arg17 : memref<!tpu.dma_semaphore, #tpu.memory_space<semaphore_mem>>)
      %mul3A_174 = arith.constant 64 : i32
      %mul3A_175 = arith.muli %arg0, %mul3A_174 : i32
      %add3A_176 = arith.constant 6 : i32
      %add3A_177 = arith.addi %mul3A_175, %add3A_176 : i32
      %mul3A_178 = arith.constant 4 : i32
      %mul3A_179 = arith.muli %add3A_177, %mul3A_178 : i32
      %dma_wait3A_180 = arith.constant 0 : i32
      %dma_wait3A_181 = arith.constant 0 : i32
      %dma_wait3A_182 = tpu.memref_slice %arg3[%mul3A_179, %dma_wait3A_180, %dma_wait3A_181] : memref<512x256x256xf32, #tpu.memory_space<hbm>> -> memref<4x256x256xf32, #tpu.memory_space<hbm>>
      tpu.wait_dma2 semaphore(%arg16 : memref<!tpu.dma_semaphore, #tpu.memory_space<semaphore_mem>>) src(%arg4 : memref<4x256x256xf32, #tpu.memory_space<vmem_shared>>) dst(%dma_wait3A_182 : memref<4x256x256xf32, #tpu.memory_space<hbm>>)
      %mul3A_183 = arith.constant 64 : i32
      %mul3A_184 = arith.muli %arg0, %mul3A_183 : i32
      %add3A_185 = arith.constant 12 : i32
      %add3A_186 = arith.addi %mul3A_184, %add3A_185 : i32
      %mul3A_187 = arith.constant 4 : i32
      %mul3A_188 = arith.muli %add3A_186, %mul3A_187 : i32
      %dma_start3A_189 = arith.constant 0 : i32
      %dma_start3A_190 = arith.constant 0 : i32
      %dma_start3A_191 = tpu.memref_slice %arg2[%mul3A_188, %dma_start3A_189, %dma_start3A_190] : memref<512x256x256xf32, #tpu.memory_space<hbm>> -> memref<4x256x256xf32, #tpu.memory_space<hbm>>
      tpu.enqueue_dma source(%dma_start3A_191 : memref<4x256x256xf32, #tpu.memory_space<hbm>>) target(%arg4 : memref<4x256x256xf32, #tpu.memory_space<vmem_shared>>) target_semaphore(%arg10 : memref<!tpu.dma_semaphore, #tpu.memory_space<semaphore_mem>>)
      %mul3A_192 = arith.constant 64 : i32
      %mul3A_193 = arith.muli %arg0, %mul3A_192 : i32
      %add3A_194 = arith.constant 10 : i32
      %add3A_195 = arith.addi %mul3A_193, %add3A_194 : i32
      %mul3A_196 = arith.constant 4 : i32
      %mul3A_197 = arith.muli %add3A_195, %mul3A_196 : i32
      %dma_wait3A_198 = arith.constant 0 : i32
      %dma_wait3A_199 = arith.constant 0 : i32
      %dma_wait3A_200 = tpu.memref_slice %arg2[%mul3A_197, %dma_wait3A_198, %dma_wait3A_199] : memref<512x256x256xf32, #tpu.memory_space<hbm>> -> memref<4x256x256xf32, #tpu.memory_space<hbm>>
      tpu.wait_dma2 semaphore(%arg12 : memref<!tpu.dma_semaphore, #tpu.memory_space<semaphore_mem>>) src(%dma_wait3A_200 : memref<4x256x256xf32, #tpu.memory_space<hbm>>) dst(%arg6 : memref<4x256x256xf32, #tpu.memory_space<vmem_shared>>)
      %mul3A_201 = arith.constant 64 : i32
      %mul3A_202 = arith.muli %arg0, %mul3A_201 : i32
      %add3A_203 = arith.constant 10 : i32
      %add3A_204 = arith.addi %mul3A_202, %add3A_203 : i32
      %mul3A_205 = arith.constant 4 : i32
      %mul3A_206 = arith.muli %add3A_204, %mul3A_205 : i32
      %dma_start3A_207 = arith.constant 0 : i32
      %dma_start3A_208 = arith.constant 0 : i32
      %dma_start3A_209 = tpu.memref_slice %arg3[%mul3A_206, %dma_start3A_207, %dma_start3A_208] : memref<512x256x256xf32, #tpu.memory_space<hbm>> -> memref<4x256x256xf32, #tpu.memory_space<hbm>>
      tpu.enqueue_dma source(%arg6 : memref<4x256x256xf32, #tpu.memory_space<vmem_shared>>) target(%dma_start3A_209 : memref<4x256x256xf32, #tpu.memory_space<hbm>>) target_semaphore(%arg18 : memref<!tpu.dma_semaphore, #tpu.memory_space<semaphore_mem>>)
      %mul3A_210 = arith.constant 64 : i32
      %mul3A_211 = arith.muli %arg0, %mul3A_210 : i32
      %add3A_212 = arith.constant 8 : i32
      %add3A_213 = arith.addi %mul3A_211, %add3A_212 : i32
      %mul3A_214 = arith.constant 4 : i32
      %mul3A_215 = arith.muli %add3A_213, %mul3A_214 : i32
      %dma_wait3A_216 = arith.constant 0 : i32
      %dma_wait3A_217 = arith.constant 0 : i32
      %dma_wait3A_218 = tpu.memref_slice %arg3[%mul3A_215, %dma_wait3A_216, %dma_wait3A_217] : memref<512x256x256xf32, #tpu.memory_space<hbm>> -> memref<4x256x256xf32, #tpu.memory_space<hbm>>
      tpu.wait_dma2 semaphore(%arg17 : memref<!tpu.dma_semaphore, #tpu.memory_space<semaphore_mem>>) src(%arg5 : memref<4x256x256xf32, #tpu.memory_space<vmem_shared>>) dst(%dma_wait3A_218 : memref<4x256x256xf32, #tpu.memory_space<hbm>>)
      %mul3A_219 = arith.constant 64 : i32
      %mul3A_220 = arith.muli %arg0, %mul3A_219 : i32
      %add3A_221 = arith.constant 14 : i32
      %add3A_222 = arith.addi %mul3A_220, %add3A_221 : i32
      %mul3A_223 = arith.constant 4 : i32
      %mul3A_224 = arith.muli %add3A_222, %mul3A_223 : i32
      %dma_start3A_225 = arith.constant 0 : i32
      %dma_start3A_226 = arith.constant 0 : i32
      %dma_start3A_227 = tpu.memref_slice %arg2[%mul3A_224, %dma_start3A_225, %dma_start3A_226] : memref<512x256x256xf32, #tpu.memory_space<hbm>> -> memref<4x256x256xf32, #tpu.memory_space<hbm>>
      tpu.enqueue_dma source(%dma_start3A_227 : memref<4x256x256xf32, #tpu.memory_space<hbm>>) target(%arg5 : memref<4x256x256xf32, #tpu.memory_space<vmem_shared>>) target_semaphore(%arg11 : memref<!tpu.dma_semaphore, #tpu.memory_space<semaphore_mem>>)
      %mul3A_228 = arith.constant 64 : i32
      %mul3A_229 = arith.muli %arg0, %mul3A_228 : i32
      %add3A_230 = arith.constant 12 : i32
      %add3A_231 = arith.addi %mul3A_229, %add3A_230 : i32
      %mul3A_232 = arith.constant 4 : i32
      %mul3A_233 = arith.muli %add3A_231, %mul3A_232 : i32
      %dma_wait3A_234 = arith.constant 0 : i32
      %dma_wait3A_235 = arith.constant 0 : i32
      %dma_wait3A_236 = tpu.memref_slice %arg2[%mul3A_233, %dma_wait3A_234, %dma_wait3A_235] : memref<512x256x256xf32, #tpu.memory_space<hbm>> -> memref<4x256x256xf32, #tpu.memory_space<hbm>>
      tpu.wait_dma2 semaphore(%arg10 : memref<!tpu.dma_semaphore, #tpu.memory_space<semaphore_mem>>) src(%dma_wait3A_236 : memref<4x256x256xf32, #tpu.memory_space<hbm>>) dst(%arg4 : memref<4x256x256xf32, #tpu.memory_space<vmem_shared>>)
      %mul3A_237 = arith.constant 64 : i32
      %mul3A_238 = arith.muli %arg0, %mul3A_237 : i32
      %add3A_239 = arith.constant 12 : i32
      %add3A_240 = arith.addi %mul3A_238, %add3A_239 : i32
      %mul3A_241 = arith.constant 4 : i32
      %mul3A_242 = arith.muli %add3A_240, %mul3A_241 : i32
      %dma_start3A_243 = arith.constant 0 : i32
      %dma_start3A_244 = arith.constant 0 : i32
      %dma_start3A_245 = tpu.memref_slice %arg3[%mul3A_242, %dma_start3A_243, %dma_start3A_244] : memref<512x256x256xf32, #tpu.memory_space<hbm>> -> memref<4x256x256xf32, #tpu.memory_space<hbm>>
      tpu.enqueue_dma source(%arg4 : memref<4x256x256xf32, #tpu.memory_space<vmem_shared>>) target(%dma_start3A_245 : memref<4x256x256xf32, #tpu.memory_space<hbm>>) target_semaphore(%arg16 : memref<!tpu.dma_semaphore, #tpu.memory_space<semaphore_mem>>)
      %mul3A_246 = arith.constant 64 : i32
      %mul3A_247 = arith.muli %arg0, %mul3A_246 : i32
      %add3A_248 = arith.constant 10 : i32
      %add3A_249 = arith.addi %mul3A_247, %add3A_248 : i32
      %mul3A_250 = arith.constant 4 : i32
      %mul3A_251 = arith.muli %add3A_249, %mul3A_250 : i32
      %dma_wait3A_252 = arith.constant 0 : i32
      %dma_wait3A_253 = arith.constant 0 : i32
      %dma_wait3A_254 = tpu.memref_slice %arg3[%mul3A_251, %dma_wait3A_252, %dma_wait3A_253] : memref<512x256x256xf32, #tpu.memory_space<hbm>> -> memref<4x256x256xf32, #tpu.memory_space<hbm>>
      tpu.wait_dma2 semaphore(%arg18 : memref<!tpu.dma_semaphore, #tpu.memory_space<semaphore_mem>>) src(%arg6 : memref<4x256x256xf32, #tpu.memory_space<vmem_shared>>) dst(%dma_wait3A_254 : memref<4x256x256xf32, #tpu.memory_space<hbm>>)
      %mul3A_255 = arith.constant 64 : i32
      %mul3A_256 = arith.muli %arg0, %mul3A_255 : i32
      %add3A_257 = arith.constant 16 : i32
      %add3A_258 = arith.addi %mul3A_256, %add3A_257 : i32
      %mul3A_259 = arith.constant 4 : i32
      %mul3A_260 = arith.muli %add3A_258, %mul3A_259 : i32
      %dma_start3A_261 = arith.constant 0 : i32
      %dma_start3A_262 = arith.constant 0 : i32
      %dma_start3A_263 = tpu.memref_slice %arg2[%mul3A_260, %dma_start3A_261, %dma_start3A_262] : memref<512x256x256xf32, #tpu.memory_space<hbm>> -> memref<4x256x256xf32, #tpu.memory_space<hbm>>
      tpu.enqueue_dma source(%dma_start3A_263 : memref<4x256x256xf32, #tpu.memory_space<hbm>>) target(%arg6 : memref<4x256x256xf32, #tpu.memory_space<vmem_shared>>) target_semaphore(%arg12 : memref<!tpu.dma_semaphore, #tpu.memory_space<semaphore_mem>>)
      %mul3A_264 = arith.constant 64 : i32
      %mul3A_265 = arith.muli %arg0, %mul3A_264 : i32
      %add3A_266 = arith.constant 14 : i32
      %add3A_267 = arith.addi %mul3A_265, %add3A_266 : i32
      %mul3A_268 = arith.constant 4 : i32
      %mul3A_269 = arith.muli %add3A_267, %mul3A_268 : i32
      %dma_wait3A_270 = arith.constant 0 : i32
      %dma_wait3A_271 = arith.constant 0 : i32
      %dma_wait3A_272 = tpu.memref_slice %arg2[%mul3A_269, %dma_wait3A_270, %dma_wait3A_271] : memref<512x256x256xf32, #tpu.memory_space<hbm>> -> memref<4x256x256xf32, #tpu.memory_space<hbm>>
      tpu.wait_dma2 semaphore(%arg11 : memref<!tpu.dma_semaphore, #tpu.memory_space<semaphore_mem>>) src(%dma_wait3A_272 : memref<4x256x256xf32, #tpu.memory_space<hbm>>) dst(%arg5 : memref<4x256x256xf32, #tpu.memory_space<vmem_shared>>)
      %mul3A_273 = arith.constant 64 : i32
      %mul3A_274 = arith.muli %arg0, %mul3A_273 : i32
      %add3A_275 = arith.constant 14 : i32
      %add3A_276 = arith.addi %mul3A_274, %add3A_275 : i32
      %mul3A_277 = arith.constant 4 : i32
      %mul3A_278 = arith.muli %add3A_276, %mul3A_277 : i32
      %dma_start3A_279 = arith.constant 0 : i32
      %dma_start3A_280 = arith.constant 0 : i32
      %dma_start3A_281 = tpu.memref_slice %arg3[%mul3A_278, %dma_start3A_279, %dma_start3A_280] : memref<512x256x256xf32, #tpu.memory_space<hbm>> -> memref<4x256x256xf32, #tpu.memory_space<hbm>>
      tpu.enqueue_dma source(%arg5 : memref<4x256x256xf32, #tpu.memory_space<vmem_shared>>) target(%dma_start3A_281 : memref<4x256x256xf32, #tpu.memory_space<hbm>>) target_semaphore(%arg17 : memref<!tpu.dma_semaphore, #tpu.memory_space<semaphore_mem>>)
      %mul3A_282 = arith.constant 64 : i32
      %mul3A_283 = arith.muli %arg0, %mul3A_282 : i32
      %add3A_284 = arith.constant 12 : i32
      %add3A_285 = arith.addi %mul3A_283, %add3A_284 : i32
      %mul3A_286 = arith.constant 4 : i32
      %mul3A_287 = arith.muli %add3A_285, %mul3A_286 : i32
      %dma_wait3A_288 = arith.constant 0 : i32
      %dma_wait3A_289 = arith.constant 0 : i32
      %dma_wait3A_290 = tpu.memref_slice %arg3[%mul3A_287, %dma_wait3A_288, %dma_wait3A_289] : memref<512x256x256xf32, #tpu.memory_space<hbm>> -> memref<4x256x256xf32, #tpu.memory_space<hbm>>
      tpu.wait_dma2 semaphore(%arg16 : memref<!tpu.dma_semaphore, #tpu.memory_space<semaphore_mem>>) src(%arg4 : memref<4x256x256xf32, #tpu.memory_space<vmem_shared>>) dst(%dma_wait3A_290 : memref<4x256x256xf32, #tpu.memory_space<hbm>>)
      %mul3A_291 = arith.constant 64 : i32
      %mul3A_292 = arith.muli %arg0, %mul3A_291 : i32
      %add3A_293 = arith.constant 18 : i32
      %add3A_294 = arith.addi %mul3A_292, %add3A_293 : i32
      %mul3A_295 = arith.constant 4 : i32
      %mul3A_296 = arith.muli %add3A_294, %mul3A_295 : i32
      %dma_start3A_297 = arith.constant 0 : i32
      %dma_start3A_298 = arith.constant 0 : i32
      %dma_start3A_299 = tpu.memref_slice %arg2[%mul3A_296, %dma_start3A_297, %dma_start3A_298] : memref<512x256x256xf32, #tpu.memory_space<hbm>> -> memref<4x256x256xf32, #tpu.memory_space<hbm>>
      tpu.enqueue_dma source(%dma_start3A_299 : memref<4x256x256xf32, #tpu.memory_space<hbm>>) target(%arg4 : memref<4x256x256xf32, #tpu.memory_space<vmem_shared>>) target_semaphore(%arg10 : memref<!tpu.dma_semaphore, #tpu.memory_space<semaphore_mem>>)
      %mul3A_300 = arith.constant 64 : i32
      %mul3A_301 = arith.muli %arg0, %mul3A_300 : i32
      %add3A_302 = arith.constant 16 : i32
      %add3A_303 = arith.addi %mul3A_301, %add3A_302 : i32
      %mul3A_304 = arith.constant 4 : i32
      %mul3A_305 = arith.muli %add3A_303, %mul3A_304 : i32
      %dma_wait3A_306 = arith.constant 0 : i32
      %dma_wait3A_307 = arith.constant 0 : i32
      %dma_wait3A_308 = tpu.memref_slice %arg2[%mul3A_305, %dma_wait3A_306, %dma_wait3A_307] : memref<512x256x256xf32, #tpu.memory_space<hbm>> -> memref<4x256x256xf32, #tpu.memory_space<hbm>>
      tpu.wait_dma2 semaphore(%arg12 : memref<!tpu.dma_semaphore, #tpu.memory_space<semaphore_mem>>) src(%dma_wait3A_308 : memref<4x256x256xf32, #tpu.memory_space<hbm>>) dst(%arg6 : memref<4x256x256xf32, #tpu.memory_space<vmem_shared>>)
      %mul3A_309 = arith.constant 64 : i32
      %mul3A_310 = arith.muli %arg0, %mul3A_309 : i32
      %add3A_311 = arith.constant 16 : i32
      %add3A_312 = arith.addi %mul3A_310, %add3A_311 : i32
      %mul3A_313 = arith.constant 4 : i32
      %mul3A_314 = arith.muli %add3A_312, %mul3A_313 : i32
      %dma_start3A_315 = arith.constant 0 : i32
      %dma_start3A_316 = arith.constant 0 : i32
      %dma_start3A_317 = tpu.memref_slice %arg3[%mul3A_314, %dma_start3A_315, %dma_start3A_316] : memref<512x256x256xf32, #tpu.memory_space<hbm>> -> memref<4x256x256xf32, #tpu.memory_space<hbm>>
      tpu.enqueue_dma source(%arg6 : memref<4x256x256xf32, #tpu.memory_space<vmem_shared>>) target(%dma_start3A_317 : memref<4x256x256xf32, #tpu.memory_space<hbm>>) target_semaphore(%arg18 : memref<!tpu.dma_semaphore, #tpu.memory_space<semaphore_mem>>)
      %mul3A_318 = arith.constant 64 : i32
      %mul3A_319 = arith.muli %arg0, %mul3A_318 : i32
      %add3A_320 = arith.constant 14 : i32
      %add3A_321 = arith.addi %mul3A_319, %add3A_320 : i32
      %mul3A_322 = arith.constant 4 : i32
      %mul3A_323 = arith.muli %add3A_321, %mul3A_322 : i32
      %dma_wait3A_324 = arith.constant 0 : i32
      %dma_wait3A_325 = arith.constant 0 : i32
      %dma_wait3A_326 = tpu.memref_slice %arg3[%mul3A_323, %dma_wait3A_324, %dma_wait3A_325] : memref<512x256x256xf32, #tpu.memory_space<hbm>> -> memref<4x256x256xf32, #tpu.memory_space<hbm>>
      tpu.wait_dma2 semaphore(%arg17 : memref<!tpu.dma_semaphore, #tpu.memory_space<semaphore_mem>>) src(%arg5 : memref<4x256x256xf32, #tpu.memory_space<vmem_shared>>) dst(%dma_wait3A_326 : memref<4x256x256xf32, #tpu.memory_space<hbm>>)
      %mul3A_327 = arith.constant 64 : i32
      %mul3A_328 = arith.muli %arg0, %mul3A_327 : i32
      %add3A_329 = arith.constant 20 : i32
      %add3A_330 = arith.addi %mul3A_328, %add3A_329 : i32
      %mul3A_331 = arith.constant 4 : i32
      %mul3A_332 = arith.muli %add3A_330, %mul3A_331 : i32
      %dma_start3A_333 = arith.constant 0 : i32
      %dma_start3A_334 = arith.constant 0 : i32
      %dma_start3A_335 = tpu.memref_slice %arg2[%mul3A_332, %dma_start3A_333, %dma_start3A_334] : memref<512x256x256xf32, #tpu.memory_space<hbm>> -> memref<4x256x256xf32, #tpu.memory_space<hbm>>
      tpu.enqueue_dma source(%dma_start3A_335 : memref<4x256x256xf32, #tpu.memory_space<hbm>>) target(%arg5 : memref<4x256x256xf32, #tpu.memory_space<vmem_shared>>) target_semaphore(%arg11 : memref<!tpu.dma_semaphore, #tpu.memory_space<semaphore_mem>>)
      %mul3A_336 = arith.constant 64 : i32
      %mul3A_337 = arith.muli %arg0, %mul3A_336 : i32
      %add3A_338 = arith.constant 18 : i32
      %add3A_339 = arith.addi %mul3A_337, %add3A_338 : i32
      %mul3A_340 = arith.constant 4 : i32
      %mul3A_341 = arith.muli %add3A_339, %mul3A_340 : i32
      %dma_wait3A_342 = arith.constant 0 : i32
      %dma_wait3A_343 = arith.constant 0 : i32
      %dma_wait3A_344 = tpu.memref_slice %arg2[%mul3A_341, %dma_wait3A_342, %dma_wait3A_343] : memref<512x256x256xf32, #tpu.memory_space<hbm>> -> memref<4x256x256xf32, #tpu.memory_space<hbm>>
      tpu.wait_dma2 semaphore(%arg10 : memref<!tpu.dma_semaphore, #tpu.memory_space<semaphore_mem>>) src(%dma_wait3A_344 : memref<4x256x256xf32, #tpu.memory_space<hbm>>) dst(%arg4 : memref<4x256x256xf32, #tpu.memory_space<vmem_shared>>)
      %mul3A_345 = arith.constant 64 : i32
      %mul3A_346 = arith.muli %arg0, %mul3A_345 : i32
      %add3A_347 = arith.constant 18 : i32
      %add3A_348 = arith.addi %mul3A_346, %add3A_347 : i32
      %mul3A_349 = arith.constant 4 : i32
      %mul3A_350 = arith.muli %add3A_348, %mul3A_349 : i32
      %dma_start3A_351 = arith.constant 0 : i32
      %dma_start3A_352 = arith.constant 0 : i32
      %dma_start3A_353 = tpu.memref_slice %arg3[%mul3A_350, %dma_start3A_351, %dma_start3A_352] : memref<512x256x256xf32, #tpu.memory_space<hbm>> -> memref<4x256x256xf32, #tpu.memory_space<hbm>>
      tpu.enqueue_dma source(%arg4 : memref<4x256x256xf32, #tpu.memory_space<vmem_shared>>) target(%dma_start3A_353 : memref<4x256x256xf32, #tpu.memory_space<hbm>>) target_semaphore(%arg16 : memref<!tpu.dma_semaphore, #tpu.memory_space<semaphore_mem>>)
      %mul3A_354 = arith.constant 64 : i32
      %mul3A_355 = arith.muli %arg0, %mul3A_354 : i32
      %add3A_356 = arith.constant 16 : i32
      %add3A_357 = arith.addi %mul3A_355, %add3A_356 : i32
      %mul3A_358 = arith.constant 4 : i32
      %mul3A_359 = arith.muli %add3A_357, %mul3A_358 : i32
      %dma_wait3A_360 = arith.constant 0 : i32
      %dma_wait3A_361 = arith.constant 0 : i32
      %dma_wait3A_362 = tpu.memref_slice %arg3[%mul3A_359, %dma_wait3A_360, %dma_wait3A_361] : memref<512x256x256xf32, #tpu.memory_space<hbm>> -> memref<4x256x256xf32, #tpu.memory_space<hbm>>
      tpu.wait_dma2 semaphore(%arg18 : memref<!tpu.dma_semaphore, #tpu.memory_space<semaphore_mem>>) src(%arg6 : memref<4x256x256xf32, #tpu.memory_space<vmem_shared>>) dst(%dma_wait3A_362 : memref<4x256x256xf32, #tpu.memory_space<hbm>>)
      %mul3A_363 = arith.constant 64 : i32
      %mul3A_364 = arith.muli %arg0, %mul3A_363 : i32
      %add3A_365 = arith.constant 22 : i32
      %add3A_366 = arith.addi %mul3A_364, %add3A_365 : i32
      %mul3A_367 = arith.constant 4 : i32
      %mul3A_368 = arith.muli %add3A_366, %mul3A_367 : i32
      %dma_start3A_369 = arith.constant 0 : i32
      %dma_start3A_370 = arith.constant 0 : i32
      %dma_start3A_371 = tpu.memref_slice %arg2[%mul3A_368, %dma_start3A_369, %dma_start3A_370] : memref<512x256x256xf32, #tpu.memory_space<hbm>> -> memref<4x256x256xf32, #tpu.memory_space<hbm>>
      tpu.enqueue_dma source(%dma_start3A_371 : memref<4x256x256xf32, #tpu.memory_space<hbm>>) target(%arg6 : memref<4x256x256xf32, #tpu.memory_space<vmem_shared>>) target_semaphore(%arg12 : memref<!tpu.dma_semaphore, #tpu.memory_space<semaphore_mem>>)
      %mul3A_372 = arith.constant 64 : i32
      %mul3A_373 = arith.muli %arg0, %mul3A_372 : i32
      %add3A_374 = arith.constant 20 : i32
      %add3A_375 = arith.addi %mul3A_373, %add3A_374 : i32
      %mul3A_376 = arith.constant 4 : i32
      %mul3A_377 = arith.muli %add3A_375, %mul3A_376 : i32
      %dma_wait3A_378 = arith.constant 0 : i32
      %dma_wait3A_379 = arith.constant 0 : i32
      %dma_wait3A_380 = tpu.memref_slice %arg2[%mul3A_377, %dma_wait3A_378, %dma_wait3A_379] : memref<512x256x256xf32, #tpu.memory_space<hbm>> -> memref<4x256x256xf32, #tpu.memory_space<hbm>>
      tpu.wait_dma2 semaphore(%arg11 : memref<!tpu.dma_semaphore, #tpu.memory_space<semaphore_mem>>) src(%dma_wait3A_380 : memref<4x256x256xf32, #tpu.memory_space<hbm>>) dst(%arg5 : memref<4x256x256xf32, #tpu.memory_space<vmem_shared>>)
      %mul3A_381 = arith.constant 64 : i32
      %mul3A_382 = arith.muli %arg0, %mul3A_381 : i32
      %add3A_383 = arith.constant 20 : i32
      %add3A_384 = arith.addi %mul3A_382, %add3A_383 : i32
      %mul3A_385 = arith.constant 4 : i32
      %mul3A_386 = arith.muli %add3A_384, %mul3A_385 : i32
      %dma_start3A_387 = arith.constant 0 : i32
      %dma_start3A_388 = arith.constant 0 : i32
      %dma_start3A_389 = tpu.memref_slice %arg3[%mul3A_386, %dma_start3A_387, %dma_start3A_388] : memref<512x256x256xf32, #tpu.memory_space<hbm>> -> memref<4x256x256xf32, #tpu.memory_space<hbm>>
      tpu.enqueue_dma source(%arg5 : memref<4x256x256xf32, #tpu.memory_space<vmem_shared>>) target(%dma_start3A_389 : memref<4x256x256xf32, #tpu.memory_space<hbm>>) target_semaphore(%arg17 : memref<!tpu.dma_semaphore, #tpu.memory_space<semaphore_mem>>)
      %mul3A_390 = arith.constant 64 : i32
      %mul3A_391 = arith.muli %arg0, %mul3A_390 : i32
      %add3A_392 = arith.constant 18 : i32
      %add3A_393 = arith.addi %mul3A_391, %add3A_392 : i32
      %mul3A_394 = arith.constant 4 : i32
      %mul3A_395 = arith.muli %add3A_393, %mul3A_394 : i32
      %dma_wait3A_396 = arith.constant 0 : i32
      %dma_wait3A_397 = arith.constant 0 : i32
      %dma_wait3A_398 = tpu.memref_slice %arg3[%mul3A_395, %dma_wait3A_396, %dma_wait3A_397] : memref<512x256x256xf32, #tpu.memory_space<hbm>> -> memref<4x256x256xf32, #tpu.memory_space<hbm>>
      tpu.wait_dma2 semaphore(%arg16 : memref<!tpu.dma_semaphore, #tpu.memory_space<semaphore_mem>>) src(%arg4 : memref<4x256x256xf32, #tpu.memory_space<vmem_shared>>) dst(%dma_wait3A_398 : memref<4x256x256xf32, #tpu.memory_space<hbm>>)
      %mul3A_399 = arith.constant 64 : i32
      %mul3A_400 = arith.muli %arg0, %mul3A_399 : i32
      %add3A_401 = arith.constant 24 : i32
      %add3A_402 = arith.addi %mul3A_400, %add3A_401 : i32
      %mul3A_403 = arith.constant 4 : i32
      %mul3A_404 = arith.muli %add3A_402, %mul3A_403 : i32
      %dma_start3A_405 = arith.constant 0 : i32
      %dma_start3A_406 = arith.constant 0 : i32
      %dma_start3A_407 = tpu.memref_slice %arg2[%mul3A_404, %dma_start3A_405, %dma_start3A_406] : memref<512x256x256xf32, #tpu.memory_space<hbm>> -> memref<4x256x256xf32, #tpu.memory_space<hbm>>
      tpu.enqueue_dma source(%dma_start3A_407 : memref<4x256x256xf32, #tpu.memory_space<hbm>>) target(%arg4 : memref<4x256x256xf32, #tpu.memory_space<vmem_shared>>) target_semaphore(%arg10 : memref<!tpu.dma_semaphore, #tpu.memory_space<semaphore_mem>>)
      %mul3A_408 = arith.constant 64 : i32
      %mul3A_409 = arith.muli %arg0, %mul3A_408 : i32
      %add3A_410 = arith.constant 22 : i32
      %add3A_411 = arith.addi %mul3A_409, %add3A_410 : i32
      %mul3A_412 = arith.constant 4 : i32
      %mul3A_413 = arith.muli %add3A_411, %mul3A_412 : i32
      %dma_wait3A_414 = arith.constant 0 : i32
      %dma_wait3A_415 = arith.constant 0 : i32
      %dma_wait3A_416 = tpu.memref_slice %arg2[%mul3A_413, %dma_wait3A_414, %dma_wait3A_415] : memref<512x256x256xf32, #tpu.memory_space<hbm>> -> memref<4x256x256xf32, #tpu.memory_space<hbm>>
      tpu.wait_dma2 semaphore(%arg12 : memref<!tpu.dma_semaphore, #tpu.memory_space<semaphore_mem>>) src(%dma_wait3A_416 : memref<4x256x256xf32, #tpu.memory_space<hbm>>) dst(%arg6 : memref<4x256x256xf32, #tpu.memory_space<vmem_shared>>)
      %mul3A_417 = arith.constant 64 : i32
      %mul3A_418 = arith.muli %arg0, %mul3A_417 : i32
      %add3A_419 = arith.constant 22 : i32
      %add3A_420 = arith.addi %mul3A_418, %add3A_419 : i32
      %mul3A_421 = arith.constant 4 : i32
      %mul3A_422 = arith.muli %add3A_420, %mul3A_421 : i32
      %dma_start3A_423 = arith.constant 0 : i32
      %dma_start3A_424 = arith.constant 0 : i32
      %dma_start3A_425 = tpu.memref_slice %arg3[%mul3A_422, %dma_start3A_423, %dma_start3A_424] : memref<512x256x256xf32, #tpu.memory_space<hbm>> -> memref<4x256x256xf32, #tpu.memory_space<hbm>>
      tpu.enqueue_dma source(%arg6 : memref<4x256x256xf32, #tpu.memory_space<vmem_shared>>) target(%dma_start3A_425 : memref<4x256x256xf32, #tpu.memory_space<hbm>>) target_semaphore(%arg18 : memref<!tpu.dma_semaphore, #tpu.memory_space<semaphore_mem>>)
      %mul3A_426 = arith.constant 64 : i32
      %mul3A_427 = arith.muli %arg0, %mul3A_426 : i32
      %add3A_428 = arith.constant 20 : i32
      %add3A_429 = arith.addi %mul3A_427, %add3A_428 : i32
      %mul3A_430 = arith.constant 4 : i32
      %mul3A_431 = arith.muli %add3A_429, %mul3A_430 : i32
      %dma_wait3A_432 = arith.constant 0 : i32
      %dma_wait3A_433 = arith.constant 0 : i32
      %dma_wait3A_434 = tpu.memref_slice %arg3[%mul3A_431, %dma_wait3A_432, %dma_wait3A_433] : memref<512x256x256xf32, #tpu.memory_space<hbm>> -> memref<4x256x256xf32, #tpu.memory_space<hbm>>
      tpu.wait_dma2 semaphore(%arg17 : memref<!tpu.dma_semaphore, #tpu.memory_space<semaphore_mem>>) src(%arg5 : memref<4x256x256xf32, #tpu.memory_space<vmem_shared>>) dst(%dma_wait3A_434 : memref<4x256x256xf32, #tpu.memory_space<hbm>>)
      %mul3A_435 = arith.constant 64 : i32
      %mul3A_436 = arith.muli %arg0, %mul3A_435 : i32
      %add3A_437 = arith.constant 26 : i32
      %add3A_438 = arith.addi %mul3A_436, %add3A_437 : i32
      %mul3A_439 = arith.constant 4 : i32
      %mul3A_440 = arith.muli %add3A_438, %mul3A_439 : i32
      %dma_start3A_441 = arith.constant 0 : i32
      %dma_start3A_442 = arith.constant 0 : i32
      %dma_start3A_443 = tpu.memref_slice %arg2[%mul3A_440, %dma_start3A_441, %dma_start3A_442] : memref<512x256x256xf32, #tpu.memory_space<hbm>> -> memref<4x256x256xf32, #tpu.memory_space<hbm>>
      tpu.enqueue_dma source(%dma_start3A_443 : memref<4x256x256xf32, #tpu.memory_space<hbm>>) target(%arg5 : memref<4x256x256xf32, #tpu.memory_space<vmem_shared>>) target_semaphore(%arg11 : memref<!tpu.dma_semaphore, #tpu.memory_space<semaphore_mem>>)
      %mul3A_444 = arith.constant 64 : i32
      %mul3A_445 = arith.muli %arg0, %mul3A_444 : i32
      %add3A_446 = arith.constant 24 : i32
      %add3A_447 = arith.addi %mul3A_445, %add3A_446 : i32
      %mul3A_448 = arith.constant 4 : i32
      %mul3A_449 = arith.muli %add3A_447, %mul3A_448 : i32
      %dma_wait3A_450 = arith.constant 0 : i32
      %dma_wait3A_451 = arith.constant 0 : i32
      %dma_wait3A_452 = tpu.memref_slice %arg2[%mul3A_449, %dma_wait3A_450, %dma_wait3A_451] : memref<512x256x256xf32, #tpu.memory_space<hbm>> -> memref<4x256x256xf32, #tpu.memory_space<hbm>>
      tpu.wait_dma2 semaphore(%arg10 : memref<!tpu.dma_semaphore, #tpu.memory_space<semaphore_mem>>) src(%dma_wait3A_452 : memref<4x256x256xf32, #tpu.memory_space<hbm>>) dst(%arg4 : memref<4x256x256xf32, #tpu.memory_space<vmem_shared>>)
      %mul3A_453 = arith.constant 64 : i32
      %mul3A_454 = arith.muli %arg0, %mul3A_453 : i32
      %add3A_455 = arith.constant 24 : i32
      %add3A_456 = arith.addi %mul3A_454, %add3A_455 : i32
      %mul3A_457 = arith.constant 4 : i32
      %mul3A_458 = arith.muli %add3A_456, %mul3A_457 : i32
      %dma_start3A_459 = arith.constant 0 : i32
      %dma_start3A_460 = arith.constant 0 : i32
      %dma_start3A_461 = tpu.memref_slice %arg3[%mul3A_458, %dma_start3A_459, %dma_start3A_460] : memref<512x256x256xf32, #tpu.memory_space<hbm>> -> memref<4x256x256xf32, #tpu.memory_space<hbm>>
      tpu.enqueue_dma source(%arg4 : memref<4x256x256xf32, #tpu.memory_space<vmem_shared>>) target(%dma_start3A_461 : memref<4x256x256xf32, #tpu.memory_space<hbm>>) target_semaphore(%arg16 : memref<!tpu.dma_semaphore, #tpu.memory_space<semaphore_mem>>)
      %mul3A_462 = arith.constant 64 : i32
      %mul3A_463 = arith.muli %arg0, %mul3A_462 : i32
      %add3A_464 = arith.constant 22 : i32
      %add3A_465 = arith.addi %mul3A_463, %add3A_464 : i32
      %mul3A_466 = arith.constant 4 : i32
      %mul3A_467 = arith.muli %add3A_465, %mul3A_466 : i32
      %dma_wait3A_468 = arith.constant 0 : i32
      %dma_wait3A_469 = arith.constant 0 : i32
      %dma_wait3A_470 = tpu.memref_slice %arg3[%mul3A_467, %dma_wait3A_468, %dma_wait3A_469] : memref<512x256x256xf32, #tpu.memory_space<hbm>> -> memref<4x256x256xf32, #tpu.memory_space<hbm>>
      tpu.wait_dma2 semaphore(%arg18 : memref<!tpu.dma_semaphore, #tpu.memory_space<semaphore_mem>>) src(%arg6 : memref<4x256x256xf32, #tpu.memory_space<vmem_shared>>) dst(%dma_wait3A_470 : memref<4x256x256xf32, #tpu.memory_space<hbm>>)
      %mul3A_471 = arith.constant 64 : i32
      %mul3A_472 = arith.muli %arg0, %mul3A_471 : i32
      %add3A_473 = arith.constant 28 : i32
      %add3A_474 = arith.addi %mul3A_472, %add3A_473 : i32
      %mul3A_475 = arith.constant 4 : i32
      %mul3A_476 = arith.muli %add3A_474, %mul3A_475 : i32
      %dma_start3A_477 = arith.constant 0 : i32
      %dma_start3A_478 = arith.constant 0 : i32
      %dma_start3A_479 = tpu.memref_slice %arg2[%mul3A_476, %dma_start3A_477, %dma_start3A_478] : memref<512x256x256xf32, #tpu.memory_space<hbm>> -> memref<4x256x256xf32, #tpu.memory_space<hbm>>
      tpu.enqueue_dma source(%dma_start3A_479 : memref<4x256x256xf32, #tpu.memory_space<hbm>>) target(%arg6 : memref<4x256x256xf32, #tpu.memory_space<vmem_shared>>) target_semaphore(%arg12 : memref<!tpu.dma_semaphore, #tpu.memory_space<semaphore_mem>>)
      %mul3A_480 = arith.constant 64 : i32
      %mul3A_481 = arith.muli %arg0, %mul3A_480 : i32
      %add3A_482 = arith.constant 26 : i32
      %add3A_483 = arith.addi %mul3A_481, %add3A_482 : i32
      %mul3A_484 = arith.constant 4 : i32
      %mul3A_485 = arith.muli %add3A_483, %mul3A_484 : i32
      %dma_wait3A_486 = arith.constant 0 : i32
      %dma_wait3A_487 = arith.constant 0 : i32
      %dma_wait3A_488 = tpu.memref_slice %arg2[%mul3A_485, %dma_wait3A_486, %dma_wait3A_487] : memref<512x256x256xf32, #tpu.memory_space<hbm>> -> memref<4x256x256xf32, #tpu.memory_space<hbm>>
      tpu.wait_dma2 semaphore(%arg11 : memref<!tpu.dma_semaphore, #tpu.memory_space<semaphore_mem>>) src(%dma_wait3A_488 : memref<4x256x256xf32, #tpu.memory_space<hbm>>) dst(%arg5 : memref<4x256x256xf32, #tpu.memory_space<vmem_shared>>)
      %mul3A_489 = arith.constant 64 : i32
      %mul3A_490 = arith.muli %arg0, %mul3A_489 : i32
      %add3A_491 = arith.constant 26 : i32
      %add3A_492 = arith.addi %mul3A_490, %add3A_491 : i32
      %mul3A_493 = arith.constant 4 : i32
      %mul3A_494 = arith.muli %add3A_492, %mul3A_493 : i32
      %dma_start3A_495 = arith.constant 0 : i32
      %dma_start3A_496 = arith.constant 0 : i32
      %dma_start3A_497 = tpu.memref_slice %arg3[%mul3A_494, %dma_start3A_495, %dma_start3A_496] : memref<512x256x256xf32, #tpu.memory_space<hbm>> -> memref<4x256x256xf32, #tpu.memory_space<hbm>>
      tpu.enqueue_dma source(%arg5 : memref<4x256x256xf32, #tpu.memory_space<vmem_shared>>) target(%dma_start3A_497 : memref<4x256x256xf32, #tpu.memory_space<hbm>>) target_semaphore(%arg17 : memref<!tpu.dma_semaphore, #tpu.memory_space<semaphore_mem>>)
      %mul3A_498 = arith.constant 64 : i32
      %mul3A_499 = arith.muli %arg0, %mul3A_498 : i32
      %add3A_500 = arith.constant 24 : i32
      %add3A_501 = arith.addi %mul3A_499, %add3A_500 : i32
      %mul3A_502 = arith.constant 4 : i32
      %mul3A_503 = arith.muli %add3A_501, %mul3A_502 : i32
      %dma_wait3A_504 = arith.constant 0 : i32
      %dma_wait3A_505 = arith.constant 0 : i32
      %dma_wait3A_506 = tpu.memref_slice %arg3[%mul3A_503, %dma_wait3A_504, %dma_wait3A_505] : memref<512x256x256xf32, #tpu.memory_space<hbm>> -> memref<4x256x256xf32, #tpu.memory_space<hbm>>
      tpu.wait_dma2 semaphore(%arg16 : memref<!tpu.dma_semaphore, #tpu.memory_space<semaphore_mem>>) src(%arg4 : memref<4x256x256xf32, #tpu.memory_space<vmem_shared>>) dst(%dma_wait3A_506 : memref<4x256x256xf32, #tpu.memory_space<hbm>>)
      %mul3A_507 = arith.constant 64 : i32
      %mul3A_508 = arith.muli %arg0, %mul3A_507 : i32
      %add3A_509 = arith.constant 30 : i32
      %add3A_510 = arith.addi %mul3A_508, %add3A_509 : i32
      %mul3A_511 = arith.constant 4 : i32
      %mul3A_512 = arith.muli %add3A_510, %mul3A_511 : i32
      %dma_start3A_513 = arith.constant 0 : i32
      %dma_start3A_514 = arith.constant 0 : i32
      %dma_start3A_515 = tpu.memref_slice %arg2[%mul3A_512, %dma_start3A_513, %dma_start3A_514] : memref<512x256x256xf32, #tpu.memory_space<hbm>> -> memref<4x256x256xf32, #tpu.memory_space<hbm>>
      tpu.enqueue_dma source(%dma_start3A_515 : memref<4x256x256xf32, #tpu.memory_space<hbm>>) target(%arg4 : memref<4x256x256xf32, #tpu.memory_space<vmem_shared>>) target_semaphore(%arg10 : memref<!tpu.dma_semaphore, #tpu.memory_space<semaphore_mem>>)
      %mul3A_516 = arith.constant 64 : i32
      %mul3A_517 = arith.muli %arg0, %mul3A_516 : i32
      %add3A_518 = arith.constant 28 : i32
      %add3A_519 = arith.addi %mul3A_517, %add3A_518 : i32
      %mul3A_520 = arith.constant 4 : i32
      %mul3A_521 = arith.muli %add3A_519, %mul3A_520 : i32
      %dma_wait3A_522 = arith.constant 0 : i32
      %dma_wait3A_523 = arith.constant 0 : i32
      %dma_wait3A_524 = tpu.memref_slice %arg2[%mul3A_521, %dma_wait3A_522, %dma_wait3A_523] : memref<512x256x256xf32, #tpu.memory_space<hbm>> -> memref<4x256x256xf32, #tpu.memory_space<hbm>>
      tpu.wait_dma2 semaphore(%arg12 : memref<!tpu.dma_semaphore, #tpu.memory_space<semaphore_mem>>) src(%dma_wait3A_524 : memref<4x256x256xf32, #tpu.memory_space<hbm>>) dst(%arg6 : memref<4x256x256xf32, #tpu.memory_space<vmem_shared>>)
      %mul3A_525 = arith.constant 64 : i32
      %mul3A_526 = arith.muli %arg0, %mul3A_525 : i32
      %add3A_527 = arith.constant 28 : i32
      %add3A_528 = arith.addi %mul3A_526, %add3A_527 : i32
      %mul3A_529 = arith.constant 4 : i32
      %mul3A_530 = arith.muli %add3A_528, %mul3A_529 : i32
      %dma_start3A_531 = arith.constant 0 : i32
      %dma_start3A_532 = arith.constant 0 : i32
      %dma_start3A_533 = tpu.memref_slice %arg3[%mul3A_530, %dma_start3A_531, %dma_start3A_532] : memref<512x256x256xf32, #tpu.memory_space<hbm>> -> memref<4x256x256xf32, #tpu.memory_space<hbm>>
      tpu.enqueue_dma source(%arg6 : memref<4x256x256xf32, #tpu.memory_space<vmem_shared>>) target(%dma_start3A_533 : memref<4x256x256xf32, #tpu.memory_space<hbm>>) target_semaphore(%arg18 : memref<!tpu.dma_semaphore, #tpu.memory_space<semaphore_mem>>)
      %mul3A_534 = arith.constant 64 : i32
      %mul3A_535 = arith.muli %arg0, %mul3A_534 : i32
      %add3A_536 = arith.constant 26 : i32
      %add3A_537 = arith.addi %mul3A_535, %add3A_536 : i32
      %mul3A_538 = arith.constant 4 : i32
      %mul3A_539 = arith.muli %add3A_537, %mul3A_538 : i32
      %dma_wait3A_540 = arith.constant 0 : i32
      %dma_wait3A_541 = arith.constant 0 : i32
      %dma_wait3A_542 = tpu.memref_slice %arg3[%mul3A_539, %dma_wait3A_540, %dma_wait3A_541] : memref<512x256x256xf32, #tpu.memory_space<hbm>> -> memref<4x256x256xf32, #tpu.memory_space<hbm>>
      tpu.wait_dma2 semaphore(%arg17 : memref<!tpu.dma_semaphore, #tpu.memory_space<semaphore_mem>>) src(%arg5 : memref<4x256x256xf32, #tpu.memory_space<vmem_shared>>) dst(%dma_wait3A_542 : memref<4x256x256xf32, #tpu.memory_space<hbm>>)
      %mul3A_543 = arith.constant 64 : i32
      %mul3A_544 = arith.muli %arg0, %mul3A_543 : i32
      %add3A_545 = arith.constant 32 : i32
      %add3A_546 = arith.addi %mul3A_544, %add3A_545 : i32
      %mul3A_547 = arith.constant 4 : i32
      %mul3A_548 = arith.muli %add3A_546, %mul3A_547 : i32
      %dma_start3A_549 = arith.constant 0 : i32
      %dma_start3A_550 = arith.constant 0 : i32
      %dma_start3A_551 = tpu.memref_slice %arg2[%mul3A_548, %dma_start3A_549, %dma_start3A_550] : memref<512x256x256xf32, #tpu.memory_space<hbm>> -> memref<4x256x256xf32, #tpu.memory_space<hbm>>
      tpu.enqueue_dma source(%dma_start3A_551 : memref<4x256x256xf32, #tpu.memory_space<hbm>>) target(%arg5 : memref<4x256x256xf32, #tpu.memory_space<vmem_shared>>) target_semaphore(%arg11 : memref<!tpu.dma_semaphore, #tpu.memory_space<semaphore_mem>>)
      %mul3A_552 = arith.constant 64 : i32
      %mul3A_553 = arith.muli %arg0, %mul3A_552 : i32
      %add3A_554 = arith.constant 30 : i32
      %add3A_555 = arith.addi %mul3A_553, %add3A_554 : i32
      %mul3A_556 = arith.constant 4 : i32
      %mul3A_557 = arith.muli %add3A_555, %mul3A_556 : i32
      %dma_wait3A_558 = arith.constant 0 : i32
      %dma_wait3A_559 = arith.constant 0 : i32
      %dma_wait3A_560 = tpu.memref_slice %arg2[%mul3A_557, %dma_wait3A_558, %dma_wait3A_559] : memref<512x256x256xf32, #tpu.memory_space<hbm>> -> memref<4x256x256xf32, #tpu.memory_space<hbm>>
      tpu.wait_dma2 semaphore(%arg10 : memref<!tpu.dma_semaphore, #tpu.memory_space<semaphore_mem>>) src(%dma_wait3A_560 : memref<4x256x256xf32, #tpu.memory_space<hbm>>) dst(%arg4 : memref<4x256x256xf32, #tpu.memory_space<vmem_shared>>)
      %mul3A_561 = arith.constant 64 : i32
      %mul3A_562 = arith.muli %arg0, %mul3A_561 : i32
      %add3A_563 = arith.constant 30 : i32
      %add3A_564 = arith.addi %mul3A_562, %add3A_563 : i32
      %mul3A_565 = arith.constant 4 : i32
      %mul3A_566 = arith.muli %add3A_564, %mul3A_565 : i32
      %dma_start3A_567 = arith.constant 0 : i32
      %dma_start3A_568 = arith.constant 0 : i32
      %dma_start3A_569 = tpu.memref_slice %arg3[%mul3A_566, %dma_start3A_567, %dma_start3A_568] : memref<512x256x256xf32, #tpu.memory_space<hbm>> -> memref<4x256x256xf32, #tpu.memory_space<hbm>>
      tpu.enqueue_dma source(%arg4 : memref<4x256x256xf32, #tpu.memory_space<vmem_shared>>) target(%dma_start3A_569 : memref<4x256x256xf32, #tpu.memory_space<hbm>>) target_semaphore(%arg16 : memref<!tpu.dma_semaphore, #tpu.memory_space<semaphore_mem>>)
      %mul3A_570 = arith.constant 64 : i32
      %mul3A_571 = arith.muli %arg0, %mul3A_570 : i32
      %add3A_572 = arith.constant 28 : i32
      %add3A_573 = arith.addi %mul3A_571, %add3A_572 : i32
      %mul3A_574 = arith.constant 4 : i32
      %mul3A_575 = arith.muli %add3A_573, %mul3A_574 : i32
      %dma_wait3A_576 = arith.constant 0 : i32
      %dma_wait3A_577 = arith.constant 0 : i32
      %dma_wait3A_578 = tpu.memref_slice %arg3[%mul3A_575, %dma_wait3A_576, %dma_wait3A_577] : memref<512x256x256xf32, #tpu.memory_space<hbm>> -> memref<4x256x256xf32, #tpu.memory_space<hbm>>
      tpu.wait_dma2 semaphore(%arg18 : memref<!tpu.dma_semaphore, #tpu.memory_space<semaphore_mem>>) src(%arg6 : memref<4x256x256xf32, #tpu.memory_space<vmem_shared>>) dst(%dma_wait3A_578 : memref<4x256x256xf32, #tpu.memory_space<hbm>>)
      %mul3A_579 = arith.constant 64 : i32
      %mul3A_580 = arith.muli %arg0, %mul3A_579 : i32
      %add3A_581 = arith.constant 34 : i32
      %add3A_582 = arith.addi %mul3A_580, %add3A_581 : i32
      %mul3A_583 = arith.constant 4 : i32
      %mul3A_584 = arith.muli %add3A_582, %mul3A_583 : i32
      %dma_start3A_585 = arith.constant 0 : i32
      %dma_start3A_586 = arith.constant 0 : i32
      %dma_start3A_587 = tpu.memref_slice %arg2[%mul3A_584, %dma_start3A_585, %dma_start3A_586] : memref<512x256x256xf32, #tpu.memory_space<hbm>> -> memref<4x256x256xf32, #tpu.memory_space<hbm>>
      tpu.enqueue_dma source(%dma_start3A_587 : memref<4x256x256xf32, #tpu.memory_space<hbm>>) target(%arg6 : memref<4x256x256xf32, #tpu.memory_space<vmem_shared>>) target_semaphore(%arg12 : memref<!tpu.dma_semaphore, #tpu.memory_space<semaphore_mem>>)
      %mul3A_588 = arith.constant 64 : i32
      %mul3A_589 = arith.muli %arg0, %mul3A_588 : i32
      %add3A_590 = arith.constant 32 : i32
      %add3A_591 = arith.addi %mul3A_589, %add3A_590 : i32
      %mul3A_592 = arith.constant 4 : i32
      %mul3A_593 = arith.muli %add3A_591, %mul3A_592 : i32
      %dma_wait3A_594 = arith.constant 0 : i32
      %dma_wait3A_595 = arith.constant 0 : i32
      %dma_wait3A_596 = tpu.memref_slice %arg2[%mul3A_593, %dma_wait3A_594, %dma_wait3A_595] : memref<512x256x256xf32, #tpu.memory_space<hbm>> -> memref<4x256x256xf32, #tpu.memory_space<hbm>>
      tpu.wait_dma2 semaphore(%arg11 : memref<!tpu.dma_semaphore, #tpu.memory_space<semaphore_mem>>) src(%dma_wait3A_596 : memref<4x256x256xf32, #tpu.memory_space<hbm>>) dst(%arg5 : memref<4x256x256xf32, #tpu.memory_space<vmem_shared>>)
      %mul3A_597 = arith.constant 64 : i32
      %mul3A_598 = arith.muli %arg0, %mul3A_597 : i32
      %add3A_599 = arith.constant 32 : i32
      %add3A_600 = arith.addi %mul3A_598, %add3A_599 : i32
      %mul3A_601 = arith.constant 4 : i32
      %mul3A_602 = arith.muli %add3A_600, %mul3A_601 : i32
      %dma_start3A_603 = arith.constant 0 : i32
      %dma_start3A_604 = arith.constant 0 : i32
      %dma_start3A_605 = tpu.memref_slice %arg3[%mul3A_602, %dma_start3A_603, %dma_start3A_604] : memref<512x256x256xf32, #tpu.memory_space<hbm>> -> memref<4x256x256xf32, #tpu.memory_space<hbm>>
      tpu.enqueue_dma source(%arg5 : memref<4x256x256xf32, #tpu.memory_space<vmem_shared>>) target(%dma_start3A_605 : memref<4x256x256xf32, #tpu.memory_space<hbm>>) target_semaphore(%arg17 : memref<!tpu.dma_semaphore, #tpu.memory_space<semaphore_mem>>)
      %mul3A_606 = arith.constant 64 : i32
      %mul3A_607 = arith.muli %arg0, %mul3A_606 : i32
      %add3A_608 = arith.constant 30 : i32
      %add3A_609 = arith.addi %mul3A_607, %add3A_608 : i32
      %mul3A_610 = arith.constant 4 : i32
      %mul3A_611 = arith.muli %add3A_609, %mul3A_610 : i32
      %dma_wait3A_612 = arith.constant 0 : i32
      %dma_wait3A_613 = arith.constant 0 : i32
      %dma_wait3A_614 = tpu.memref_slice %arg3[%mul3A_611, %dma_wait3A_612, %dma_wait3A_613] : memref<512x256x256xf32, #tpu.memory_space<hbm>> -> memref<4x256x256xf32, #tpu.memory_space<hbm>>
      tpu.wait_dma2 semaphore(%arg16 : memref<!tpu.dma_semaphore, #tpu.memory_space<semaphore_mem>>) src(%arg4 : memref<4x256x256xf32, #tpu.memory_space<vmem_shared>>) dst(%dma_wait3A_614 : memref<4x256x256xf32, #tpu.memory_space<hbm>>)
      %mul3A_615 = arith.constant 64 : i32
      %mul3A_616 = arith.muli %arg0, %mul3A_615 : i32
      %add3A_617 = arith.constant 36 : i32
      %add3A_618 = arith.addi %mul3A_616, %add3A_617 : i32
      %mul3A_619 = arith.constant 4 : i32
      %mul3A_620 = arith.muli %add3A_618, %mul3A_619 : i32
      %dma_start3A_621 = arith.constant 0 : i32
      %dma_start3A_622 = arith.constant 0 : i32
      %dma_start3A_623 = tpu.memref_slice %arg2[%mul3A_620, %dma_start3A_621, %dma_start3A_622] : memref<512x256x256xf32, #tpu.memory_space<hbm>> -> memref<4x256x256xf32, #tpu.memory_space<hbm>>
      tpu.enqueue_dma source(%dma_start3A_623 : memref<4x256x256xf32, #tpu.memory_space<hbm>>) target(%arg4 : memref<4x256x256xf32, #tpu.memory_space<vmem_shared>>) target_semaphore(%arg10 : memref<!tpu.dma_semaphore, #tpu.memory_space<semaphore_mem>>)
      %mul3A_624 = arith.constant 64 : i32
      %mul3A_625 = arith.muli %arg0, %mul3A_624 : i32
      %add3A_626 = arith.constant 34 : i32
      %add3A_627 = arith.addi %mul3A_625, %add3A_626 : i32
      %mul3A_628 = arith.constant 4 : i32
      %mul3A_629 = arith.muli %add3A_627, %mul3A_628 : i32
      %dma_wait3A_630 = arith.constant 0 : i32
      %dma_wait3A_631 = arith.constant 0 : i32
      %dma_wait3A_632 = tpu.memref_slice %arg2[%mul3A_629, %dma_wait3A_630, %dma_wait3A_631] : memref<512x256x256xf32, #tpu.memory_space<hbm>> -> memref<4x256x256xf32, #tpu.memory_space<hbm>>
      tpu.wait_dma2 semaphore(%arg12 : memref<!tpu.dma_semaphore, #tpu.memory_space<semaphore_mem>>) src(%dma_wait3A_632 : memref<4x256x256xf32, #tpu.memory_space<hbm>>) dst(%arg6 : memref<4x256x256xf32, #tpu.memory_space<vmem_shared>>)
      %mul3A_633 = arith.constant 64 : i32
      %mul3A_634 = arith.muli %arg0, %mul3A_633 : i32
      %add3A_635 = arith.constant 34 : i32
      %add3A_636 = arith.addi %mul3A_634, %add3A_635 : i32
      %mul3A_637 = arith.constant 4 : i32
      %mul3A_638 = arith.muli %add3A_636, %mul3A_637 : i32
      %dma_start3A_639 = arith.constant 0 : i32
      %dma_start3A_640 = arith.constant 0 : i32
      %dma_start3A_641 = tpu.memref_slice %arg3[%mul3A_638, %dma_start3A_639, %dma_start3A_640] : memref<512x256x256xf32, #tpu.memory_space<hbm>> -> memref<4x256x256xf32, #tpu.memory_space<hbm>>
      tpu.enqueue_dma source(%arg6 : memref<4x256x256xf32, #tpu.memory_space<vmem_shared>>) target(%dma_start3A_641 : memref<4x256x256xf32, #tpu.memory_space<hbm>>) target_semaphore(%arg18 : memref<!tpu.dma_semaphore, #tpu.memory_space<semaphore_mem>>)
      %mul3A_642 = arith.constant 64 : i32
      %mul3A_643 = arith.muli %arg0, %mul3A_642 : i32
      %add3A_644 = arith.constant 32 : i32
      %add3A_645 = arith.addi %mul3A_643, %add3A_644 : i32
      %mul3A_646 = arith.constant 4 : i32
      %mul3A_647 = arith.muli %add3A_645, %mul3A_646 : i32
      %dma_wait3A_648 = arith.constant 0 : i32
      %dma_wait3A_649 = arith.constant 0 : i32
      %dma_wait3A_650 = tpu.memref_slice %arg3[%mul3A_647, %dma_wait3A_648, %dma_wait3A_649] : memref<512x256x256xf32, #tpu.memory_space<hbm>> -> memref<4x256x256xf32, #tpu.memory_space<hbm>>
      tpu.wait_dma2 semaphore(%arg17 : memref<!tpu.dma_semaphore, #tpu.memory_space<semaphore_mem>>) src(%arg5 : memref<4x256x256xf32, #tpu.memory_space<vmem_shared>>) dst(%dma_wait3A_650 : memref<4x256x256xf32, #tpu.memory_space<hbm>>)
      %mul3A_651 = arith.constant 64 : i32
      %mul3A_652 = arith.muli %arg0, %mul3A_651 : i32
      %add3A_653 = arith.constant 38 : i32
      %add3A_654 = arith.addi %mul3A_652, %add3A_653 : i32
      %mul3A_655 = arith.constant 4 : i32
      %mul3A_656 = arith.muli %add3A_654, %mul3A_655 : i32
      %dma_start3A_657 = arith.constant 0 : i32
      %dma_start3A_658 = arith.constant 0 : i32
      %dma_start3A_659 = tpu.memref_slice %arg2[%mul3A_656, %dma_start3A_657, %dma_start3A_658] : memref<512x256x256xf32, #tpu.memory_space<hbm>> -> memref<4x256x256xf32, #tpu.memory_space<hbm>>
      tpu.enqueue_dma source(%dma_start3A_659 : memref<4x256x256xf32, #tpu.memory_space<hbm>>) target(%arg5 : memref<4x256x256xf32, #tpu.memory_space<vmem_shared>>) target_semaphore(%arg11 : memref<!tpu.dma_semaphore, #tpu.memory_space<semaphore_mem>>)
      %mul3A_660 = arith.constant 64 : i32
      %mul3A_661 = arith.muli %arg0, %mul3A_660 : i32
      %add3A_662 = arith.constant 36 : i32
      %add3A_663 = arith.addi %mul3A_661, %add3A_662 : i32
      %mul3A_664 = arith.constant 4 : i32
      %mul3A_665 = arith.muli %add3A_663, %mul3A_664 : i32
      %dma_wait3A_666 = arith.constant 0 : i32
      %dma_wait3A_667 = arith.constant 0 : i32
      %dma_wait3A_668 = tpu.memref_slice %arg2[%mul3A_665, %dma_wait3A_666, %dma_wait3A_667] : memref<512x256x256xf32, #tpu.memory_space<hbm>> -> memref<4x256x256xf32, #tpu.memory_space<hbm>>
      tpu.wait_dma2 semaphore(%arg10 : memref<!tpu.dma_semaphore, #tpu.memory_space<semaphore_mem>>) src(%dma_wait3A_668 : memref<4x256x256xf32, #tpu.memory_space<hbm>>) dst(%arg4 : memref<4x256x256xf32, #tpu.memory_space<vmem_shared>>)
      %mul3A_669 = arith.constant 64 : i32
      %mul3A_670 = arith.muli %arg0, %mul3A_669 : i32
      %add3A_671 = arith.constant 36 : i32
      %add3A_672 = arith.addi %mul3A_670, %add3A_671 : i32
      %mul3A_673 = arith.constant 4 : i32
      %mul3A_674 = arith.muli %add3A_672, %mul3A_673 : i32
      %dma_start3A_675 = arith.constant 0 : i32
      %dma_start3A_676 = arith.constant 0 : i32
      %dma_start3A_677 = tpu.memref_slice %arg3[%mul3A_674, %dma_start3A_675, %dma_start3A_676] : memref<512x256x256xf32, #tpu.memory_space<hbm>> -> memref<4x256x256xf32, #tpu.memory_space<hbm>>
      tpu.enqueue_dma source(%arg4 : memref<4x256x256xf32, #tpu.memory_space<vmem_shared>>) target(%dma_start3A_677 : memref<4x256x256xf32, #tpu.memory_space<hbm>>) target_semaphore(%arg16 : memref<!tpu.dma_semaphore, #tpu.memory_space<semaphore_mem>>)
      %mul3A_678 = arith.constant 64 : i32
      %mul3A_679 = arith.muli %arg0, %mul3A_678 : i32
      %add3A_680 = arith.constant 34 : i32
      %add3A_681 = arith.addi %mul3A_679, %add3A_680 : i32
      %mul3A_682 = arith.constant 4 : i32
      %mul3A_683 = arith.muli %add3A_681, %mul3A_682 : i32
      %dma_wait3A_684 = arith.constant 0 : i32
      %dma_wait3A_685 = arith.constant 0 : i32
      %dma_wait3A_686 = tpu.memref_slice %arg3[%mul3A_683, %dma_wait3A_684, %dma_wait3A_685] : memref<512x256x256xf32, #tpu.memory_space<hbm>> -> memref<4x256x256xf32, #tpu.memory_space<hbm>>
      tpu.wait_dma2 semaphore(%arg18 : memref<!tpu.dma_semaphore, #tpu.memory_space<semaphore_mem>>) src(%arg6 : memref<4x256x256xf32, #tpu.memory_space<vmem_shared>>) dst(%dma_wait3A_686 : memref<4x256x256xf32, #tpu.memory_space<hbm>>)
      %mul3A_687 = arith.constant 64 : i32
      %mul3A_688 = arith.muli %arg0, %mul3A_687 : i32
      %add3A_689 = arith.constant 40 : i32
      %add3A_690 = arith.addi %mul3A_688, %add3A_689 : i32
      %mul3A_691 = arith.constant 4 : i32
      %mul3A_692 = arith.muli %add3A_690, %mul3A_691 : i32
      %dma_start3A_693 = arith.constant 0 : i32
      %dma_start3A_694 = arith.constant 0 : i32
      %dma_start3A_695 = tpu.memref_slice %arg2[%mul3A_692, %dma_start3A_693, %dma_start3A_694] : memref<512x256x256xf32, #tpu.memory_space<hbm>> -> memref<4x256x256xf32, #tpu.memory_space<hbm>>
      tpu.enqueue_dma source(%dma_start3A_695 : memref<4x256x256xf32, #tpu.memory_space<hbm>>) target(%arg6 : memref<4x256x256xf32, #tpu.memory_space<vmem_shared>>) target_semaphore(%arg12 : memref<!tpu.dma_semaphore, #tpu.memory_space<semaphore_mem>>)
      %mul3A_696 = arith.constant 64 : i32
      %mul3A_697 = arith.muli %arg0, %mul3A_696 : i32
      %add3A_698 = arith.constant 38 : i32
      %add3A_699 = arith.addi %mul3A_697, %add3A_698 : i32
      %mul3A_700 = arith.constant 4 : i32
      %mul3A_701 = arith.muli %add3A_699, %mul3A_700 : i32
      %dma_wait3A_702 = arith.constant 0 : i32
      %dma_wait3A_703 = arith.constant 0 : i32
      %dma_wait3A_704 = tpu.memref_slice %arg2[%mul3A_701, %dma_wait3A_702, %dma_wait3A_703] : memref<512x256x256xf32, #tpu.memory_space<hbm>> -> memref<4x256x256xf32, #tpu.memory_space<hbm>>
      tpu.wait_dma2 semaphore(%arg11 : memref<!tpu.dma_semaphore, #tpu.memory_space<semaphore_mem>>) src(%dma_wait3A_704 : memref<4x256x256xf32, #tpu.memory_space<hbm>>) dst(%arg5 : memref<4x256x256xf32, #tpu.memory_space<vmem_shared>>)
      %mul3A_705 = arith.constant 64 : i32
      %mul3A_706 = arith.muli %arg0, %mul3A_705 : i32
      %add3A_707 = arith.constant 38 : i32
      %add3A_708 = arith.addi %mul3A_706, %add3A_707 : i32
      %mul3A_709 = arith.constant 4 : i32
      %mul3A_710 = arith.muli %add3A_708, %mul3A_709 : i32
      %dma_start3A_711 = arith.constant 0 : i32
      %dma_start3A_712 = arith.constant 0 : i32
      %dma_start3A_713 = tpu.memref_slice %arg3[%mul3A_710, %dma_start3A_711, %dma_start3A_712] : memref<512x256x256xf32, #tpu.memory_space<hbm>> -> memref<4x256x256xf32, #tpu.memory_space<hbm>>
      tpu.enqueue_dma source(%arg5 : memref<4x256x256xf32, #tpu.memory_space<vmem_shared>>) target(%dma_start3A_713 : memref<4x256x256xf32, #tpu.memory_space<hbm>>) target_semaphore(%arg17 : memref<!tpu.dma_semaphore, #tpu.memory_space<semaphore_mem>>)
      %mul3A_714 = arith.constant 64 : i32
      %mul3A_715 = arith.muli %arg0, %mul3A_714 : i32
      %add3A_716 = arith.constant 36 : i32
      %add3A_717 = arith.addi %mul3A_715, %add3A_716 : i32
      %mul3A_718 = arith.constant 4 : i32
      %mul3A_719 = arith.muli %add3A_717, %mul3A_718 : i32
      %dma_wait3A_720 = arith.constant 0 : i32
      %dma_wait3A_721 = arith.constant 0 : i32
      %dma_wait3A_722 = tpu.memref_slice %arg3[%mul3A_719, %dma_wait3A_720, %dma_wait3A_721] : memref<512x256x256xf32, #tpu.memory_space<hbm>> -> memref<4x256x256xf32, #tpu.memory_space<hbm>>
      tpu.wait_dma2 semaphore(%arg16 : memref<!tpu.dma_semaphore, #tpu.memory_space<semaphore_mem>>) src(%arg4 : memref<4x256x256xf32, #tpu.memory_space<vmem_shared>>) dst(%dma_wait3A_722 : memref<4x256x256xf32, #tpu.memory_space<hbm>>)
      %mul3A_723 = arith.constant 64 : i32
      %mul3A_724 = arith.muli %arg0, %mul3A_723 : i32
      %add3A_725 = arith.constant 42 : i32
      %add3A_726 = arith.addi %mul3A_724, %add3A_725 : i32
      %mul3A_727 = arith.constant 4 : i32
      %mul3A_728 = arith.muli %add3A_726, %mul3A_727 : i32
      %dma_start3A_729 = arith.constant 0 : i32
      %dma_start3A_730 = arith.constant 0 : i32
      %dma_start3A_731 = tpu.memref_slice %arg2[%mul3A_728, %dma_start3A_729, %dma_start3A_730] : memref<512x256x256xf32, #tpu.memory_space<hbm>> -> memref<4x256x256xf32, #tpu.memory_space<hbm>>
      tpu.enqueue_dma source(%dma_start3A_731 : memref<4x256x256xf32, #tpu.memory_space<hbm>>) target(%arg4 : memref<4x256x256xf32, #tpu.memory_space<vmem_shared>>) target_semaphore(%arg10 : memref<!tpu.dma_semaphore, #tpu.memory_space<semaphore_mem>>)
      %mul3A_732 = arith.constant 64 : i32
      %mul3A_733 = arith.muli %arg0, %mul3A_732 : i32
      %add3A_734 = arith.constant 40 : i32
      %add3A_735 = arith.addi %mul3A_733, %add3A_734 : i32
      %mul3A_736 = arith.constant 4 : i32
      %mul3A_737 = arith.muli %add3A_735, %mul3A_736 : i32
      %dma_wait3A_738 = arith.constant 0 : i32
      %dma_wait3A_739 = arith.constant 0 : i32
      %dma_wait3A_740 = tpu.memref_slice %arg2[%mul3A_737, %dma_wait3A_738, %dma_wait3A_739] : memref<512x256x256xf32, #tpu.memory_space<hbm>> -> memref<4x256x256xf32, #tpu.memory_space<hbm>>
      tpu.wait_dma2 semaphore(%arg12 : memref<!tpu.dma_semaphore, #tpu.memory_space<semaphore_mem>>) src(%dma_wait3A_740 : memref<4x256x256xf32, #tpu.memory_space<hbm>>) dst(%arg6 : memref<4x256x256xf32, #tpu.memory_space<vmem_shared>>)
      %mul3A_741 = arith.constant 64 : i32
      %mul3A_742 = arith.muli %arg0, %mul3A_741 : i32
      %add3A_743 = arith.constant 40 : i32
      %add3A_744 = arith.addi %mul3A_742, %add3A_743 : i32
      %mul3A_745 = arith.constant 4 : i32
      %mul3A_746 = arith.muli %add3A_744, %mul3A_745 : i32
      %dma_start3A_747 = arith.constant 0 : i32
      %dma_start3A_748 = arith.constant 0 : i32
      %dma_start3A_749 = tpu.memref_slice %arg3[%mul3A_746, %dma_start3A_747, %dma_start3A_748] : memref<512x256x256xf32, #tpu.memory_space<hbm>> -> memref<4x256x256xf32, #tpu.memory_space<hbm>>
      tpu.enqueue_dma source(%arg6 : memref<4x256x256xf32, #tpu.memory_space<vmem_shared>>) target(%dma_start3A_749 : memref<4x256x256xf32, #tpu.memory_space<hbm>>) target_semaphore(%arg18 : memref<!tpu.dma_semaphore, #tpu.memory_space<semaphore_mem>>)
      %mul3A_750 = arith.constant 64 : i32
      %mul3A_751 = arith.muli %arg0, %mul3A_750 : i32
      %add3A_752 = arith.constant 38 : i32
      %add3A_753 = arith.addi %mul3A_751, %add3A_752 : i32
      %mul3A_754 = arith.constant 4 : i32
      %mul3A_755 = arith.muli %add3A_753, %mul3A_754 : i32
      %dma_wait3A_756 = arith.constant 0 : i32
      %dma_wait3A_757 = arith.constant 0 : i32
      %dma_wait3A_758 = tpu.memref_slice %arg3[%mul3A_755, %dma_wait3A_756, %dma_wait3A_757] : memref<512x256x256xf32, #tpu.memory_space<hbm>> -> memref<4x256x256xf32, #tpu.memory_space<hbm>>
      tpu.wait_dma2 semaphore(%arg17 : memref<!tpu.dma_semaphore, #tpu.memory_space<semaphore_mem>>) src(%arg5 : memref<4x256x256xf32, #tpu.memory_space<vmem_shared>>) dst(%dma_wait3A_758 : memref<4x256x256xf32, #tpu.memory_space<hbm>>)
      %mul3A_759 = arith.constant 64 : i32
      %mul3A_760 = arith.muli %arg0, %mul3A_759 : i32
      %add3A_761 = arith.constant 44 : i32
      %add3A_762 = arith.addi %mul3A_760, %add3A_761 : i32
      %mul3A_763 = arith.constant 4 : i32
      %mul3A_764 = arith.muli %add3A_762, %mul3A_763 : i32
      %dma_start3A_765 = arith.constant 0 : i32
      %dma_start3A_766 = arith.constant 0 : i32
      %dma_start3A_767 = tpu.memref_slice %arg2[%mul3A_764, %dma_start3A_765, %dma_start3A_766] : memref<512x256x256xf32, #tpu.memory_space<hbm>> -> memref<4x256x256xf32, #tpu.memory_space<hbm>>
      tpu.enqueue_dma source(%dma_start3A_767 : memref<4x256x256xf32, #tpu.memory_space<hbm>>) target(%arg5 : memref<4x256x256xf32, #tpu.memory_space<vmem_shared>>) target_semaphore(%arg11 : memref<!tpu.dma_semaphore, #tpu.memory_space<semaphore_mem>>)
      %mul3A_768 = arith.constant 64 : i32
      %mul3A_769 = arith.muli %arg0, %mul3A_768 : i32
      %add3A_770 = arith.constant 42 : i32
      %add3A_771 = arith.addi %mul3A_769, %add3A_770 : i32
      %mul3A_772 = arith.constant 4 : i32
      %mul3A_773 = arith.muli %add3A_771, %mul3A_772 : i32
      %dma_wait3A_774 = arith.constant 0 : i32
      %dma_wait3A_775 = arith.constant 0 : i32
      %dma_wait3A_776 = tpu.memref_slice %arg2[%mul3A_773, %dma_wait3A_774, %dma_wait3A_775] : memref<512x256x256xf32, #tpu.memory_space<hbm>> -> memref<4x256x256xf32, #tpu.memory_space<hbm>>
      tpu.wait_dma2 semaphore(%arg10 : memref<!tpu.dma_semaphore, #tpu.memory_space<semaphore_mem>>) src(%dma_wait3A_776 : memref<4x256x256xf32, #tpu.memory_space<hbm>>) dst(%arg4 : memref<4x256x256xf32, #tpu.memory_space<vmem_shared>>)
      %mul3A_777 = arith.constant 64 : i32
      %mul3A_778 = arith.muli %arg0, %mul3A_777 : i32
      %add3A_779 = arith.constant 42 : i32
      %add3A_780 = arith.addi %mul3A_778, %add3A_779 : i32
      %mul3A_781 = arith.constant 4 : i32
      %mul3A_782 = arith.muli %add3A_780, %mul3A_781 : i32
      %dma_start3A_783 = arith.constant 0 : i32
      %dma_start3A_784 = arith.constant 0 : i32
      %dma_start3A_785 = tpu.memref_slice %arg3[%mul3A_782, %dma_start3A_783, %dma_start3A_784] : memref<512x256x256xf32, #tpu.memory_space<hbm>> -> memref<4x256x256xf32, #tpu.memory_space<hbm>>
      tpu.enqueue_dma source(%arg4 : memref<4x256x256xf32, #tpu.memory_space<vmem_shared>>) target(%dma_start3A_785 : memref<4x256x256xf32, #tpu.memory_space<hbm>>) target_semaphore(%arg16 : memref<!tpu.dma_semaphore, #tpu.memory_space<semaphore_mem>>)
      %mul3A_786 = arith.constant 64 : i32
      %mul3A_787 = arith.muli %arg0, %mul3A_786 : i32
      %add3A_788 = arith.constant 40 : i32
      %add3A_789 = arith.addi %mul3A_787, %add3A_788 : i32
      %mul3A_790 = arith.constant 4 : i32
      %mul3A_791 = arith.muli %add3A_789, %mul3A_790 : i32
      %dma_wait3A_792 = arith.constant 0 : i32
      %dma_wait3A_793 = arith.constant 0 : i32
      %dma_wait3A_794 = tpu.memref_slice %arg3[%mul3A_791, %dma_wait3A_792, %dma_wait3A_793] : memref<512x256x256xf32, #tpu.memory_space<hbm>> -> memref<4x256x256xf32, #tpu.memory_space<hbm>>
      tpu.wait_dma2 semaphore(%arg18 : memref<!tpu.dma_semaphore, #tpu.memory_space<semaphore_mem>>) src(%arg6 : memref<4x256x256xf32, #tpu.memory_space<vmem_shared>>) dst(%dma_wait3A_794 : memref<4x256x256xf32, #tpu.memory_space<hbm>>)
      %mul3A_795 = arith.constant 64 : i32
      %mul3A_796 = arith.muli %arg0, %mul3A_795 : i32
      %add3A_797 = arith.constant 46 : i32
      %add3A_798 = arith.addi %mul3A_796, %add3A_797 : i32
      %mul3A_799 = arith.constant 4 : i32
      %mul3A_800 = arith.muli %add3A_798, %mul3A_799 : i32
      %dma_start3A_801 = arith.constant 0 : i32
      %dma_start3A_802 = arith.constant 0 : i32
      %dma_start3A_803 = tpu.memref_slice %arg2[%mul3A_800, %dma_start3A_801, %dma_start3A_802] : memref<512x256x256xf32, #tpu.memory_space<hbm>> -> memref<4x256x256xf32, #tpu.memory_space<hbm>>
      tpu.enqueue_dma source(%dma_start3A_803 : memref<4x256x256xf32, #tpu.memory_space<hbm>>) target(%arg6 : memref<4x256x256xf32, #tpu.memory_space<vmem_shared>>) target_semaphore(%arg12 : memref<!tpu.dma_semaphore, #tpu.memory_space<semaphore_mem>>)
      %mul3A_804 = arith.constant 64 : i32
      %mul3A_805 = arith.muli %arg0, %mul3A_804 : i32
      %add3A_806 = arith.constant 44 : i32
      %add3A_807 = arith.addi %mul3A_805, %add3A_806 : i32
      %mul3A_808 = arith.constant 4 : i32
      %mul3A_809 = arith.muli %add3A_807, %mul3A_808 : i32
      %dma_wait3A_810 = arith.constant 0 : i32
      %dma_wait3A_811 = arith.constant 0 : i32
      %dma_wait3A_812 = tpu.memref_slice %arg2[%mul3A_809, %dma_wait3A_810, %dma_wait3A_811] : memref<512x256x256xf32, #tpu.memory_space<hbm>> -> memref<4x256x256xf32, #tpu.memory_space<hbm>>
      tpu.wait_dma2 semaphore(%arg11 : memref<!tpu.dma_semaphore, #tpu.memory_space<semaphore_mem>>) src(%dma_wait3A_812 : memref<4x256x256xf32, #tpu.memory_space<hbm>>) dst(%arg5 : memref<4x256x256xf32, #tpu.memory_space<vmem_shared>>)
      %mul3A_813 = arith.constant 64 : i32
      %mul3A_814 = arith.muli %arg0, %mul3A_813 : i32
      %add3A_815 = arith.constant 44 : i32
      %add3A_816 = arith.addi %mul3A_814, %add3A_815 : i32
      %mul3A_817 = arith.constant 4 : i32
      %mul3A_818 = arith.muli %add3A_816, %mul3A_817 : i32
      %dma_start3A_819 = arith.constant 0 : i32
      %dma_start3A_820 = arith.constant 0 : i32
      %dma_start3A_821 = tpu.memref_slice %arg3[%mul3A_818, %dma_start3A_819, %dma_start3A_820] : memref<512x256x256xf32, #tpu.memory_space<hbm>> -> memref<4x256x256xf32, #tpu.memory_space<hbm>>
      tpu.enqueue_dma source(%arg5 : memref<4x256x256xf32, #tpu.memory_space<vmem_shared>>) target(%dma_start3A_821 : memref<4x256x256xf32, #tpu.memory_space<hbm>>) target_semaphore(%arg17 : memref<!tpu.dma_semaphore, #tpu.memory_space<semaphore_mem>>)
      %mul3A_822 = arith.constant 64 : i32
      %mul3A_823 = arith.muli %arg0, %mul3A_822 : i32
      %add3A_824 = arith.constant 42 : i32
      %add3A_825 = arith.addi %mul3A_823, %add3A_824 : i32
      %mul3A_826 = arith.constant 4 : i32
      %mul3A_827 = arith.muli %add3A_825, %mul3A_826 : i32
      %dma_wait3A_828 = arith.constant 0 : i32
      %dma_wait3A_829 = arith.constant 0 : i32
      %dma_wait3A_830 = tpu.memref_slice %arg3[%mul3A_827, %dma_wait3A_828, %dma_wait3A_829] : memref<512x256x256xf32, #tpu.memory_space<hbm>> -> memref<4x256x256xf32, #tpu.memory_space<hbm>>
      tpu.wait_dma2 semaphore(%arg16 : memref<!tpu.dma_semaphore, #tpu.memory_space<semaphore_mem>>) src(%arg4 : memref<4x256x256xf32, #tpu.memory_space<vmem_shared>>) dst(%dma_wait3A_830 : memref<4x256x256xf32, #tpu.memory_space<hbm>>)
      %mul3A_831 = arith.constant 64 : i32
      %mul3A_832 = arith.muli %arg0, %mul3A_831 : i32
      %add3A_833 = arith.constant 48 : i32
      %add3A_834 = arith.addi %mul3A_832, %add3A_833 : i32
      %mul3A_835 = arith.constant 4 : i32
      %mul3A_836 = arith.muli %add3A_834, %mul3A_835 : i32
      %dma_start3A_837 = arith.constant 0 : i32
      %dma_start3A_838 = arith.constant 0 : i32
      %dma_start3A_839 = tpu.memref_slice %arg2[%mul3A_836, %dma_start3A_837, %dma_start3A_838] : memref<512x256x256xf32, #tpu.memory_space<hbm>> -> memref<4x256x256xf32, #tpu.memory_space<hbm>>
      tpu.enqueue_dma source(%dma_start3A_839 : memref<4x256x256xf32, #tpu.memory_space<hbm>>) target(%arg4 : memref<4x256x256xf32, #tpu.memory_space<vmem_shared>>) target_semaphore(%arg10 : memref<!tpu.dma_semaphore, #tpu.memory_space<semaphore_mem>>)
      %mul3A_840 = arith.constant 64 : i32
      %mul3A_841 = arith.muli %arg0, %mul3A_840 : i32
      %add3A_842 = arith.constant 46 : i32
      %add3A_843 = arith.addi %mul3A_841, %add3A_842 : i32
      %mul3A_844 = arith.constant 4 : i32
      %mul3A_845 = arith.muli %add3A_843, %mul3A_844 : i32
      %dma_wait3A_846 = arith.constant 0 : i32
      %dma_wait3A_847 = arith.constant 0 : i32
      %dma_wait3A_848 = tpu.memref_slice %arg2[%mul3A_845, %dma_wait3A_846, %dma_wait3A_847] : memref<512x256x256xf32, #tpu.memory_space<hbm>> -> memref<4x256x256xf32, #tpu.memory_space<hbm>>
      tpu.wait_dma2 semaphore(%arg12 : memref<!tpu.dma_semaphore, #tpu.memory_space<semaphore_mem>>) src(%dma_wait3A_848 : memref<4x256x256xf32, #tpu.memory_space<hbm>>) dst(%arg6 : memref<4x256x256xf32, #tpu.memory_space<vmem_shared>>)
      %mul3A_849 = arith.constant 64 : i32
      %mul3A_850 = arith.muli %arg0, %mul3A_849 : i32
      %add3A_851 = arith.constant 46 : i32
      %add3A_852 = arith.addi %mul3A_850, %add3A_851 : i32
      %mul3A_853 = arith.constant 4 : i32
      %mul3A_854 = arith.muli %add3A_852, %mul3A_853 : i32
      %dma_start3A_855 = arith.constant 0 : i32
      %dma_start3A_856 = arith.constant 0 : i32
      %dma_start3A_857 = tpu.memref_slice %arg3[%mul3A_854, %dma_start3A_855, %dma_start3A_856] : memref<512x256x256xf32, #tpu.memory_space<hbm>> -> memref<4x256x256xf32, #tpu.memory_space<hbm>>
      tpu.enqueue_dma source(%arg6 : memref<4x256x256xf32, #tpu.memory_space<vmem_shared>>) target(%dma_start3A_857 : memref<4x256x256xf32, #tpu.memory_space<hbm>>) target_semaphore(%arg18 : memref<!tpu.dma_semaphore, #tpu.memory_space<semaphore_mem>>)
      %mul3A_858 = arith.constant 64 : i32
      %mul3A_859 = arith.muli %arg0, %mul3A_858 : i32
      %add3A_860 = arith.constant 44 : i32
      %add3A_861 = arith.addi %mul3A_859, %add3A_860 : i32
      %mul3A_862 = arith.constant 4 : i32
      %mul3A_863 = arith.muli %add3A_861, %mul3A_862 : i32
      %dma_wait3A_864 = arith.constant 0 : i32
      %dma_wait3A_865 = arith.constant 0 : i32
      %dma_wait3A_866 = tpu.memref_slice %arg3[%mul3A_863, %dma_wait3A_864, %dma_wait3A_865] : memref<512x256x256xf32, #tpu.memory_space<hbm>> -> memref<4x256x256xf32, #tpu.memory_space<hbm>>
      tpu.wait_dma2 semaphore(%arg17 : memref<!tpu.dma_semaphore, #tpu.memory_space<semaphore_mem>>) src(%arg5 : memref<4x256x256xf32, #tpu.memory_space<vmem_shared>>) dst(%dma_wait3A_866 : memref<4x256x256xf32, #tpu.memory_space<hbm>>)
      %mul3A_867 = arith.constant 64 : i32
      %mul3A_868 = arith.muli %arg0, %mul3A_867 : i32
      %add3A_869 = arith.constant 50 : i32
      %add3A_870 = arith.addi %mul3A_868, %add3A_869 : i32
      %mul3A_871 = arith.constant 4 : i32
      %mul3A_872 = arith.muli %add3A_870, %mul3A_871 : i32
      %dma_start3A_873 = arith.constant 0 : i32
      %dma_start3A_874 = arith.constant 0 : i32
      %dma_start3A_875 = tpu.memref_slice %arg2[%mul3A_872, %dma_start3A_873, %dma_start3A_874] : memref<512x256x256xf32, #tpu.memory_space<hbm>> -> memref<4x256x256xf32, #tpu.memory_space<hbm>>
      tpu.enqueue_dma source(%dma_start3A_875 : memref<4x256x256xf32, #tpu.memory_space<hbm>>) target(%arg5 : memref<4x256x256xf32, #tpu.memory_space<vmem_shared>>) target_semaphore(%arg11 : memref<!tpu.dma_semaphore, #tpu.memory_space<semaphore_mem>>)
      %mul3A_876 = arith.constant 64 : i32
      %mul3A_877 = arith.muli %arg0, %mul3A_876 : i32
      %add3A_878 = arith.constant 48 : i32
      %add3A_879 = arith.addi %mul3A_877, %add3A_878 : i32
      %mul3A_880 = arith.constant 4 : i32
      %mul3A_881 = arith.muli %add3A_879, %mul3A_880 : i32
      %dma_wait3A_882 = arith.constant 0 : i32
      %dma_wait3A_883 = arith.constant 0 : i32
      %dma_wait3A_884 = tpu.memref_slice %arg2[%mul3A_881, %dma_wait3A_882, %dma_wait3A_883] : memref<512x256x256xf32, #tpu.memory_space<hbm>> -> memref<4x256x256xf32, #tpu.memory_space<hbm>>
      tpu.wait_dma2 semaphore(%arg10 : memref<!tpu.dma_semaphore, #tpu.memory_space<semaphore_mem>>) src(%dma_wait3A_884 : memref<4x256x256xf32, #tpu.memory_space<hbm>>) dst(%arg4 : memref<4x256x256xf32, #tpu.memory_space<vmem_shared>>)
      %mul3A_885 = arith.constant 64 : i32
      %mul3A_886 = arith.muli %arg0, %mul3A_885 : i32
      %add3A_887 = arith.constant 48 : i32
      %add3A_888 = arith.addi %mul3A_886, %add3A_887 : i32
      %mul3A_889 = arith.constant 4 : i32
      %mul3A_890 = arith.muli %add3A_888, %mul3A_889 : i32
      %dma_start3A_891 = arith.constant 0 : i32
      %dma_start3A_892 = arith.constant 0 : i32
      %dma_start3A_893 = tpu.memref_slice %arg3[%mul3A_890, %dma_start3A_891, %dma_start3A_892] : memref<512x256x256xf32, #tpu.memory_space<hbm>> -> memref<4x256x256xf32, #tpu.memory_space<hbm>>
      tpu.enqueue_dma source(%arg4 : memref<4x256x256xf32, #tpu.memory_space<vmem_shared>>) target(%dma_start3A_893 : memref<4x256x256xf32, #tpu.memory_space<hbm>>) target_semaphore(%arg16 : memref<!tpu.dma_semaphore, #tpu.memory_space<semaphore_mem>>)
      %mul3A_894 = arith.constant 64 : i32
      %mul3A_895 = arith.muli %arg0, %mul3A_894 : i32
      %add3A_896 = arith.constant 46 : i32
      %add3A_897 = arith.addi %mul3A_895, %add3A_896 : i32
      %mul3A_898 = arith.constant 4 : i32
      %mul3A_899 = arith.muli %add3A_897, %mul3A_898 : i32
      %dma_wait3A_900 = arith.constant 0 : i32
      %dma_wait3A_901 = arith.constant 0 : i32
      %dma_wait3A_902 = tpu.memref_slice %arg3[%mul3A_899, %dma_wait3A_900, %dma_wait3A_901] : memref<512x256x256xf32, #tpu.memory_space<hbm>> -> memref<4x256x256xf32, #tpu.memory_space<hbm>>
      tpu.wait_dma2 semaphore(%arg18 : memref<!tpu.dma_semaphore, #tpu.memory_space<semaphore_mem>>) src(%arg6 : memref<4x256x256xf32, #tpu.memory_space<vmem_shared>>) dst(%dma_wait3A_902 : memref<4x256x256xf32, #tpu.memory_space<hbm>>)
      %mul3A_903 = arith.constant 64 : i32
      %mul3A_904 = arith.muli %arg0, %mul3A_903 : i32
      %add3A_905 = arith.constant 52 : i32
      %add3A_906 = arith.addi %mul3A_904, %add3A_905 : i32
      %mul3A_907 = arith.constant 4 : i32
      %mul3A_908 = arith.muli %add3A_906, %mul3A_907 : i32
      %dma_start3A_909 = arith.constant 0 : i32
      %dma_start3A_910 = arith.constant 0 : i32
      %dma_start3A_911 = tpu.memref_slice %arg2[%mul3A_908, %dma_start3A_909, %dma_start3A_910] : memref<512x256x256xf32, #tpu.memory_space<hbm>> -> memref<4x256x256xf32, #tpu.memory_space<hbm>>
      tpu.enqueue_dma source(%dma_start3A_911 : memref<4x256x256xf32, #tpu.memory_space<hbm>>) target(%arg6 : memref<4x256x256xf32, #tpu.memory_space<vmem_shared>>) target_semaphore(%arg12 : memref<!tpu.dma_semaphore, #tpu.memory_space<semaphore_mem>>)
      %mul3A_912 = arith.constant 64 : i32
      %mul3A_913 = arith.muli %arg0, %mul3A_912 : i32
      %add3A_914 = arith.constant 50 : i32
      %add3A_915 = arith.addi %mul3A_913, %add3A_914 : i32
      %mul3A_916 = arith.constant 4 : i32
      %mul3A_917 = arith.muli %add3A_915, %mul3A_916 : i32
      %dma_wait3A_918 = arith.constant 0 : i32
      %dma_wait3A_919 = arith.constant 0 : i32
      %dma_wait3A_920 = tpu.memref_slice %arg2[%mul3A_917, %dma_wait3A_918, %dma_wait3A_919] : memref<512x256x256xf32, #tpu.memory_space<hbm>> -> memref<4x256x256xf32, #tpu.memory_space<hbm>>
      tpu.wait_dma2 semaphore(%arg11 : memref<!tpu.dma_semaphore, #tpu.memory_space<semaphore_mem>>) src(%dma_wait3A_920 : memref<4x256x256xf32, #tpu.memory_space<hbm>>) dst(%arg5 : memref<4x256x256xf32, #tpu.memory_space<vmem_shared>>)
      %mul3A_921 = arith.constant 64 : i32
      %mul3A_922 = arith.muli %arg0, %mul3A_921 : i32
      %add3A_923 = arith.constant 50 : i32
      %add3A_924 = arith.addi %mul3A_922, %add3A_923 : i32
      %mul3A_925 = arith.constant 4 : i32
      %mul3A_926 = arith.muli %add3A_924, %mul3A_925 : i32
      %dma_start3A_927 = arith.constant 0 : i32
      %dma_start3A_928 = arith.constant 0 : i32
      %dma_start3A_929 = tpu.memref_slice %arg3[%mul3A_926, %dma_start3A_927, %dma_start3A_928] : memref<512x256x256xf32, #tpu.memory_space<hbm>> -> memref<4x256x256xf32, #tpu.memory_space<hbm>>
      tpu.enqueue_dma source(%arg5 : memref<4x256x256xf32, #tpu.memory_space<vmem_shared>>) target(%dma_start3A_929 : memref<4x256x256xf32, #tpu.memory_space<hbm>>) target_semaphore(%arg17 : memref<!tpu.dma_semaphore, #tpu.memory_space<semaphore_mem>>)
      %mul3A_930 = arith.constant 64 : i32
      %mul3A_931 = arith.muli %arg0, %mul3A_930 : i32
      %add3A_932 = arith.constant 48 : i32
      %add3A_933 = arith.addi %mul3A_931, %add3A_932 : i32
      %mul3A_934 = arith.constant 4 : i32
      %mul3A_935 = arith.muli %add3A_933, %mul3A_934 : i32
      %dma_wait3A_936 = arith.constant 0 : i32
      %dma_wait3A_937 = arith.constant 0 : i32
      %dma_wait3A_938 = tpu.memref_slice %arg3[%mul3A_935, %dma_wait3A_936, %dma_wait3A_937] : memref<512x256x256xf32, #tpu.memory_space<hbm>> -> memref<4x256x256xf32, #tpu.memory_space<hbm>>
      tpu.wait_dma2 semaphore(%arg16 : memref<!tpu.dma_semaphore, #tpu.memory_space<semaphore_mem>>) src(%arg4 : memref<4x256x256xf32, #tpu.memory_space<vmem_shared>>) dst(%dma_wait3A_938 : memref<4x256x256xf32, #tpu.memory_space<hbm>>)
      %mul3A_939 = arith.constant 64 : i32
      %mul3A_940 = arith.muli %arg0, %mul3A_939 : i32
      %add3A_941 = arith.constant 54 : i32
      %add3A_942 = arith.addi %mul3A_940, %add3A_941 : i32
      %mul3A_943 = arith.constant 4 : i32
      %mul3A_944 = arith.muli %add3A_942, %mul3A_943 : i32
      %dma_start3A_945 = arith.constant 0 : i32
      %dma_start3A_946 = arith.constant 0 : i32
      %dma_start3A_947 = tpu.memref_slice %arg2[%mul3A_944, %dma_start3A_945, %dma_start3A_946] : memref<512x256x256xf32, #tpu.memory_space<hbm>> -> memref<4x256x256xf32, #tpu.memory_space<hbm>>
      tpu.enqueue_dma source(%dma_start3A_947 : memref<4x256x256xf32, #tpu.memory_space<hbm>>) target(%arg4 : memref<4x256x256xf32, #tpu.memory_space<vmem_shared>>) target_semaphore(%arg10 : memref<!tpu.dma_semaphore, #tpu.memory_space<semaphore_mem>>)
      %mul3A_948 = arith.constant 64 : i32
      %mul3A_949 = arith.muli %arg0, %mul3A_948 : i32
      %add3A_950 = arith.constant 52 : i32
      %add3A_951 = arith.addi %mul3A_949, %add3A_950 : i32
      %mul3A_952 = arith.constant 4 : i32
      %mul3A_953 = arith.muli %add3A_951, %mul3A_952 : i32
      %dma_wait3A_954 = arith.constant 0 : i32
      %dma_wait3A_955 = arith.constant 0 : i32
      %dma_wait3A_956 = tpu.memref_slice %arg2[%mul3A_953, %dma_wait3A_954, %dma_wait3A_955] : memref<512x256x256xf32, #tpu.memory_space<hbm>> -> memref<4x256x256xf32, #tpu.memory_space<hbm>>
      tpu.wait_dma2 semaphore(%arg12 : memref<!tpu.dma_semaphore, #tpu.memory_space<semaphore_mem>>) src(%dma_wait3A_956 : memref<4x256x256xf32, #tpu.memory_space<hbm>>) dst(%arg6 : memref<4x256x256xf32, #tpu.memory_space<vmem_shared>>)
      %mul3A_957 = arith.constant 64 : i32
      %mul3A_958 = arith.muli %arg0, %mul3A_957 : i32
      %add3A_959 = arith.constant 52 : i32
      %add3A_960 = arith.addi %mul3A_958, %add3A_959 : i32
      %mul3A_961 = arith.constant 4 : i32
      %mul3A_962 = arith.muli %add3A_960, %mul3A_961 : i32
      %dma_start3A_963 = arith.constant 0 : i32
      %dma_start3A_964 = arith.constant 0 : i32
      %dma_start3A_965 = tpu.memref_slice %arg3[%mul3A_962, %dma_start3A_963, %dma_start3A_964] : memref<512x256x256xf32, #tpu.memory_space<hbm>> -> memref<4x256x256xf32, #tpu.memory_space<hbm>>
      tpu.enqueue_dma source(%arg6 : memref<4x256x256xf32, #tpu.memory_space<vmem_shared>>) target(%dma_start3A_965 : memref<4x256x256xf32, #tpu.memory_space<hbm>>) target_semaphore(%arg18 : memref<!tpu.dma_semaphore, #tpu.memory_space<semaphore_mem>>)
      %mul3A_966 = arith.constant 64 : i32
      %mul3A_967 = arith.muli %arg0, %mul3A_966 : i32
      %add3A_968 = arith.constant 50 : i32
      %add3A_969 = arith.addi %mul3A_967, %add3A_968 : i32
      %mul3A_970 = arith.constant 4 : i32
      %mul3A_971 = arith.muli %add3A_969, %mul3A_970 : i32
      %dma_wait3A_972 = arith.constant 0 : i32
      %dma_wait3A_973 = arith.constant 0 : i32
      %dma_wait3A_974 = tpu.memref_slice %arg3[%mul3A_971, %dma_wait3A_972, %dma_wait3A_973] : memref<512x256x256xf32, #tpu.memory_space<hbm>> -> memref<4x256x256xf32, #tpu.memory_space<hbm>>
      tpu.wait_dma2 semaphore(%arg17 : memref<!tpu.dma_semaphore, #tpu.memory_space<semaphore_mem>>) src(%arg5 : memref<4x256x256xf32, #tpu.memory_space<vmem_shared>>) dst(%dma_wait3A_974 : memref<4x256x256xf32, #tpu.memory_space<hbm>>)
      %mul3A_975 = arith.constant 64 : i32
      %mul3A_976 = arith.muli %arg0, %mul3A_975 : i32
      %add3A_977 = arith.constant 56 : i32
      %add3A_978 = arith.addi %mul3A_976, %add3A_977 : i32
      %mul3A_979 = arith.constant 4 : i32
      %mul3A_980 = arith.muli %add3A_978, %mul3A_979 : i32
      %dma_start3A_981 = arith.constant 0 : i32
      %dma_start3A_982 = arith.constant 0 : i32
      %dma_start3A_983 = tpu.memref_slice %arg2[%mul3A_980, %dma_start3A_981, %dma_start3A_982] : memref<512x256x256xf32, #tpu.memory_space<hbm>> -> memref<4x256x256xf32, #tpu.memory_space<hbm>>
      tpu.enqueue_dma source(%dma_start3A_983 : memref<4x256x256xf32, #tpu.memory_space<hbm>>) target(%arg5 : memref<4x256x256xf32, #tpu.memory_space<vmem_shared>>) target_semaphore(%arg11 : memref<!tpu.dma_semaphore, #tpu.memory_space<semaphore_mem>>)
      %mul3A_984 = arith.constant 64 : i32
      %mul3A_985 = arith.muli %arg0, %mul3A_984 : i32
      %add3A_986 = arith.constant 54 : i32
      %add3A_987 = arith.addi %mul3A_985, %add3A_986 : i32
      %mul3A_988 = arith.constant 4 : i32
      %mul3A_989 = arith.muli %add3A_987, %mul3A_988 : i32
      %dma_wait3A_990 = arith.constant 0 : i32
      %dma_wait3A_991 = arith.constant 0 : i32
      %dma_wait3A_992 = tpu.memref_slice %arg2[%mul3A_989, %dma_wait3A_990, %dma_wait3A_991] : memref<512x256x256xf32, #tpu.memory_space<hbm>> -> memref<4x256x256xf32, #tpu.memory_space<hbm>>
      tpu.wait_dma2 semaphore(%arg10 : memref<!tpu.dma_semaphore, #tpu.memory_space<semaphore_mem>>) src(%dma_wait3A_992 : memref<4x256x256xf32, #tpu.memory_space<hbm>>) dst(%arg4 : memref<4x256x256xf32, #tpu.memory_space<vmem_shared>>)
      %mul3A_993 = arith.constant 64 : i32
      %mul3A_994 = arith.muli %arg0, %mul3A_993 : i32
      %add3A_995 = arith.constant 54 : i32
      %add3A_996 = arith.addi %mul3A_994, %add3A_995 : i32
      %mul3A_997 = arith.constant 4 : i32
      %mul3A_998 = arith.muli %add3A_996, %mul3A_997 : i32
      %dma_start3A_999 = arith.constant 0 : i32
      %dma_start3A_1000 = arith.constant 0 : i32
      %dma_start3A_1001 = tpu.memref_slice %arg3[%mul3A_998, %dma_start3A_999, %dma_start3A_1000] : memref<512x256x256xf32, #tpu.memory_space<hbm>> -> memref<4x256x256xf32, #tpu.memory_space<hbm>>
      tpu.enqueue_dma source(%arg4 : memref<4x256x256xf32, #tpu.memory_space<vmem_shared>>) target(%dma_start3A_1001 : memref<4x256x256xf32, #tpu.memory_space<hbm>>) target_semaphore(%arg16 : memref<!tpu.dma_semaphore, #tpu.memory_space<semaphore_mem>>)
      %mul3A_1002 = arith.constant 64 : i32
      %mul3A_1003 = arith.muli %arg0, %mul3A_1002 : i32
      %add3A_1004 = arith.constant 52 : i32
      %add3A_1005 = arith.addi %mul3A_1003, %add3A_1004 : i32
      %mul3A_1006 = arith.constant 4 : i32
      %mul3A_1007 = arith.muli %add3A_1005, %mul3A_1006 : i32
      %dma_wait3A_1008 = arith.constant 0 : i32
      %dma_wait3A_1009 = arith.constant 0 : i32
      %dma_wait3A_1010 = tpu.memref_slice %arg3[%mul3A_1007, %dma_wait3A_1008, %dma_wait3A_1009] : memref<512x256x256xf32, #tpu.memory_space<hbm>> -> memref<4x256x256xf32, #tpu.memory_space<hbm>>
      tpu.wait_dma2 semaphore(%arg18 : memref<!tpu.dma_semaphore, #tpu.memory_space<semaphore_mem>>) src(%arg6 : memref<4x256x256xf32, #tpu.memory_space<vmem_shared>>) dst(%dma_wait3A_1010 : memref<4x256x256xf32, #tpu.memory_space<hbm>>)
      %mul3A_1011 = arith.constant 64 : i32
      %mul3A_1012 = arith.muli %arg0, %mul3A_1011 : i32
      %add3A_1013 = arith.constant 58 : i32
      %add3A_1014 = arith.addi %mul3A_1012, %add3A_1013 : i32
      %mul3A_1015 = arith.constant 4 : i32
      %mul3A_1016 = arith.muli %add3A_1014, %mul3A_1015 : i32
      %dma_start3A_1017 = arith.constant 0 : i32
      %dma_start3A_1018 = arith.constant 0 : i32
      %dma_start3A_1019 = tpu.memref_slice %arg2[%mul3A_1016, %dma_start3A_1017, %dma_start3A_1018] : memref<512x256x256xf32, #tpu.memory_space<hbm>> -> memref<4x256x256xf32, #tpu.memory_space<hbm>>
      tpu.enqueue_dma source(%dma_start3A_1019 : memref<4x256x256xf32, #tpu.memory_space<hbm>>) target(%arg6 : memref<4x256x256xf32, #tpu.memory_space<vmem_shared>>) target_semaphore(%arg12 : memref<!tpu.dma_semaphore, #tpu.memory_space<semaphore_mem>>)
      %mul3A_1020 = arith.constant 64 : i32
      %mul3A_1021 = arith.muli %arg0, %mul3A_1020 : i32
      %add3A_1022 = arith.constant 56 : i32
      %add3A_1023 = arith.addi %mul3A_1021, %add3A_1022 : i32
      %mul3A_1024 = arith.constant 4 : i32
      %mul3A_1025 = arith.muli %add3A_1023, %mul3A_1024 : i32
      %dma_wait3A_1026 = arith.constant 0 : i32
      %dma_wait3A_1027 = arith.constant 0 : i32
      %dma_wait3A_1028 = tpu.memref_slice %arg2[%mul3A_1025, %dma_wait3A_1026, %dma_wait3A_1027] : memref<512x256x256xf32, #tpu.memory_space<hbm>> -> memref<4x256x256xf32, #tpu.memory_space<hbm>>
      tpu.wait_dma2 semaphore(%arg11 : memref<!tpu.dma_semaphore, #tpu.memory_space<semaphore_mem>>) src(%dma_wait3A_1028 : memref<4x256x256xf32, #tpu.memory_space<hbm>>) dst(%arg5 : memref<4x256x256xf32, #tpu.memory_space<vmem_shared>>)
      %mul3A_1029 = arith.constant 64 : i32
      %mul3A_1030 = arith.muli %arg0, %mul3A_1029 : i32
      %add3A_1031 = arith.constant 56 : i32
      %add3A_1032 = arith.addi %mul3A_1030, %add3A_1031 : i32
      %mul3A_1033 = arith.constant 4 : i32
      %mul3A_1034 = arith.muli %add3A_1032, %mul3A_1033 : i32
      %dma_start3A_1035 = arith.constant 0 : i32
      %dma_start3A_1036 = arith.constant 0 : i32
      %dma_start3A_1037 = tpu.memref_slice %arg3[%mul3A_1034, %dma_start3A_1035, %dma_start3A_1036] : memref<512x256x256xf32, #tpu.memory_space<hbm>> -> memref<4x256x256xf32, #tpu.memory_space<hbm>>
      tpu.enqueue_dma source(%arg5 : memref<4x256x256xf32, #tpu.memory_space<vmem_shared>>) target(%dma_start3A_1037 : memref<4x256x256xf32, #tpu.memory_space<hbm>>) target_semaphore(%arg17 : memref<!tpu.dma_semaphore, #tpu.memory_space<semaphore_mem>>)
      %mul3A_1038 = arith.constant 64 : i32
      %mul3A_1039 = arith.muli %arg0, %mul3A_1038 : i32
      %add3A_1040 = arith.constant 54 : i32
      %add3A_1041 = arith.addi %mul3A_1039, %add3A_1040 : i32
      %mul3A_1042 = arith.constant 4 : i32
      %mul3A_1043 = arith.muli %add3A_1041, %mul3A_1042 : i32
      %dma_wait3A_1044 = arith.constant 0 : i32
      %dma_wait3A_1045 = arith.constant 0 : i32
      %dma_wait3A_1046 = tpu.memref_slice %arg3[%mul3A_1043, %dma_wait3A_1044, %dma_wait3A_1045] : memref<512x256x256xf32, #tpu.memory_space<hbm>> -> memref<4x256x256xf32, #tpu.memory_space<hbm>>
      tpu.wait_dma2 semaphore(%arg16 : memref<!tpu.dma_semaphore, #tpu.memory_space<semaphore_mem>>) src(%arg4 : memref<4x256x256xf32, #tpu.memory_space<vmem_shared>>) dst(%dma_wait3A_1046 : memref<4x256x256xf32, #tpu.memory_space<hbm>>)
      %mul3A_1047 = arith.constant 64 : i32
      %mul3A_1048 = arith.muli %arg0, %mul3A_1047 : i32
      %add3A_1049 = arith.constant 60 : i32
      %add3A_1050 = arith.addi %mul3A_1048, %add3A_1049 : i32
      %mul3A_1051 = arith.constant 4 : i32
      %mul3A_1052 = arith.muli %add3A_1050, %mul3A_1051 : i32
      %dma_start3A_1053 = arith.constant 0 : i32
      %dma_start3A_1054 = arith.constant 0 : i32
      %dma_start3A_1055 = tpu.memref_slice %arg2[%mul3A_1052, %dma_start3A_1053, %dma_start3A_1054] : memref<512x256x256xf32, #tpu.memory_space<hbm>> -> memref<4x256x256xf32, #tpu.memory_space<hbm>>
      tpu.enqueue_dma source(%dma_start3A_1055 : memref<4x256x256xf32, #tpu.memory_space<hbm>>) target(%arg4 : memref<4x256x256xf32, #tpu.memory_space<vmem_shared>>) target_semaphore(%arg10 : memref<!tpu.dma_semaphore, #tpu.memory_space<semaphore_mem>>)
      %mul3A_1056 = arith.constant 64 : i32
      %mul3A_1057 = arith.muli %arg0, %mul3A_1056 : i32
      %add3A_1058 = arith.constant 58 : i32
      %add3A_1059 = arith.addi %mul3A_1057, %add3A_1058 : i32
      %mul3A_1060 = arith.constant 4 : i32
      %mul3A_1061 = arith.muli %add3A_1059, %mul3A_1060 : i32
      %dma_wait3A_1062 = arith.constant 0 : i32
      %dma_wait3A_1063 = arith.constant 0 : i32
      %dma_wait3A_1064 = tpu.memref_slice %arg2[%mul3A_1061, %dma_wait3A_1062, %dma_wait3A_1063] : memref<512x256x256xf32, #tpu.memory_space<hbm>> -> memref<4x256x256xf32, #tpu.memory_space<hbm>>
      tpu.wait_dma2 semaphore(%arg12 : memref<!tpu.dma_semaphore, #tpu.memory_space<semaphore_mem>>) src(%dma_wait3A_1064 : memref<4x256x256xf32, #tpu.memory_space<hbm>>) dst(%arg6 : memref<4x256x256xf32, #tpu.memory_space<vmem_shared>>)
      %mul3A_1065 = arith.constant 64 : i32
      %mul3A_1066 = arith.muli %arg0, %mul3A_1065 : i32
      %add3A_1067 = arith.constant 58 : i32
      %add3A_1068 = arith.addi %mul3A_1066, %add3A_1067 : i32
      %mul3A_1069 = arith.constant 4 : i32
      %mul3A_1070 = arith.muli %add3A_1068, %mul3A_1069 : i32
      %dma_start3A_1071 = arith.constant 0 : i32
      %dma_start3A_1072 = arith.constant 0 : i32
      %dma_start3A_1073 = tpu.memref_slice %arg3[%mul3A_1070, %dma_start3A_1071, %dma_start3A_1072] : memref<512x256x256xf32, #tpu.memory_space<hbm>> -> memref<4x256x256xf32, #tpu.memory_space<hbm>>
      tpu.enqueue_dma source(%arg6 : memref<4x256x256xf32, #tpu.memory_space<vmem_shared>>) target(%dma_start3A_1073 : memref<4x256x256xf32, #tpu.memory_space<hbm>>) target_semaphore(%arg18 : memref<!tpu.dma_semaphore, #tpu.memory_space<semaphore_mem>>)
      %mul3A_1074 = arith.constant 64 : i32
      %mul3A_1075 = arith.muli %arg0, %mul3A_1074 : i32
      %add3A_1076 = arith.constant 56 : i32
      %add3A_1077 = arith.addi %mul3A_1075, %add3A_1076 : i32
      %mul3A_1078 = arith.constant 4 : i32
      %mul3A_1079 = arith.muli %add3A_1077, %mul3A_1078 : i32
      %dma_wait3A_1080 = arith.constant 0 : i32
      %dma_wait3A_1081 = arith.constant 0 : i32
      %dma_wait3A_1082 = tpu.memref_slice %arg3[%mul3A_1079, %dma_wait3A_1080, %dma_wait3A_1081] : memref<512x256x256xf32, #tpu.memory_space<hbm>> -> memref<4x256x256xf32, #tpu.memory_space<hbm>>
      tpu.wait_dma2 semaphore(%arg17 : memref<!tpu.dma_semaphore, #tpu.memory_space<semaphore_mem>>) src(%arg5 : memref<4x256x256xf32, #tpu.memory_space<vmem_shared>>) dst(%dma_wait3A_1082 : memref<4x256x256xf32, #tpu.memory_space<hbm>>)
      %mul3A_1083 = arith.constant 64 : i32
      %mul3A_1084 = arith.muli %arg0, %mul3A_1083 : i32
      %add3A_1085 = arith.constant 62 : i32
      %add3A_1086 = arith.addi %mul3A_1084, %add3A_1085 : i32
      %mul3A_1087 = arith.constant 4 : i32
      %mul3A_1088 = arith.muli %add3A_1086, %mul3A_1087 : i32
      %dma_start3A_1089 = arith.constant 0 : i32
      %dma_start3A_1090 = arith.constant 0 : i32
      %dma_start3A_1091 = tpu.memref_slice %arg2[%mul3A_1088, %dma_start3A_1089, %dma_start3A_1090] : memref<512x256x256xf32, #tpu.memory_space<hbm>> -> memref<4x256x256xf32, #tpu.memory_space<hbm>>
      tpu.enqueue_dma source(%dma_start3A_1091 : memref<4x256x256xf32, #tpu.memory_space<hbm>>) target(%arg5 : memref<4x256x256xf32, #tpu.memory_space<vmem_shared>>) target_semaphore(%arg11 : memref<!tpu.dma_semaphore, #tpu.memory_space<semaphore_mem>>)
      %mul3A_1092 = arith.constant 64 : i32
      %mul3A_1093 = arith.muli %arg0, %mul3A_1092 : i32
      %add3A_1094 = arith.constant 60 : i32
      %add3A_1095 = arith.addi %mul3A_1093, %add3A_1094 : i32
      %mul3A_1096 = arith.constant 4 : i32
      %mul3A_1097 = arith.muli %add3A_1095, %mul3A_1096 : i32
      %dma_wait3A_1098 = arith.constant 0 : i32
      %dma_wait3A_1099 = arith.constant 0 : i32
      %dma_wait3A_1100 = tpu.memref_slice %arg2[%mul3A_1097, %dma_wait3A_1098, %dma_wait3A_1099] : memref<512x256x256xf32, #tpu.memory_space<hbm>> -> memref<4x256x256xf32, #tpu.memory_space<hbm>>
      tpu.wait_dma2 semaphore(%arg10 : memref<!tpu.dma_semaphore, #tpu.memory_space<semaphore_mem>>) src(%dma_wait3A_1100 : memref<4x256x256xf32, #tpu.memory_space<hbm>>) dst(%arg4 : memref<4x256x256xf32, #tpu.memory_space<vmem_shared>>)
      %mul3A_1101 = arith.constant 64 : i32
      %mul3A_1102 = arith.muli %arg0, %mul3A_1101 : i32
      %add3A_1103 = arith.constant 60 : i32
      %add3A_1104 = arith.addi %mul3A_1102, %add3A_1103 : i32
      %mul3A_1105 = arith.constant 4 : i32
      %mul3A_1106 = arith.muli %add3A_1104, %mul3A_1105 : i32
      %dma_start3A_1107 = arith.constant 0 : i32
      %dma_start3A_1108 = arith.constant 0 : i32
      %dma_start3A_1109 = tpu.memref_slice %arg3[%mul3A_1106, %dma_start3A_1107, %dma_start3A_1108] : memref<512x256x256xf32, #tpu.memory_space<hbm>> -> memref<4x256x256xf32, #tpu.memory_space<hbm>>
      tpu.enqueue_dma source(%arg4 : memref<4x256x256xf32, #tpu.memory_space<vmem_shared>>) target(%dma_start3A_1109 : memref<4x256x256xf32, #tpu.memory_space<hbm>>) target_semaphore(%arg16 : memref<!tpu.dma_semaphore, #tpu.memory_space<semaphore_mem>>)
      %mul3A_1110 = arith.constant 64 : i32
      %mul3A_1111 = arith.muli %arg0, %mul3A_1110 : i32
      %add3A_1112 = arith.constant 62 : i32
      %add3A_1113 = arith.addi %mul3A_1111, %add3A_1112 : i32
      %mul3A_1114 = arith.constant 4 : i32
      %mul3A_1115 = arith.muli %add3A_1113, %mul3A_1114 : i32
      %dma_wait3A_1116 = arith.constant 0 : i32
      %dma_wait3A_1117 = arith.constant 0 : i32
      %dma_wait3A_1118 = tpu.memref_slice %arg2[%mul3A_1115, %dma_wait3A_1116, %dma_wait3A_1117] : memref<512x256x256xf32, #tpu.memory_space<hbm>> -> memref<4x256x256xf32, #tpu.memory_space<hbm>>
      tpu.wait_dma2 semaphore(%arg11 : memref<!tpu.dma_semaphore, #tpu.memory_space<semaphore_mem>>) src(%dma_wait3A_1118 : memref<4x256x256xf32, #tpu.memory_space<hbm>>) dst(%arg5 : memref<4x256x256xf32, #tpu.memory_space<vmem_shared>>)
      %mul3A_1119 = arith.constant 64 : i32
      %mul3A_1120 = arith.muli %arg0, %mul3A_1119 : i32
      %add3A_1121 = arith.constant 62 : i32
      %add3A_1122 = arith.addi %mul3A_1120, %add3A_1121 : i32
      %mul3A_1123 = arith.constant 4 : i32
      %mul3A_1124 = arith.muli %add3A_1122, %mul3A_1123 : i32
      %dma_start3A_1125 = arith.constant 0 : i32
      %dma_start3A_1126 = arith.constant 0 : i32
      %dma_start3A_1127 = tpu.memref_slice %arg3[%mul3A_1124, %dma_start3A_1125, %dma_start3A_1126] : memref<512x256x256xf32, #tpu.memory_space<hbm>> -> memref<4x256x256xf32, #tpu.memory_space<hbm>>
      tpu.enqueue_dma source(%arg5 : memref<4x256x256xf32, #tpu.memory_space<vmem_shared>>) target(%dma_start3A_1127 : memref<4x256x256xf32, #tpu.memory_space<hbm>>) target_semaphore(%arg17 : memref<!tpu.dma_semaphore, #tpu.memory_space<semaphore_mem>>)
      %mul3A_1128 = arith.constant 64 : i32
      %mul3A_1129 = arith.muli %arg0, %mul3A_1128 : i32
      %add3A_1130 = arith.constant 58 : i32
      %add3A_1131 = arith.addi %mul3A_1129, %add3A_1130 : i32
      %mul3A_1132 = arith.constant 4 : i32
      %mul3A_1133 = arith.muli %add3A_1131, %mul3A_1132 : i32
      %dma_wait3A_1134 = arith.constant 0 : i32
      %dma_wait3A_1135 = arith.constant 0 : i32
      %dma_wait3A_1136 = tpu.memref_slice %arg3[%mul3A_1133, %dma_wait3A_1134, %dma_wait3A_1135] : memref<512x256x256xf32, #tpu.memory_space<hbm>> -> memref<4x256x256xf32, #tpu.memory_space<hbm>>
      tpu.wait_dma2 semaphore(%arg18 : memref<!tpu.dma_semaphore, #tpu.memory_space<semaphore_mem>>) src(%arg6 : memref<4x256x256xf32, #tpu.memory_space<vmem_shared>>) dst(%dma_wait3A_1136 : memref<4x256x256xf32, #tpu.memory_space<hbm>>)
      %mul3A_1137 = arith.constant 64 : i32
      %mul3A_1138 = arith.muli %arg0, %mul3A_1137 : i32
      %add3A_1139 = arith.constant 60 : i32
      %add3A_1140 = arith.addi %mul3A_1138, %add3A_1139 : i32
      %mul3A_1141 = arith.constant 4 : i32
      %mul3A_1142 = arith.muli %add3A_1140, %mul3A_1141 : i32
      %dma_wait3A_1143 = arith.constant 0 : i32
      %dma_wait3A_1144 = arith.constant 0 : i32
      %dma_wait3A_1145 = tpu.memref_slice %arg3[%mul3A_1142, %dma_wait3A_1143, %dma_wait3A_1144] : memref<512x256x256xf32, #tpu.memory_space<hbm>> -> memref<4x256x256xf32, #tpu.memory_space<hbm>>
      tpu.wait_dma2 semaphore(%arg16 : memref<!tpu.dma_semaphore, #tpu.memory_space<semaphore_mem>>) src(%arg4 : memref<4x256x256xf32, #tpu.memory_space<vmem_shared>>) dst(%dma_wait3A_1145 : memref<4x256x256xf32, #tpu.memory_space<hbm>>)
      %mul3A_1146 = arith.constant 64 : i32
      %mul3A_1147 = arith.muli %arg0, %mul3A_1146 : i32
      %add3A_1148 = arith.constant 62 : i32
      %add3A_1149 = arith.addi %mul3A_1147, %add3A_1148 : i32
      %mul3A_1150 = arith.constant 4 : i32
      %mul3A_1151 = arith.muli %add3A_1149, %mul3A_1150 : i32
      %dma_wait3A_1152 = arith.constant 0 : i32
      %dma_wait3A_1153 = arith.constant 0 : i32
      %dma_wait3A_1154 = tpu.memref_slice %arg3[%mul3A_1151, %dma_wait3A_1152, %dma_wait3A_1153] : memref<512x256x256xf32, #tpu.memory_space<hbm>> -> memref<4x256x256xf32, #tpu.memory_space<hbm>>
      tpu.wait_dma2 semaphore(%arg17 : memref<!tpu.dma_semaphore, #tpu.memory_space<semaphore_mem>>) src(%arg5 : memref<4x256x256xf32, #tpu.memory_space<vmem_shared>>) dst(%dma_wait3A_1154 : memref<4x256x256xf32, #tpu.memory_space<hbm>>)
    } else {
    }
    %eq3A_2 = arith.constant 1 : i32
    %eq3A_3 = arith.cmpi eq, %arg1, %eq3A_2 : i32
    %convert_element_type3A_4 = arith.extui %eq3A_3 : i1 to i32
    %cond3A_5 = arith.constant 0 : i32
    %cond3A_6 = arith.cmpi ne, %convert_element_type3A_4, %cond3A_5 : i32
    scf.if %cond3A_6 {
      %mul3A = arith.constant 64 : i32
      %mul3A_7 = arith.muli %arg0, %mul3A : i32
      %add3A = arith.constant 1 : i32
      %add3A_8 = arith.addi %mul3A_7, %add3A : i32
      %mul3A_9 = arith.constant 4 : i32
      %mul3A_10 = arith.muli %add3A_8, %mul3A_9 : i32
      %dma_start3A = arith.constant 0 : i32
      %dma_start3A_11 = arith.constant 0 : i32
      %dma_start3A_12 = tpu.memref_slice %arg2[%mul3A_10, %dma_start3A, %dma_start3A_11] : memref<512x256x256xf32, #tpu.memory_space<hbm>> -> memref<4x256x256xf32, #tpu.memory_space<hbm>>
      tpu.enqueue_dma source(%dma_start3A_12 : memref<4x256x256xf32, #tpu.memory_space<hbm>>) target(%arg7 : memref<4x256x256xf32, #tpu.memory_space<vmem_shared>>) target_semaphore(%arg13 : memref<!tpu.dma_semaphore, #tpu.memory_space<semaphore_mem>>)
      %mul3A_13 = arith.constant 64 : i32
      %mul3A_14 = arith.muli %arg0, %mul3A_13 : i32
      %add3A_15 = arith.constant 3 : i32
      %add3A_16 = arith.addi %mul3A_14, %add3A_15 : i32
      %mul3A_17 = arith.constant 4 : i32
      %mul3A_18 = arith.muli %add3A_16, %mul3A_17 : i32
      %dma_start3A_19 = arith.constant 0 : i32
      %dma_start3A_20 = arith.constant 0 : i32
      %dma_start3A_21 = tpu.memref_slice %arg2[%mul3A_18, %dma_start3A_19, %dma_start3A_20] : memref<512x256x256xf32, #tpu.memory_space<hbm>> -> memref<4x256x256xf32, #tpu.memory_space<hbm>>
      tpu.enqueue_dma source(%dma_start3A_21 : memref<4x256x256xf32, #tpu.memory_space<hbm>>) target(%arg8 : memref<4x256x256xf32, #tpu.memory_space<vmem_shared>>) target_semaphore(%arg14 : memref<!tpu.dma_semaphore, #tpu.memory_space<semaphore_mem>>)
      %mul3A_22 = arith.constant 64 : i32
      %mul3A_23 = arith.muli %arg0, %mul3A_22 : i32
      %add3A_24 = arith.constant 1 : i32
      %add3A_25 = arith.addi %mul3A_23, %add3A_24 : i32
      %mul3A_26 = arith.constant 4 : i32
      %mul3A_27 = arith.muli %add3A_25, %mul3A_26 : i32
      %dma_wait3A = arith.constant 0 : i32
      %dma_wait3A_28 = arith.constant 0 : i32
      %dma_wait3A_29 = tpu.memref_slice %arg2[%mul3A_27, %dma_wait3A, %dma_wait3A_28] : memref<512x256x256xf32, #tpu.memory_space<hbm>> -> memref<4x256x256xf32, #tpu.memory_space<hbm>>
      tpu.wait_dma2 semaphore(%arg13 : memref<!tpu.dma_semaphore, #tpu.memory_space<semaphore_mem>>) src(%dma_wait3A_29 : memref<4x256x256xf32, #tpu.memory_space<hbm>>) dst(%arg7 : memref<4x256x256xf32, #tpu.memory_space<vmem_shared>>)
      %mul3A_30 = arith.constant 64 : i32
      %mul3A_31 = arith.muli %arg0, %mul3A_30 : i32
      %add3A_32 = arith.constant 1 : i32
      %add3A_33 = arith.addi %mul3A_31, %add3A_32 : i32
      %mul3A_34 = arith.constant 4 : i32
      %mul3A_35 = arith.muli %add3A_33, %mul3A_34 : i32
      %dma_start3A_36 = arith.constant 0 : i32
      %dma_start3A_37 = arith.constant 0 : i32
      %dma_start3A_38 = tpu.memref_slice %arg3[%mul3A_35, %dma_start3A_36, %dma_start3A_37] : memref<512x256x256xf32, #tpu.memory_space<hbm>> -> memref<4x256x256xf32, #tpu.memory_space<hbm>>
      tpu.enqueue_dma source(%arg7 : memref<4x256x256xf32, #tpu.memory_space<vmem_shared>>) target(%dma_start3A_38 : memref<4x256x256xf32, #tpu.memory_space<hbm>>) target_semaphore(%arg19 : memref<!tpu.dma_semaphore, #tpu.memory_space<semaphore_mem>>)
      %mul3A_39 = arith.constant 64 : i32
      %mul3A_40 = arith.muli %arg0, %mul3A_39 : i32
      %add3A_41 = arith.constant 5 : i32
      %add3A_42 = arith.addi %mul3A_40, %add3A_41 : i32
      %mul3A_43 = arith.constant 4 : i32
      %mul3A_44 = arith.muli %add3A_42, %mul3A_43 : i32
      %dma_start3A_45 = arith.constant 0 : i32
      %dma_start3A_46 = arith.constant 0 : i32
      %dma_start3A_47 = tpu.memref_slice %arg2[%mul3A_44, %dma_start3A_45, %dma_start3A_46] : memref<512x256x256xf32, #tpu.memory_space<hbm>> -> memref<4x256x256xf32, #tpu.memory_space<hbm>>
      tpu.enqueue_dma source(%dma_start3A_47 : memref<4x256x256xf32, #tpu.memory_space<hbm>>) target(%arg9 : memref<4x256x256xf32, #tpu.memory_space<vmem_shared>>) target_semaphore(%arg15 : memref<!tpu.dma_semaphore, #tpu.memory_space<semaphore_mem>>)
      %mul3A_48 = arith.constant 64 : i32
      %mul3A_49 = arith.muli %arg0, %mul3A_48 : i32
      %add3A_50 = arith.constant 3 : i32
      %add3A_51 = arith.addi %mul3A_49, %add3A_50 : i32
      %mul3A_52 = arith.constant 4 : i32
      %mul3A_53 = arith.muli %add3A_51, %mul3A_52 : i32
      %dma_wait3A_54 = arith.constant 0 : i32
      %dma_wait3A_55 = arith.constant 0 : i32
      %dma_wait3A_56 = tpu.memref_slice %arg2[%mul3A_53, %dma_wait3A_54, %dma_wait3A_55] : memref<512x256x256xf32, #tpu.memory_space<hbm>> -> memref<4x256x256xf32, #tpu.memory_space<hbm>>
      tpu.wait_dma2 semaphore(%arg14 : memref<!tpu.dma_semaphore, #tpu.memory_space<semaphore_mem>>) src(%dma_wait3A_56 : memref<4x256x256xf32, #tpu.memory_space<hbm>>) dst(%arg8 : memref<4x256x256xf32, #tpu.memory_space<vmem_shared>>)
      %mul3A_57 = arith.constant 64 : i32
      %mul3A_58 = arith.muli %arg0, %mul3A_57 : i32
      %add3A_59 = arith.constant 3 : i32
      %add3A_60 = arith.addi %mul3A_58, %add3A_59 : i32
      %mul3A_61 = arith.constant 4 : i32
      %mul3A_62 = arith.muli %add3A_60, %mul3A_61 : i32
      %dma_start3A_63 = arith.constant 0 : i32
      %dma_start3A_64 = arith.constant 0 : i32
      %dma_start3A_65 = tpu.memref_slice %arg3[%mul3A_62, %dma_start3A_63, %dma_start3A_64] : memref<512x256x256xf32, #tpu.memory_space<hbm>> -> memref<4x256x256xf32, #tpu.memory_space<hbm>>
      tpu.enqueue_dma source(%arg8 : memref<4x256x256xf32, #tpu.memory_space<vmem_shared>>) target(%dma_start3A_65 : memref<4x256x256xf32, #tpu.memory_space<hbm>>) target_semaphore(%arg20 : memref<!tpu.dma_semaphore, #tpu.memory_space<semaphore_mem>>)
      %mul3A_66 = arith.constant 64 : i32
      %mul3A_67 = arith.muli %arg0, %mul3A_66 : i32
      %add3A_68 = arith.constant 1 : i32
      %add3A_69 = arith.addi %mul3A_67, %add3A_68 : i32
      %mul3A_70 = arith.constant 4 : i32
      %mul3A_71 = arith.muli %add3A_69, %mul3A_70 : i32
      %dma_wait3A_72 = arith.constant 0 : i32
      %dma_wait3A_73 = arith.constant 0 : i32
      %dma_wait3A_74 = tpu.memref_slice %arg3[%mul3A_71, %dma_wait3A_72, %dma_wait3A_73] : memref<512x256x256xf32, #tpu.memory_space<hbm>> -> memref<4x256x256xf32, #tpu.memory_space<hbm>>
      tpu.wait_dma2 semaphore(%arg19 : memref<!tpu.dma_semaphore, #tpu.memory_space<semaphore_mem>>) src(%arg7 : memref<4x256x256xf32, #tpu.memory_space<vmem_shared>>) dst(%dma_wait3A_74 : memref<4x256x256xf32, #tpu.memory_space<hbm>>)
      %mul3A_75 = arith.constant 64 : i32
      %mul3A_76 = arith.muli %arg0, %mul3A_75 : i32
      %add3A_77 = arith.constant 7 : i32
      %add3A_78 = arith.addi %mul3A_76, %add3A_77 : i32
      %mul3A_79 = arith.constant 4 : i32
      %mul3A_80 = arith.muli %add3A_78, %mul3A_79 : i32
      %dma_start3A_81 = arith.constant 0 : i32
      %dma_start3A_82 = arith.constant 0 : i32
      %dma_start3A_83 = tpu.memref_slice %arg2[%mul3A_80, %dma_start3A_81, %dma_start3A_82] : memref<512x256x256xf32, #tpu.memory_space<hbm>> -> memref<4x256x256xf32, #tpu.memory_space<hbm>>
      tpu.enqueue_dma source(%dma_start3A_83 : memref<4x256x256xf32, #tpu.memory_space<hbm>>) target(%arg7 : memref<4x256x256xf32, #tpu.memory_space<vmem_shared>>) target_semaphore(%arg13 : memref<!tpu.dma_semaphore, #tpu.memory_space<semaphore_mem>>)
      %mul3A_84 = arith.constant 64 : i32
      %mul3A_85 = arith.muli %arg0, %mul3A_84 : i32
      %add3A_86 = arith.constant 5 : i32
      %add3A_87 = arith.addi %mul3A_85, %add3A_86 : i32
      %mul3A_88 = arith.constant 4 : i32
      %mul3A_89 = arith.muli %add3A_87, %mul3A_88 : i32
      %dma_wait3A_90 = arith.constant 0 : i32
      %dma_wait3A_91 = arith.constant 0 : i32
      %dma_wait3A_92 = tpu.memref_slice %arg2[%mul3A_89, %dma_wait3A_90, %dma_wait3A_91] : memref<512x256x256xf32, #tpu.memory_space<hbm>> -> memref<4x256x256xf32, #tpu.memory_space<hbm>>
      tpu.wait_dma2 semaphore(%arg15 : memref<!tpu.dma_semaphore, #tpu.memory_space<semaphore_mem>>) src(%dma_wait3A_92 : memref<4x256x256xf32, #tpu.memory_space<hbm>>) dst(%arg9 : memref<4x256x256xf32, #tpu.memory_space<vmem_shared>>)
      %mul3A_93 = arith.constant 64 : i32
      %mul3A_94 = arith.muli %arg0, %mul3A_93 : i32
      %add3A_95 = arith.constant 5 : i32
      %add3A_96 = arith.addi %mul3A_94, %add3A_95 : i32
      %mul3A_97 = arith.constant 4 : i32
      %mul3A_98 = arith.muli %add3A_96, %mul3A_97 : i32
      %dma_start3A_99 = arith.constant 0 : i32
      %dma_start3A_100 = arith.constant 0 : i32
      %dma_start3A_101 = tpu.memref_slice %arg3[%mul3A_98, %dma_start3A_99, %dma_start3A_100] : memref<512x256x256xf32, #tpu.memory_space<hbm>> -> memref<4x256x256xf32, #tpu.memory_space<hbm>>
      tpu.enqueue_dma source(%arg9 : memref<4x256x256xf32, #tpu.memory_space<vmem_shared>>) target(%dma_start3A_101 : memref<4x256x256xf32, #tpu.memory_space<hbm>>) target_semaphore(%arg21 : memref<!tpu.dma_semaphore, #tpu.memory_space<semaphore_mem>>)
      %mul3A_102 = arith.constant 64 : i32
      %mul3A_103 = arith.muli %arg0, %mul3A_102 : i32
      %add3A_104 = arith.constant 3 : i32
      %add3A_105 = arith.addi %mul3A_103, %add3A_104 : i32
      %mul3A_106 = arith.constant 4 : i32
      %mul3A_107 = arith.muli %add3A_105, %mul3A_106 : i32
      %dma_wait3A_108 = arith.constant 0 : i32
      %dma_wait3A_109 = arith.constant 0 : i32
      %dma_wait3A_110 = tpu.memref_slice %arg3[%mul3A_107, %dma_wait3A_108, %dma_wait3A_109] : memref<512x256x256xf32, #tpu.memory_space<hbm>> -> memref<4x256x256xf32, #tpu.memory_space<hbm>>
      tpu.wait_dma2 semaphore(%arg20 : memref<!tpu.dma_semaphore, #tpu.memory_space<semaphore_mem>>) src(%arg8 : memref<4x256x256xf32, #tpu.memory_space<vmem_shared>>) dst(%dma_wait3A_110 : memref<4x256x256xf32, #tpu.memory_space<hbm>>)
      %mul3A_111 = arith.constant 64 : i32
      %mul3A_112 = arith.muli %arg0, %mul3A_111 : i32
      %add3A_113 = arith.constant 9 : i32
      %add3A_114 = arith.addi %mul3A_112, %add3A_113 : i32
      %mul3A_115 = arith.constant 4 : i32
      %mul3A_116 = arith.muli %add3A_114, %mul3A_115 : i32
      %dma_start3A_117 = arith.constant 0 : i32
      %dma_start3A_118 = arith.constant 0 : i32
      %dma_start3A_119 = tpu.memref_slice %arg2[%mul3A_116, %dma_start3A_117, %dma_start3A_118] : memref<512x256x256xf32, #tpu.memory_space<hbm>> -> memref<4x256x256xf32, #tpu.memory_space<hbm>>
      tpu.enqueue_dma source(%dma_start3A_119 : memref<4x256x256xf32, #tpu.memory_space<hbm>>) target(%arg8 : memref<4x256x256xf32, #tpu.memory_space<vmem_shared>>) target_semaphore(%arg14 : memref<!tpu.dma_semaphore, #tpu.memory_space<semaphore_mem>>)
      %mul3A_120 = arith.constant 64 : i32
      %mul3A_121 = arith.muli %arg0, %mul3A_120 : i32
      %add3A_122 = arith.constant 7 : i32
      %add3A_123 = arith.addi %mul3A_121, %add3A_122 : i32
      %mul3A_124 = arith.constant 4 : i32
      %mul3A_125 = arith.muli %add3A_123, %mul3A_124 : i32
      %dma_wait3A_126 = arith.constant 0 : i32
      %dma_wait3A_127 = arith.constant 0 : i32
      %dma_wait3A_128 = tpu.memref_slice %arg2[%mul3A_125, %dma_wait3A_126, %dma_wait3A_127] : memref<512x256x256xf32, #tpu.memory_space<hbm>> -> memref<4x256x256xf32, #tpu.memory_space<hbm>>
      tpu.wait_dma2 semaphore(%arg13 : memref<!tpu.dma_semaphore, #tpu.memory_space<semaphore_mem>>) src(%dma_wait3A_128 : memref<4x256x256xf32, #tpu.memory_space<hbm>>) dst(%arg7 : memref<4x256x256xf32, #tpu.memory_space<vmem_shared>>)
      %mul3A_129 = arith.constant 64 : i32
      %mul3A_130 = arith.muli %arg0, %mul3A_129 : i32
      %add3A_131 = arith.constant 7 : i32
      %add3A_132 = arith.addi %mul3A_130, %add3A_131 : i32
      %mul3A_133 = arith.constant 4 : i32
      %mul3A_134 = arith.muli %add3A_132, %mul3A_133 : i32
      %dma_start3A_135 = arith.constant 0 : i32
      %dma_start3A_136 = arith.constant 0 : i32
      %dma_start3A_137 = tpu.memref_slice %arg3[%mul3A_134, %dma_start3A_135, %dma_start3A_136] : memref<512x256x256xf32, #tpu.memory_space<hbm>> -> memref<4x256x256xf32, #tpu.memory_space<hbm>>
      tpu.enqueue_dma source(%arg7 : memref<4x256x256xf32, #tpu.memory_space<vmem_shared>>) target(%dma_start3A_137 : memref<4x256x256xf32, #tpu.memory_space<hbm>>) target_semaphore(%arg19 : memref<!tpu.dma_semaphore, #tpu.memory_space<semaphore_mem>>)
      %mul3A_138 = arith.constant 64 : i32
      %mul3A_139 = arith.muli %arg0, %mul3A_138 : i32
      %add3A_140 = arith.constant 5 : i32
      %add3A_141 = arith.addi %mul3A_139, %add3A_140 : i32
      %mul3A_142 = arith.constant 4 : i32
      %mul3A_143 = arith.muli %add3A_141, %mul3A_142 : i32
      %dma_wait3A_144 = arith.constant 0 : i32
      %dma_wait3A_145 = arith.constant 0 : i32
      %dma_wait3A_146 = tpu.memref_slice %arg3[%mul3A_143, %dma_wait3A_144, %dma_wait3A_145] : memref<512x256x256xf32, #tpu.memory_space<hbm>> -> memref<4x256x256xf32, #tpu.memory_space<hbm>>
      tpu.wait_dma2 semaphore(%arg21 : memref<!tpu.dma_semaphore, #tpu.memory_space<semaphore_mem>>) src(%arg9 : memref<4x256x256xf32, #tpu.memory_space<vmem_shared>>) dst(%dma_wait3A_146 : memref<4x256x256xf32, #tpu.memory_space<hbm>>)
      %mul3A_147 = arith.constant 64 : i32
      %mul3A_148 = arith.muli %arg0, %mul3A_147 : i32
      %add3A_149 = arith.constant 11 : i32
      %add3A_150 = arith.addi %mul3A_148, %add3A_149 : i32
      %mul3A_151 = arith.constant 4 : i32
      %mul3A_152 = arith.muli %add3A_150, %mul3A_151 : i32
      %dma_start3A_153 = arith.constant 0 : i32
      %dma_start3A_154 = arith.constant 0 : i32
      %dma_start3A_155 = tpu.memref_slice %arg2[%mul3A_152, %dma_start3A_153, %dma_start3A_154] : memref<512x256x256xf32, #tpu.memory_space<hbm>> -> memref<4x256x256xf32, #tpu.memory_space<hbm>>
      tpu.enqueue_dma source(%dma_start3A_155 : memref<4x256x256xf32, #tpu.memory_space<hbm>>) target(%arg9 : memref<4x256x256xf32, #tpu.memory_space<vmem_shared>>) target_semaphore(%arg15 : memref<!tpu.dma_semaphore, #tpu.memory_space<semaphore_mem>>)
      %mul3A_156 = arith.constant 64 : i32
      %mul3A_157 = arith.muli %arg0, %mul3A_156 : i32
      %add3A_158 = arith.constant 9 : i32
      %add3A_159 = arith.addi %mul3A_157, %add3A_158 : i32
      %mul3A_160 = arith.constant 4 : i32
      %mul3A_161 = arith.muli %add3A_159, %mul3A_160 : i32
      %dma_wait3A_162 = arith.constant 0 : i32
      %dma_wait3A_163 = arith.constant 0 : i32
      %dma_wait3A_164 = tpu.memref_slice %arg2[%mul3A_161, %dma_wait3A_162, %dma_wait3A_163] : memref<512x256x256xf32, #tpu.memory_space<hbm>> -> memref<4x256x256xf32, #tpu.memory_space<hbm>>
      tpu.wait_dma2 semaphore(%arg14 : memref<!tpu.dma_semaphore, #tpu.memory_space<semaphore_mem>>) src(%dma_wait3A_164 : memref<4x256x256xf32, #tpu.memory_space<hbm>>) dst(%arg8 : memref<4x256x256xf32, #tpu.memory_space<vmem_shared>>)
      %mul3A_165 = arith.constant 64 : i32
      %mul3A_166 = arith.muli %arg0, %mul3A_165 : i32
      %add3A_167 = arith.constant 9 : i32
      %add3A_168 = arith.addi %mul3A_166, %add3A_167 : i32
      %mul3A_169 = arith.constant 4 : i32
      %mul3A_170 = arith.muli %add3A_168, %mul3A_169 : i32
      %dma_start3A_171 = arith.constant 0 : i32
      %dma_start3A_172 = arith.constant 0 : i32
      %dma_start3A_173 = tpu.memref_slice %arg3[%mul3A_170, %dma_start3A_171, %dma_start3A_172] : memref<512x256x256xf32, #tpu.memory_space<hbm>> -> memref<4x256x256xf32, #tpu.memory_space<hbm>>
      tpu.enqueue_dma source(%arg8 : memref<4x256x256xf32, #tpu.memory_space<vmem_shared>>) target(%dma_start3A_173 : memref<4x256x256xf32, #tpu.memory_space<hbm>>) target_semaphore(%arg20 : memref<!tpu.dma_semaphore, #tpu.memory_space<semaphore_mem>>)
      %mul3A_174 = arith.constant 64 : i32
      %mul3A_175 = arith.muli %arg0, %mul3A_174 : i32
      %add3A_176 = arith.constant 7 : i32
      %add3A_177 = arith.addi %mul3A_175, %add3A_176 : i32
      %mul3A_178 = arith.constant 4 : i32
      %mul3A_179 = arith.muli %add3A_177, %mul3A_178 : i32
      %dma_wait3A_180 = arith.constant 0 : i32
      %dma_wait3A_181 = arith.constant 0 : i32
      %dma_wait3A_182 = tpu.memref_slice %arg3[%mul3A_179, %dma_wait3A_180, %dma_wait3A_181] : memref<512x256x256xf32, #tpu.memory_space<hbm>> -> memref<4x256x256xf32, #tpu.memory_space<hbm>>
      tpu.wait_dma2 semaphore(%arg19 : memref<!tpu.dma_semaphore, #tpu.memory_space<semaphore_mem>>) src(%arg7 : memref<4x256x256xf32, #tpu.memory_space<vmem_shared>>) dst(%dma_wait3A_182 : memref<4x256x256xf32, #tpu.memory_space<hbm>>)
      %mul3A_183 = arith.constant 64 : i32
      %mul3A_184 = arith.muli %arg0, %mul3A_183 : i32
      %add3A_185 = arith.constant 13 : i32
      %add3A_186 = arith.addi %mul3A_184, %add3A_185 : i32
      %mul3A_187 = arith.constant 4 : i32
      %mul3A_188 = arith.muli %add3A_186, %mul3A_187 : i32
      %dma_start3A_189 = arith.constant 0 : i32
      %dma_start3A_190 = arith.constant 0 : i32
      %dma_start3A_191 = tpu.memref_slice %arg2[%mul3A_188, %dma_start3A_189, %dma_start3A_190] : memref<512x256x256xf32, #tpu.memory_space<hbm>> -> memref<4x256x256xf32, #tpu.memory_space<hbm>>
      tpu.enqueue_dma source(%dma_start3A_191 : memref<4x256x256xf32, #tpu.memory_space<hbm>>) target(%arg7 : memref<4x256x256xf32, #tpu.memory_space<vmem_shared>>) target_semaphore(%arg13 : memref<!tpu.dma_semaphore, #tpu.memory_space<semaphore_mem>>)
      %mul3A_192 = arith.constant 64 : i32
      %mul3A_193 = arith.muli %arg0, %mul3A_192 : i32
      %add3A_194 = arith.constant 11 : i32
      %add3A_195 = arith.addi %mul3A_193, %add3A_194 : i32
      %mul3A_196 = arith.constant 4 : i32
      %mul3A_197 = arith.muli %add3A_195, %mul3A_196 : i32
      %dma_wait3A_198 = arith.constant 0 : i32
      %dma_wait3A_199 = arith.constant 0 : i32
      %dma_wait3A_200 = tpu.memref_slice %arg2[%mul3A_197, %dma_wait3A_198, %dma_wait3A_199] : memref<512x256x256xf32, #tpu.memory_space<hbm>> -> memref<4x256x256xf32, #tpu.memory_space<hbm>>
      tpu.wait_dma2 semaphore(%arg15 : memref<!tpu.dma_semaphore, #tpu.memory_space<semaphore_mem>>) src(%dma_wait3A_200 : memref<4x256x256xf32, #tpu.memory_space<hbm>>) dst(%arg9 : memref<4x256x256xf32, #tpu.memory_space<vmem_shared>>)
      %mul3A_201 = arith.constant 64 : i32
      %mul3A_202 = arith.muli %arg0, %mul3A_201 : i32
      %add3A_203 = arith.constant 11 : i32
      %add3A_204 = arith.addi %mul3A_202, %add3A_203 : i32
      %mul3A_205 = arith.constant 4 : i32
      %mul3A_206 = arith.muli %add3A_204, %mul3A_205 : i32
      %dma_start3A_207 = arith.constant 0 : i32
      %dma_start3A_208 = arith.constant 0 : i32
      %dma_start3A_209 = tpu.memref_slice %arg3[%mul3A_206, %dma_start3A_207, %dma_start3A_208] : memref<512x256x256xf32, #tpu.memory_space<hbm>> -> memref<4x256x256xf32, #tpu.memory_space<hbm>>
      tpu.enqueue_dma source(%arg9 : memref<4x256x256xf32, #tpu.memory_space<vmem_shared>>) target(%dma_start3A_209 : memref<4x256x256xf32, #tpu.memory_space<hbm>>) target_semaphore(%arg21 : memref<!tpu.dma_semaphore, #tpu.memory_space<semaphore_mem>>)
      %mul3A_210 = arith.constant 64 : i32
      %mul3A_211 = arith.muli %arg0, %mul3A_210 : i32
      %add3A_212 = arith.constant 9 : i32
      %add3A_213 = arith.addi %mul3A_211, %add3A_212 : i32
      %mul3A_214 = arith.constant 4 : i32
      %mul3A_215 = arith.muli %add3A_213, %mul3A_214 : i32
      %dma_wait3A_216 = arith.constant 0 : i32
      %dma_wait3A_217 = arith.constant 0 : i32
      %dma_wait3A_218 = tpu.memref_slice %arg3[%mul3A_215, %dma_wait3A_216, %dma_wait3A_217] : memref<512x256x256xf32, #tpu.memory_space<hbm>> -> memref<4x256x256xf32, #tpu.memory_space<hbm>>
      tpu.wait_dma2 semaphore(%arg20 : memref<!tpu.dma_semaphore, #tpu.memory_space<semaphore_mem>>) src(%arg8 : memref<4x256x256xf32, #tpu.memory_space<vmem_shared>>) dst(%dma_wait3A_218 : memref<4x256x256xf32, #tpu.memory_space<hbm>>)
      %mul3A_219 = arith.constant 64 : i32
      %mul3A_220 = arith.muli %arg0, %mul3A_219 : i32
      %add3A_221 = arith.constant 15 : i32
      %add3A_222 = arith.addi %mul3A_220, %add3A_221 : i32
      %mul3A_223 = arith.constant 4 : i32
      %mul3A_224 = arith.muli %add3A_222, %mul3A_223 : i32
      %dma_start3A_225 = arith.constant 0 : i32
      %dma_start3A_226 = arith.constant 0 : i32
      %dma_start3A_227 = tpu.memref_slice %arg2[%mul3A_224, %dma_start3A_225, %dma_start3A_226] : memref<512x256x256xf32, #tpu.memory_space<hbm>> -> memref<4x256x256xf32, #tpu.memory_space<hbm>>
      tpu.enqueue_dma source(%dma_start3A_227 : memref<4x256x256xf32, #tpu.memory_space<hbm>>) target(%arg8 : memref<4x256x256xf32, #tpu.memory_space<vmem_shared>>) target_semaphore(%arg14 : memref<!tpu.dma_semaphore, #tpu.memory_space<semaphore_mem>>)
      %mul3A_228 = arith.constant 64 : i32
      %mul3A_229 = arith.muli %arg0, %mul3A_228 : i32
      %add3A_230 = arith.constant 13 : i32
      %add3A_231 = arith.addi %mul3A_229, %add3A_230 : i32
      %mul3A_232 = arith.constant 4 : i32
      %mul3A_233 = arith.muli %add3A_231, %mul3A_232 : i32
      %dma_wait3A_234 = arith.constant 0 : i32
      %dma_wait3A_235 = arith.constant 0 : i32
      %dma_wait3A_236 = tpu.memref_slice %arg2[%mul3A_233, %dma_wait3A_234, %dma_wait3A_235] : memref<512x256x256xf32, #tpu.memory_space<hbm>> -> memref<4x256x256xf32, #tpu.memory_space<hbm>>
      tpu.wait_dma2 semaphore(%arg13 : memref<!tpu.dma_semaphore, #tpu.memory_space<semaphore_mem>>) src(%dma_wait3A_236 : memref<4x256x256xf32, #tpu.memory_space<hbm>>) dst(%arg7 : memref<4x256x256xf32, #tpu.memory_space<vmem_shared>>)
      %mul3A_237 = arith.constant 64 : i32
      %mul3A_238 = arith.muli %arg0, %mul3A_237 : i32
      %add3A_239 = arith.constant 13 : i32
      %add3A_240 = arith.addi %mul3A_238, %add3A_239 : i32
      %mul3A_241 = arith.constant 4 : i32
      %mul3A_242 = arith.muli %add3A_240, %mul3A_241 : i32
      %dma_start3A_243 = arith.constant 0 : i32
      %dma_start3A_244 = arith.constant 0 : i32
      %dma_start3A_245 = tpu.memref_slice %arg3[%mul3A_242, %dma_start3A_243, %dma_start3A_244] : memref<512x256x256xf32, #tpu.memory_space<hbm>> -> memref<4x256x256xf32, #tpu.memory_space<hbm>>
      tpu.enqueue_dma source(%arg7 : memref<4x256x256xf32, #tpu.memory_space<vmem_shared>>) target(%dma_start3A_245 : memref<4x256x256xf32, #tpu.memory_space<hbm>>) target_semaphore(%arg19 : memref<!tpu.dma_semaphore, #tpu.memory_space<semaphore_mem>>)
      %mul3A_246 = arith.constant 64 : i32
      %mul3A_247 = arith.muli %arg0, %mul3A_246 : i32
      %add3A_248 = arith.constant 11 : i32
      %add3A_249 = arith.addi %mul3A_247, %add3A_248 : i32
      %mul3A_250 = arith.constant 4 : i32
      %mul3A_251 = arith.muli %add3A_249, %mul3A_250 : i32
      %dma_wait3A_252 = arith.constant 0 : i32
      %dma_wait3A_253 = arith.constant 0 : i32
      %dma_wait3A_254 = tpu.memref_slice %arg3[%mul3A_251, %dma_wait3A_252, %dma_wait3A_253] : memref<512x256x256xf32, #tpu.memory_space<hbm>> -> memref<4x256x256xf32, #tpu.memory_space<hbm>>
      tpu.wait_dma2 semaphore(%arg21 : memref<!tpu.dma_semaphore, #tpu.memory_space<semaphore_mem>>) src(%arg9 : memref<4x256x256xf32, #tpu.memory_space<vmem_shared>>) dst(%dma_wait3A_254 : memref<4x256x256xf32, #tpu.memory_space<hbm>>)
      %mul3A_255 = arith.constant 64 : i32
      %mul3A_256 = arith.muli %arg0, %mul3A_255 : i32
      %add3A_257 = arith.constant 17 : i32
      %add3A_258 = arith.addi %mul3A_256, %add3A_257 : i32
      %mul3A_259 = arith.constant 4 : i32
      %mul3A_260 = arith.muli %add3A_258, %mul3A_259 : i32
      %dma_start3A_261 = arith.constant 0 : i32
      %dma_start3A_262 = arith.constant 0 : i32
      %dma_start3A_263 = tpu.memref_slice %arg2[%mul3A_260, %dma_start3A_261, %dma_start3A_262] : memref<512x256x256xf32, #tpu.memory_space<hbm>> -> memref<4x256x256xf32, #tpu.memory_space<hbm>>
      tpu.enqueue_dma source(%dma_start3A_263 : memref<4x256x256xf32, #tpu.memory_space<hbm>>) target(%arg9 : memref<4x256x256xf32, #tpu.memory_space<vmem_shared>>) target_semaphore(%arg15 : memref<!tpu.dma_semaphore, #tpu.memory_space<semaphore_mem>>)
      %mul3A_264 = arith.constant 64 : i32
      %mul3A_265 = arith.muli %arg0, %mul3A_264 : i32
      %add3A_266 = arith.constant 15 : i32
      %add3A_267 = arith.addi %mul3A_265, %add3A_266 : i32
      %mul3A_268 = arith.constant 4 : i32
      %mul3A_269 = arith.muli %add3A_267, %mul3A_268 : i32
      %dma_wait3A_270 = arith.constant 0 : i32
      %dma_wait3A_271 = arith.constant 0 : i32
      %dma_wait3A_272 = tpu.memref_slice %arg2[%mul3A_269, %dma_wait3A_270, %dma_wait3A_271] : memref<512x256x256xf32, #tpu.memory_space<hbm>> -> memref<4x256x256xf32, #tpu.memory_space<hbm>>
      tpu.wait_dma2 semaphore(%arg14 : memref<!tpu.dma_semaphore, #tpu.memory_space<semaphore_mem>>) src(%dma_wait3A_272 : memref<4x256x256xf32, #tpu.memory_space<hbm>>) dst(%arg8 : memref<4x256x256xf32, #tpu.memory_space<vmem_shared>>)
      %mul3A_273 = arith.constant 64 : i32
      %mul3A_274 = arith.muli %arg0, %mul3A_273 : i32
      %add3A_275 = arith.constant 15 : i32
      %add3A_276 = arith.addi %mul3A_274, %add3A_275 : i32
      %mul3A_277 = arith.constant 4 : i32
      %mul3A_278 = arith.muli %add3A_276, %mul3A_277 : i32
      %dma_start3A_279 = arith.constant 0 : i32
      %dma_start3A_280 = arith.constant 0 : i32
      %dma_start3A_281 = tpu.memref_slice %arg3[%mul3A_278, %dma_start3A_279, %dma_start3A_280] : memref<512x256x256xf32, #tpu.memory_space<hbm>> -> memref<4x256x256xf32, #tpu.memory_space<hbm>>
      tpu.enqueue_dma source(%arg8 : memref<4x256x256xf32, #tpu.memory_space<vmem_shared>>) target(%dma_start3A_281 : memref<4x256x256xf32, #tpu.memory_space<hbm>>) target_semaphore(%arg20 : memref<!tpu.dma_semaphore, #tpu.memory_space<semaphore_mem>>)
      %mul3A_282 = arith.constant 64 : i32
      %mul3A_283 = arith.muli %arg0, %mul3A_282 : i32
      %add3A_284 = arith.constant 13 : i32
      %add3A_285 = arith.addi %mul3A_283, %add3A_284 : i32
      %mul3A_286 = arith.constant 4 : i32
      %mul3A_287 = arith.muli %add3A_285, %mul3A_286 : i32
      %dma_wait3A_288 = arith.constant 0 : i32
      %dma_wait3A_289 = arith.constant 0 : i32
      %dma_wait3A_290 = tpu.memref_slice %arg3[%mul3A_287, %dma_wait3A_288, %dma_wait3A_289] : memref<512x256x256xf32, #tpu.memory_space<hbm>> -> memref<4x256x256xf32, #tpu.memory_space<hbm>>
      tpu.wait_dma2 semaphore(%arg19 : memref<!tpu.dma_semaphore, #tpu.memory_space<semaphore_mem>>) src(%arg7 : memref<4x256x256xf32, #tpu.memory_space<vmem_shared>>) dst(%dma_wait3A_290 : memref<4x256x256xf32, #tpu.memory_space<hbm>>)
      %mul3A_291 = arith.constant 64 : i32
      %mul3A_292 = arith.muli %arg0, %mul3A_291 : i32
      %add3A_293 = arith.constant 19 : i32
      %add3A_294 = arith.addi %mul3A_292, %add3A_293 : i32
      %mul3A_295 = arith.constant 4 : i32
      %mul3A_296 = arith.muli %add3A_294, %mul3A_295 : i32
      %dma_start3A_297 = arith.constant 0 : i32
      %dma_start3A_298 = arith.constant 0 : i32
      %dma_start3A_299 = tpu.memref_slice %arg2[%mul3A_296, %dma_start3A_297, %dma_start3A_298] : memref<512x256x256xf32, #tpu.memory_space<hbm>> -> memref<4x256x256xf32, #tpu.memory_space<hbm>>
      tpu.enqueue_dma source(%dma_start3A_299 : memref<4x256x256xf32, #tpu.memory_space<hbm>>) target(%arg7 : memref<4x256x256xf32, #tpu.memory_space<vmem_shared>>) target_semaphore(%arg13 : memref<!tpu.dma_semaphore, #tpu.memory_space<semaphore_mem>>)
      %mul3A_300 = arith.constant 64 : i32
      %mul3A_301 = arith.muli %arg0, %mul3A_300 : i32
      %add3A_302 = arith.constant 17 : i32
      %add3A_303 = arith.addi %mul3A_301, %add3A_302 : i32
      %mul3A_304 = arith.constant 4 : i32
      %mul3A_305 = arith.muli %add3A_303, %mul3A_304 : i32
      %dma_wait3A_306 = arith.constant 0 : i32
      %dma_wait3A_307 = arith.constant 0 : i32
      %dma_wait3A_308 = tpu.memref_slice %arg2[%mul3A_305, %dma_wait3A_306, %dma_wait3A_307] : memref<512x256x256xf32, #tpu.memory_space<hbm>> -> memref<4x256x256xf32, #tpu.memory_space<hbm>>
      tpu.wait_dma2 semaphore(%arg15 : memref<!tpu.dma_semaphore, #tpu.memory_space<semaphore_mem>>) src(%dma_wait3A_308 : memref<4x256x256xf32, #tpu.memory_space<hbm>>) dst(%arg9 : memref<4x256x256xf32, #tpu.memory_space<vmem_shared>>)
      %mul3A_309 = arith.constant 64 : i32
      %mul3A_310 = arith.muli %arg0, %mul3A_309 : i32
      %add3A_311 = arith.constant 17 : i32
      %add3A_312 = arith.addi %mul3A_310, %add3A_311 : i32
      %mul3A_313 = arith.constant 4 : i32
      %mul3A_314 = arith.muli %add3A_312, %mul3A_313 : i32
      %dma_start3A_315 = arith.constant 0 : i32
      %dma_start3A_316 = arith.constant 0 : i32
      %dma_start3A_317 = tpu.memref_slice %arg3[%mul3A_314, %dma_start3A_315, %dma_start3A_316] : memref<512x256x256xf32, #tpu.memory_space<hbm>> -> memref<4x256x256xf32, #tpu.memory_space<hbm>>
      tpu.enqueue_dma source(%arg9 : memref<4x256x256xf32, #tpu.memory_space<vmem_shared>>) target(%dma_start3A_317 : memref<4x256x256xf32, #tpu.memory_space<hbm>>) target_semaphore(%arg21 : memref<!tpu.dma_semaphore, #tpu.memory_space<semaphore_mem>>)
      %mul3A_318 = arith.constant 64 : i32
      %mul3A_319 = arith.muli %arg0, %mul3A_318 : i32
      %add3A_320 = arith.constant 15 : i32
      %add3A_321 = arith.addi %mul3A_319, %add3A_320 : i32
      %mul3A_322 = arith.constant 4 : i32
      %mul3A_323 = arith.muli %add3A_321, %mul3A_322 : i32
      %dma_wait3A_324 = arith.constant 0 : i32
      %dma_wait3A_325 = arith.constant 0 : i32
      %dma_wait3A_326 = tpu.memref_slice %arg3[%mul3A_323, %dma_wait3A_324, %dma_wait3A_325] : memref<512x256x256xf32, #tpu.memory_space<hbm>> -> memref<4x256x256xf32, #tpu.memory_space<hbm>>
      tpu.wait_dma2 semaphore(%arg20 : memref<!tpu.dma_semaphore, #tpu.memory_space<semaphore_mem>>) src(%arg8 : memref<4x256x256xf32, #tpu.memory_space<vmem_shared>>) dst(%dma_wait3A_326 : memref<4x256x256xf32, #tpu.memory_space<hbm>>)
      %mul3A_327 = arith.constant 64 : i32
      %mul3A_328 = arith.muli %arg0, %mul3A_327 : i32
      %add3A_329 = arith.constant 21 : i32
      %add3A_330 = arith.addi %mul3A_328, %add3A_329 : i32
      %mul3A_331 = arith.constant 4 : i32
      %mul3A_332 = arith.muli %add3A_330, %mul3A_331 : i32
      %dma_start3A_333 = arith.constant 0 : i32
      %dma_start3A_334 = arith.constant 0 : i32
      %dma_start3A_335 = tpu.memref_slice %arg2[%mul3A_332, %dma_start3A_333, %dma_start3A_334] : memref<512x256x256xf32, #tpu.memory_space<hbm>> -> memref<4x256x256xf32, #tpu.memory_space<hbm>>
      tpu.enqueue_dma source(%dma_start3A_335 : memref<4x256x256xf32, #tpu.memory_space<hbm>>) target(%arg8 : memref<4x256x256xf32, #tpu.memory_space<vmem_shared>>) target_semaphore(%arg14 : memref<!tpu.dma_semaphore, #tpu.memory_space<semaphore_mem>>)
      %mul3A_336 = arith.constant 64 : i32
      %mul3A_337 = arith.muli %arg0, %mul3A_336 : i32
      %add3A_338 = arith.constant 19 : i32
      %add3A_339 = arith.addi %mul3A_337, %add3A_338 : i32
      %mul3A_340 = arith.constant 4 : i32
      %mul3A_341 = arith.muli %add3A_339, %mul3A_340 : i32
      %dma_wait3A_342 = arith.constant 0 : i32
      %dma_wait3A_343 = arith.constant 0 : i32
      %dma_wait3A_344 = tpu.memref_slice %arg2[%mul3A_341, %dma_wait3A_342, %dma_wait3A_343] : memref<512x256x256xf32, #tpu.memory_space<hbm>> -> memref<4x256x256xf32, #tpu.memory_space<hbm>>
      tpu.wait_dma2 semaphore(%arg13 : memref<!tpu.dma_semaphore, #tpu.memory_space<semaphore_mem>>) src(%dma_wait3A_344 : memref<4x256x256xf32, #tpu.memory_space<hbm>>) dst(%arg7 : memref<4x256x256xf32, #tpu.memory_space<vmem_shared>>)
      %mul3A_345 = arith.constant 64 : i32
      %mul3A_346 = arith.muli %arg0, %mul3A_345 : i32
      %add3A_347 = arith.constant 19 : i32
      %add3A_348 = arith.addi %mul3A_346, %add3A_347 : i32
      %mul3A_349 = arith.constant 4 : i32
      %mul3A_350 = arith.muli %add3A_348, %mul3A_349 : i32
      %dma_start3A_351 = arith.constant 0 : i32
      %dma_start3A_352 = arith.constant 0 : i32
      %dma_start3A_353 = tpu.memref_slice %arg3[%mul3A_350, %dma_start3A_351, %dma_start3A_352] : memref<512x256x256xf32, #tpu.memory_space<hbm>> -> memref<4x256x256xf32, #tpu.memory_space<hbm>>
      tpu.enqueue_dma source(%arg7 : memref<4x256x256xf32, #tpu.memory_space<vmem_shared>>) target(%dma_start3A_353 : memref<4x256x256xf32, #tpu.memory_space<hbm>>) target_semaphore(%arg19 : memref<!tpu.dma_semaphore, #tpu.memory_space<semaphore_mem>>)
      %mul3A_354 = arith.constant 64 : i32
      %mul3A_355 = arith.muli %arg0, %mul3A_354 : i32
      %add3A_356 = arith.constant 17 : i32
      %add3A_357 = arith.addi %mul3A_355, %add3A_356 : i32
      %mul3A_358 = arith.constant 4 : i32
      %mul3A_359 = arith.muli %add3A_357, %mul3A_358 : i32
      %dma_wait3A_360 = arith.constant 0 : i32
      %dma_wait3A_361 = arith.constant 0 : i32
      %dma_wait3A_362 = tpu.memref_slice %arg3[%mul3A_359, %dma_wait3A_360, %dma_wait3A_361] : memref<512x256x256xf32, #tpu.memory_space<hbm>> -> memref<4x256x256xf32, #tpu.memory_space<hbm>>
      tpu.wait_dma2 semaphore(%arg21 : memref<!tpu.dma_semaphore, #tpu.memory_space<semaphore_mem>>) src(%arg9 : memref<4x256x256xf32, #tpu.memory_space<vmem_shared>>) dst(%dma_wait3A_362 : memref<4x256x256xf32, #tpu.memory_space<hbm>>)
      %mul3A_363 = arith.constant 64 : i32
      %mul3A_364 = arith.muli %arg0, %mul3A_363 : i32
      %add3A_365 = arith.constant 23 : i32
      %add3A_366 = arith.addi %mul3A_364, %add3A_365 : i32
      %mul3A_367 = arith.constant 4 : i32
      %mul3A_368 = arith.muli %add3A_366, %mul3A_367 : i32
      %dma_start3A_369 = arith.constant 0 : i32
      %dma_start3A_370 = arith.constant 0 : i32
      %dma_start3A_371 = tpu.memref_slice %arg2[%mul3A_368, %dma_start3A_369, %dma_start3A_370] : memref<512x256x256xf32, #tpu.memory_space<hbm>> -> memref<4x256x256xf32, #tpu.memory_space<hbm>>
      tpu.enqueue_dma source(%dma_start3A_371 : memref<4x256x256xf32, #tpu.memory_space<hbm>>) target(%arg9 : memref<4x256x256xf32, #tpu.memory_space<vmem_shared>>) target_semaphore(%arg15 : memref<!tpu.dma_semaphore, #tpu.memory_space<semaphore_mem>>)
      %mul3A_372 = arith.constant 64 : i32
      %mul3A_373 = arith.muli %arg0, %mul3A_372 : i32
      %add3A_374 = arith.constant 21 : i32
      %add3A_375 = arith.addi %mul3A_373, %add3A_374 : i32
      %mul3A_376 = arith.constant 4 : i32
      %mul3A_377 = arith.muli %add3A_375, %mul3A_376 : i32
      %dma_wait3A_378 = arith.constant 0 : i32
      %dma_wait3A_379 = arith.constant 0 : i32
      %dma_wait3A_380 = tpu.memref_slice %arg2[%mul3A_377, %dma_wait3A_378, %dma_wait3A_379] : memref<512x256x256xf32, #tpu.memory_space<hbm>> -> memref<4x256x256xf32, #tpu.memory_space<hbm>>
      tpu.wait_dma2 semaphore(%arg14 : memref<!tpu.dma_semaphore, #tpu.memory_space<semaphore_mem>>) src(%dma_wait3A_380 : memref<4x256x256xf32, #tpu.memory_space<hbm>>) dst(%arg8 : memref<4x256x256xf32, #tpu.memory_space<vmem_shared>>)
      %mul3A_381 = arith.constant 64 : i32
      %mul3A_382 = arith.muli %arg0, %mul3A_381 : i32
      %add3A_383 = arith.constant 21 : i32
      %add3A_384 = arith.addi %mul3A_382, %add3A_383 : i32
      %mul3A_385 = arith.constant 4 : i32
      %mul3A_386 = arith.muli %add3A_384, %mul3A_385 : i32
      %dma_start3A_387 = arith.constant 0 : i32
      %dma_start3A_388 = arith.constant 0 : i32
      %dma_start3A_389 = tpu.memref_slice %arg3[%mul3A_386, %dma_start3A_387, %dma_start3A_388] : memref<512x256x256xf32, #tpu.memory_space<hbm>> -> memref<4x256x256xf32, #tpu.memory_space<hbm>>
      tpu.enqueue_dma source(%arg8 : memref<4x256x256xf32, #tpu.memory_space<vmem_shared>>) target(%dma_start3A_389 : memref<4x256x256xf32, #tpu.memory_space<hbm>>) target_semaphore(%arg20 : memref<!tpu.dma_semaphore, #tpu.memory_space<semaphore_mem>>)
      %mul3A_390 = arith.constant 64 : i32
      %mul3A_391 = arith.muli %arg0, %mul3A_390 : i32
      %add3A_392 = arith.constant 19 : i32
      %add3A_393 = arith.addi %mul3A_391, %add3A_392 : i32
      %mul3A_394 = arith.constant 4 : i32
      %mul3A_395 = arith.muli %add3A_393, %mul3A_394 : i32
      %dma_wait3A_396 = arith.constant 0 : i32
      %dma_wait3A_397 = arith.constant 0 : i32
      %dma_wait3A_398 = tpu.memref_slice %arg3[%mul3A_395, %dma_wait3A_396, %dma_wait3A_397] : memref<512x256x256xf32, #tpu.memory_space<hbm>> -> memref<4x256x256xf32, #tpu.memory_space<hbm>>
      tpu.wait_dma2 semaphore(%arg19 : memref<!tpu.dma_semaphore, #tpu.memory_space<semaphore_mem>>) src(%arg7 : memref<4x256x256xf32, #tpu.memory_space<vmem_shared>>) dst(%dma_wait3A_398 : memref<4x256x256xf32, #tpu.memory_space<hbm>>)
      %mul3A_399 = arith.constant 64 : i32
      %mul3A_400 = arith.muli %arg0, %mul3A_399 : i32
      %add3A_401 = arith.constant 25 : i32
      %add3A_402 = arith.addi %mul3A_400, %add3A_401 : i32
      %mul3A_403 = arith.constant 4 : i32
      %mul3A_404 = arith.muli %add3A_402, %mul3A_403 : i32
      %dma_start3A_405 = arith.constant 0 : i32
      %dma_start3A_406 = arith.constant 0 : i32
      %dma_start3A_407 = tpu.memref_slice %arg2[%mul3A_404, %dma_start3A_405, %dma_start3A_406] : memref<512x256x256xf32, #tpu.memory_space<hbm>> -> memref<4x256x256xf32, #tpu.memory_space<hbm>>
      tpu.enqueue_dma source(%dma_start3A_407 : memref<4x256x256xf32, #tpu.memory_space<hbm>>) target(%arg7 : memref<4x256x256xf32, #tpu.memory_space<vmem_shared>>) target_semaphore(%arg13 : memref<!tpu.dma_semaphore, #tpu.memory_space<semaphore_mem>>)
      %mul3A_408 = arith.constant 64 : i32
      %mul3A_409 = arith.muli %arg0, %mul3A_408 : i32
      %add3A_410 = arith.constant 23 : i32
      %add3A_411 = arith.addi %mul3A_409, %add3A_410 : i32
      %mul3A_412 = arith.constant 4 : i32
      %mul3A_413 = arith.muli %add3A_411, %mul3A_412 : i32
      %dma_wait3A_414 = arith.constant 0 : i32
      %dma_wait3A_415 = arith.constant 0 : i32
      %dma_wait3A_416 = tpu.memref_slice %arg2[%mul3A_413, %dma_wait3A_414, %dma_wait3A_415] : memref<512x256x256xf32, #tpu.memory_space<hbm>> -> memref<4x256x256xf32, #tpu.memory_space<hbm>>
      tpu.wait_dma2 semaphore(%arg15 : memref<!tpu.dma_semaphore, #tpu.memory_space<semaphore_mem>>) src(%dma_wait3A_416 : memref<4x256x256xf32, #tpu.memory_space<hbm>>) dst(%arg9 : memref<4x256x256xf32, #tpu.memory_space<vmem_shared>>)
      %mul3A_417 = arith.constant 64 : i32
      %mul3A_418 = arith.muli %arg0, %mul3A_417 : i32
      %add3A_419 = arith.constant 23 : i32
      %add3A_420 = arith.addi %mul3A_418, %add3A_419 : i32
      %mul3A_421 = arith.constant 4 : i32
      %mul3A_422 = arith.muli %add3A_420, %mul3A_421 : i32
      %dma_start3A_423 = arith.constant 0 : i32
      %dma_start3A_424 = arith.constant 0 : i32
      %dma_start3A_425 = tpu.memref_slice %arg3[%mul3A_422, %dma_start3A_423, %dma_start3A_424] : memref<512x256x256xf32, #tpu.memory_space<hbm>> -> memref<4x256x256xf32, #tpu.memory_space<hbm>>
      tpu.enqueue_dma source(%arg9 : memref<4x256x256xf32, #tpu.memory_space<vmem_shared>>) target(%dma_start3A_425 : memref<4x256x256xf32, #tpu.memory_space<hbm>>) target_semaphore(%arg21 : memref<!tpu.dma_semaphore, #tpu.memory_space<semaphore_mem>>)
      %mul3A_426 = arith.constant 64 : i32
      %mul3A_427 = arith.muli %arg0, %mul3A_426 : i32
      %add3A_428 = arith.constant 21 : i32
      %add3A_429 = arith.addi %mul3A_427, %add3A_428 : i32
      %mul3A_430 = arith.constant 4 : i32
      %mul3A_431 = arith.muli %add3A_429, %mul3A_430 : i32
      %dma_wait3A_432 = arith.constant 0 : i32
      %dma_wait3A_433 = arith.constant 0 : i32
      %dma_wait3A_434 = tpu.memref_slice %arg3[%mul3A_431, %dma_wait3A_432, %dma_wait3A_433] : memref<512x256x256xf32, #tpu.memory_space<hbm>> -> memref<4x256x256xf32, #tpu.memory_space<hbm>>
      tpu.wait_dma2 semaphore(%arg20 : memref<!tpu.dma_semaphore, #tpu.memory_space<semaphore_mem>>) src(%arg8 : memref<4x256x256xf32, #tpu.memory_space<vmem_shared>>) dst(%dma_wait3A_434 : memref<4x256x256xf32, #tpu.memory_space<hbm>>)
      %mul3A_435 = arith.constant 64 : i32
      %mul3A_436 = arith.muli %arg0, %mul3A_435 : i32
      %add3A_437 = arith.constant 27 : i32
      %add3A_438 = arith.addi %mul3A_436, %add3A_437 : i32
      %mul3A_439 = arith.constant 4 : i32
      %mul3A_440 = arith.muli %add3A_438, %mul3A_439 : i32
      %dma_start3A_441 = arith.constant 0 : i32
      %dma_start3A_442 = arith.constant 0 : i32
      %dma_start3A_443 = tpu.memref_slice %arg2[%mul3A_440, %dma_start3A_441, %dma_start3A_442] : memref<512x256x256xf32, #tpu.memory_space<hbm>> -> memref<4x256x256xf32, #tpu.memory_space<hbm>>
      tpu.enqueue_dma source(%dma_start3A_443 : memref<4x256x256xf32, #tpu.memory_space<hbm>>) target(%arg8 : memref<4x256x256xf32, #tpu.memory_space<vmem_shared>>) target_semaphore(%arg14 : memref<!tpu.dma_semaphore, #tpu.memory_space<semaphore_mem>>)
      %mul3A_444 = arith.constant 64 : i32
      %mul3A_445 = arith.muli %arg0, %mul3A_444 : i32
      %add3A_446 = arith.constant 25 : i32
      %add3A_447 = arith.addi %mul3A_445, %add3A_446 : i32
      %mul3A_448 = arith.constant 4 : i32
      %mul3A_449 = arith.muli %add3A_447, %mul3A_448 : i32
      %dma_wait3A_450 = arith.constant 0 : i32
      %dma_wait3A_451 = arith.constant 0 : i32
      %dma_wait3A_452 = tpu.memref_slice %arg2[%mul3A_449, %dma_wait3A_450, %dma_wait3A_451] : memref<512x256x256xf32, #tpu.memory_space<hbm>> -> memref<4x256x256xf32, #tpu.memory_space<hbm>>
      tpu.wait_dma2 semaphore(%arg13 : memref<!tpu.dma_semaphore, #tpu.memory_space<semaphore_mem>>) src(%dma_wait3A_452 : memref<4x256x256xf32, #tpu.memory_space<hbm>>) dst(%arg7 : memref<4x256x256xf32, #tpu.memory_space<vmem_shared>>)
      %mul3A_453 = arith.constant 64 : i32
      %mul3A_454 = arith.muli %arg0, %mul3A_453 : i32
      %add3A_455 = arith.constant 25 : i32
      %add3A_456 = arith.addi %mul3A_454, %add3A_455 : i32
      %mul3A_457 = arith.constant 4 : i32
      %mul3A_458 = arith.muli %add3A_456, %mul3A_457 : i32
      %dma_start3A_459 = arith.constant 0 : i32
      %dma_start3A_460 = arith.constant 0 : i32
      %dma_start3A_461 = tpu.memref_slice %arg3[%mul3A_458, %dma_start3A_459, %dma_start3A_460] : memref<512x256x256xf32, #tpu.memory_space<hbm>> -> memref<4x256x256xf32, #tpu.memory_space<hbm>>
      tpu.enqueue_dma source(%arg7 : memref<4x256x256xf32, #tpu.memory_space<vmem_shared>>) target(%dma_start3A_461 : memref<4x256x256xf32, #tpu.memory_space<hbm>>) target_semaphore(%arg19 : memref<!tpu.dma_semaphore, #tpu.memory_space<semaphore_mem>>)
      %mul3A_462 = arith.constant 64 : i32
      %mul3A_463 = arith.muli %arg0, %mul3A_462 : i32
      %add3A_464 = arith.constant 23 : i32
      %add3A_465 = arith.addi %mul3A_463, %add3A_464 : i32
      %mul3A_466 = arith.constant 4 : i32
      %mul3A_467 = arith.muli %add3A_465, %mul3A_466 : i32
      %dma_wait3A_468 = arith.constant 0 : i32
      %dma_wait3A_469 = arith.constant 0 : i32
      %dma_wait3A_470 = tpu.memref_slice %arg3[%mul3A_467, %dma_wait3A_468, %dma_wait3A_469] : memref<512x256x256xf32, #tpu.memory_space<hbm>> -> memref<4x256x256xf32, #tpu.memory_space<hbm>>
      tpu.wait_dma2 semaphore(%arg21 : memref<!tpu.dma_semaphore, #tpu.memory_space<semaphore_mem>>) src(%arg9 : memref<4x256x256xf32, #tpu.memory_space<vmem_shared>>) dst(%dma_wait3A_470 : memref<4x256x256xf32, #tpu.memory_space<hbm>>)
      %mul3A_471 = arith.constant 64 : i32
      %mul3A_472 = arith.muli %arg0, %mul3A_471 : i32
      %add3A_473 = arith.constant 29 : i32
      %add3A_474 = arith.addi %mul3A_472, %add3A_473 : i32
      %mul3A_475 = arith.constant 4 : i32
      %mul3A_476 = arith.muli %add3A_474, %mul3A_475 : i32
      %dma_start3A_477 = arith.constant 0 : i32
      %dma_start3A_478 = arith.constant 0 : i32
      %dma_start3A_479 = tpu.memref_slice %arg2[%mul3A_476, %dma_start3A_477, %dma_start3A_478] : memref<512x256x256xf32, #tpu.memory_space<hbm>> -> memref<4x256x256xf32, #tpu.memory_space<hbm>>
      tpu.enqueue_dma source(%dma_start3A_479 : memref<4x256x256xf32, #tpu.memory_space<hbm>>) target(%arg9 : memref<4x256x256xf32, #tpu.memory_space<vmem_shared>>) target_semaphore(%arg15 : memref<!tpu.dma_semaphore, #tpu.memory_space<semaphore_mem>>)
      %mul3A_480 = arith.constant 64 : i32
      %mul3A_481 = arith.muli %arg0, %mul3A_480 : i32
      %add3A_482 = arith.constant 27 : i32
      %add3A_483 = arith.addi %mul3A_481, %add3A_482 : i32
      %mul3A_484 = arith.constant 4 : i32
      %mul3A_485 = arith.muli %add3A_483, %mul3A_484 : i32
      %dma_wait3A_486 = arith.constant 0 : i32
      %dma_wait3A_487 = arith.constant 0 : i32
      %dma_wait3A_488 = tpu.memref_slice %arg2[%mul3A_485, %dma_wait3A_486, %dma_wait3A_487] : memref<512x256x256xf32, #tpu.memory_space<hbm>> -> memref<4x256x256xf32, #tpu.memory_space<hbm>>
      tpu.wait_dma2 semaphore(%arg14 : memref<!tpu.dma_semaphore, #tpu.memory_space<semaphore_mem>>) src(%dma_wait3A_488 : memref<4x256x256xf32, #tpu.memory_space<hbm>>) dst(%arg8 : memref<4x256x256xf32, #tpu.memory_space<vmem_shared>>)
      %mul3A_489 = arith.constant 64 : i32
      %mul3A_490 = arith.muli %arg0, %mul3A_489 : i32
      %add3A_491 = arith.constant 27 : i32
      %add3A_492 = arith.addi %mul3A_490, %add3A_491 : i32
      %mul3A_493 = arith.constant 4 : i32
      %mul3A_494 = arith.muli %add3A_492, %mul3A_493 : i32
      %dma_start3A_495 = arith.constant 0 : i32
      %dma_start3A_496 = arith.constant 0 : i32
      %dma_start3A_497 = tpu.memref_slice %arg3[%mul3A_494, %dma_start3A_495, %dma_start3A_496] : memref<512x256x256xf32, #tpu.memory_space<hbm>> -> memref<4x256x256xf32, #tpu.memory_space<hbm>>
      tpu.enqueue_dma source(%arg8 : memref<4x256x256xf32, #tpu.memory_space<vmem_shared>>) target(%dma_start3A_497 : memref<4x256x256xf32, #tpu.memory_space<hbm>>) target_semaphore(%arg20 : memref<!tpu.dma_semaphore, #tpu.memory_space<semaphore_mem>>)
      %mul3A_498 = arith.constant 64 : i32
      %mul3A_499 = arith.muli %arg0, %mul3A_498 : i32
      %add3A_500 = arith.constant 25 : i32
      %add3A_501 = arith.addi %mul3A_499, %add3A_500 : i32
      %mul3A_502 = arith.constant 4 : i32
      %mul3A_503 = arith.muli %add3A_501, %mul3A_502 : i32
      %dma_wait3A_504 = arith.constant 0 : i32
      %dma_wait3A_505 = arith.constant 0 : i32
      %dma_wait3A_506 = tpu.memref_slice %arg3[%mul3A_503, %dma_wait3A_504, %dma_wait3A_505] : memref<512x256x256xf32, #tpu.memory_space<hbm>> -> memref<4x256x256xf32, #tpu.memory_space<hbm>>
      tpu.wait_dma2 semaphore(%arg19 : memref<!tpu.dma_semaphore, #tpu.memory_space<semaphore_mem>>) src(%arg7 : memref<4x256x256xf32, #tpu.memory_space<vmem_shared>>) dst(%dma_wait3A_506 : memref<4x256x256xf32, #tpu.memory_space<hbm>>)
      %mul3A_507 = arith.constant 64 : i32
      %mul3A_508 = arith.muli %arg0, %mul3A_507 : i32
      %add3A_509 = arith.constant 31 : i32
      %add3A_510 = arith.addi %mul3A_508, %add3A_509 : i32
      %mul3A_511 = arith.constant 4 : i32
      %mul3A_512 = arith.muli %add3A_510, %mul3A_511 : i32
      %dma_start3A_513 = arith.constant 0 : i32
      %dma_start3A_514 = arith.constant 0 : i32
      %dma_start3A_515 = tpu.memref_slice %arg2[%mul3A_512, %dma_start3A_513, %dma_start3A_514] : memref<512x256x256xf32, #tpu.memory_space<hbm>> -> memref<4x256x256xf32, #tpu.memory_space<hbm>>
      tpu.enqueue_dma source(%dma_start3A_515 : memref<4x256x256xf32, #tpu.memory_space<hbm>>) target(%arg7 : memref<4x256x256xf32, #tpu.memory_space<vmem_shared>>) target_semaphore(%arg13 : memref<!tpu.dma_semaphore, #tpu.memory_space<semaphore_mem>>)
      %mul3A_516 = arith.constant 64 : i32
      %mul3A_517 = arith.muli %arg0, %mul3A_516 : i32
      %add3A_518 = arith.constant 29 : i32
      %add3A_519 = arith.addi %mul3A_517, %add3A_518 : i32
      %mul3A_520 = arith.constant 4 : i32
      %mul3A_521 = arith.muli %add3A_519, %mul3A_520 : i32
      %dma_wait3A_522 = arith.constant 0 : i32
      %dma_wait3A_523 = arith.constant 0 : i32
      %dma_wait3A_524 = tpu.memref_slice %arg2[%mul3A_521, %dma_wait3A_522, %dma_wait3A_523] : memref<512x256x256xf32, #tpu.memory_space<hbm>> -> memref<4x256x256xf32, #tpu.memory_space<hbm>>
      tpu.wait_dma2 semaphore(%arg15 : memref<!tpu.dma_semaphore, #tpu.memory_space<semaphore_mem>>) src(%dma_wait3A_524 : memref<4x256x256xf32, #tpu.memory_space<hbm>>) dst(%arg9 : memref<4x256x256xf32, #tpu.memory_space<vmem_shared>>)
      %mul3A_525 = arith.constant 64 : i32
      %mul3A_526 = arith.muli %arg0, %mul3A_525 : i32
      %add3A_527 = arith.constant 29 : i32
      %add3A_528 = arith.addi %mul3A_526, %add3A_527 : i32
      %mul3A_529 = arith.constant 4 : i32
      %mul3A_530 = arith.muli %add3A_528, %mul3A_529 : i32
      %dma_start3A_531 = arith.constant 0 : i32
      %dma_start3A_532 = arith.constant 0 : i32
      %dma_start3A_533 = tpu.memref_slice %arg3[%mul3A_530, %dma_start3A_531, %dma_start3A_532] : memref<512x256x256xf32, #tpu.memory_space<hbm>> -> memref<4x256x256xf32, #tpu.memory_space<hbm>>
      tpu.enqueue_dma source(%arg9 : memref<4x256x256xf32, #tpu.memory_space<vmem_shared>>) target(%dma_start3A_533 : memref<4x256x256xf32, #tpu.memory_space<hbm>>) target_semaphore(%arg21 : memref<!tpu.dma_semaphore, #tpu.memory_space<semaphore_mem>>)
      %mul3A_534 = arith.constant 64 : i32
      %mul3A_535 = arith.muli %arg0, %mul3A_534 : i32
      %add3A_536 = arith.constant 27 : i32
      %add3A_537 = arith.addi %mul3A_535, %add3A_536 : i32
      %mul3A_538 = arith.constant 4 : i32
      %mul3A_539 = arith.muli %add3A_537, %mul3A_538 : i32
      %dma_wait3A_540 = arith.constant 0 : i32
      %dma_wait3A_541 = arith.constant 0 : i32
      %dma_wait3A_542 = tpu.memref_slice %arg3[%mul3A_539, %dma_wait3A_540, %dma_wait3A_541] : memref<512x256x256xf32, #tpu.memory_space<hbm>> -> memref<4x256x256xf32, #tpu.memory_space<hbm>>
      tpu.wait_dma2 semaphore(%arg20 : memref<!tpu.dma_semaphore, #tpu.memory_space<semaphore_mem>>) src(%arg8 : memref<4x256x256xf32, #tpu.memory_space<vmem_shared>>) dst(%dma_wait3A_542 : memref<4x256x256xf32, #tpu.memory_space<hbm>>)
      %mul3A_543 = arith.constant 64 : i32
      %mul3A_544 = arith.muli %arg0, %mul3A_543 : i32
      %add3A_545 = arith.constant 33 : i32
      %add3A_546 = arith.addi %mul3A_544, %add3A_545 : i32
      %mul3A_547 = arith.constant 4 : i32
      %mul3A_548 = arith.muli %add3A_546, %mul3A_547 : i32
      %dma_start3A_549 = arith.constant 0 : i32
      %dma_start3A_550 = arith.constant 0 : i32
      %dma_start3A_551 = tpu.memref_slice %arg2[%mul3A_548, %dma_start3A_549, %dma_start3A_550] : memref<512x256x256xf32, #tpu.memory_space<hbm>> -> memref<4x256x256xf32, #tpu.memory_space<hbm>>
      tpu.enqueue_dma source(%dma_start3A_551 : memref<4x256x256xf32, #tpu.memory_space<hbm>>) target(%arg8 : memref<4x256x256xf32, #tpu.memory_space<vmem_shared>>) target_semaphore(%arg14 : memref<!tpu.dma_semaphore, #tpu.memory_space<semaphore_mem>>)
      %mul3A_552 = arith.constant 64 : i32
      %mul3A_553 = arith.muli %arg0, %mul3A_552 : i32
      %add3A_554 = arith.constant 31 : i32
      %add3A_555 = arith.addi %mul3A_553, %add3A_554 : i32
      %mul3A_556 = arith.constant 4 : i32
      %mul3A_557 = arith.muli %add3A_555, %mul3A_556 : i32
      %dma_wait3A_558 = arith.constant 0 : i32
      %dma_wait3A_559 = arith.constant 0 : i32
      %dma_wait3A_560 = tpu.memref_slice %arg2[%mul3A_557, %dma_wait3A_558, %dma_wait3A_559] : memref<512x256x256xf32, #tpu.memory_space<hbm>> -> memref<4x256x256xf32, #tpu.memory_space<hbm>>
      tpu.wait_dma2 semaphore(%arg13 : memref<!tpu.dma_semaphore, #tpu.memory_space<semaphore_mem>>) src(%dma_wait3A_560 : memref<4x256x256xf32, #tpu.memory_space<hbm>>) dst(%arg7 : memref<4x256x256xf32, #tpu.memory_space<vmem_shared>>)
      %mul3A_561 = arith.constant 64 : i32
      %mul3A_562 = arith.muli %arg0, %mul3A_561 : i32
      %add3A_563 = arith.constant 31 : i32
      %add3A_564 = arith.addi %mul3A_562, %add3A_563 : i32
      %mul3A_565 = arith.constant 4 : i32
      %mul3A_566 = arith.muli %add3A_564, %mul3A_565 : i32
      %dma_start3A_567 = arith.constant 0 : i32
      %dma_start3A_568 = arith.constant 0 : i32
      %dma_start3A_569 = tpu.memref_slice %arg3[%mul3A_566, %dma_start3A_567, %dma_start3A_568] : memref<512x256x256xf32, #tpu.memory_space<hbm>> -> memref<4x256x256xf32, #tpu.memory_space<hbm>>
      tpu.enqueue_dma source(%arg7 : memref<4x256x256xf32, #tpu.memory_space<vmem_shared>>) target(%dma_start3A_569 : memref<4x256x256xf32, #tpu.memory_space<hbm>>) target_semaphore(%arg19 : memref<!tpu.dma_semaphore, #tpu.memory_space<semaphore_mem>>)
      %mul3A_570 = arith.constant 64 : i32
      %mul3A_571 = arith.muli %arg0, %mul3A_570 : i32
      %add3A_572 = arith.constant 29 : i32
      %add3A_573 = arith.addi %mul3A_571, %add3A_572 : i32
      %mul3A_574 = arith.constant 4 : i32
      %mul3A_575 = arith.muli %add3A_573, %mul3A_574 : i32
      %dma_wait3A_576 = arith.constant 0 : i32
      %dma_wait3A_577 = arith.constant 0 : i32
      %dma_wait3A_578 = tpu.memref_slice %arg3[%mul3A_575, %dma_wait3A_576, %dma_wait3A_577] : memref<512x256x256xf32, #tpu.memory_space<hbm>> -> memref<4x256x256xf32, #tpu.memory_space<hbm>>
      tpu.wait_dma2 semaphore(%arg21 : memref<!tpu.dma_semaphore, #tpu.memory_space<semaphore_mem>>) src(%arg9 : memref<4x256x256xf32, #tpu.memory_space<vmem_shared>>) dst(%dma_wait3A_578 : memref<4x256x256xf32, #tpu.memory_space<hbm>>)
      %mul3A_579 = arith.constant 64 : i32
      %mul3A_580 = arith.muli %arg0, %mul3A_579 : i32
      %add3A_581 = arith.constant 35 : i32
      %add3A_582 = arith.addi %mul3A_580, %add3A_581 : i32
      %mul3A_583 = arith.constant 4 : i32
      %mul3A_584 = arith.muli %add3A_582, %mul3A_583 : i32
      %dma_start3A_585 = arith.constant 0 : i32
      %dma_start3A_586 = arith.constant 0 : i32
      %dma_start3A_587 = tpu.memref_slice %arg2[%mul3A_584, %dma_start3A_585, %dma_start3A_586] : memref<512x256x256xf32, #tpu.memory_space<hbm>> -> memref<4x256x256xf32, #tpu.memory_space<hbm>>
      tpu.enqueue_dma source(%dma_start3A_587 : memref<4x256x256xf32, #tpu.memory_space<hbm>>) target(%arg9 : memref<4x256x256xf32, #tpu.memory_space<vmem_shared>>) target_semaphore(%arg15 : memref<!tpu.dma_semaphore, #tpu.memory_space<semaphore_mem>>)
      %mul3A_588 = arith.constant 64 : i32
      %mul3A_589 = arith.muli %arg0, %mul3A_588 : i32
      %add3A_590 = arith.constant 33 : i32
      %add3A_591 = arith.addi %mul3A_589, %add3A_590 : i32
      %mul3A_592 = arith.constant 4 : i32
      %mul3A_593 = arith.muli %add3A_591, %mul3A_592 : i32
      %dma_wait3A_594 = arith.constant 0 : i32
      %dma_wait3A_595 = arith.constant 0 : i32
      %dma_wait3A_596 = tpu.memref_slice %arg2[%mul3A_593, %dma_wait3A_594, %dma_wait3A_595] : memref<512x256x256xf32, #tpu.memory_space<hbm>> -> memref<4x256x256xf32, #tpu.memory_space<hbm>>
      tpu.wait_dma2 semaphore(%arg14 : memref<!tpu.dma_semaphore, #tpu.memory_space<semaphore_mem>>) src(%dma_wait3A_596 : memref<4x256x256xf32, #tpu.memory_space<hbm>>) dst(%arg8 : memref<4x256x256xf32, #tpu.memory_space<vmem_shared>>)
      %mul3A_597 = arith.constant 64 : i32
      %mul3A_598 = arith.muli %arg0, %mul3A_597 : i32
      %add3A_599 = arith.constant 33 : i32
      %add3A_600 = arith.addi %mul3A_598, %add3A_599 : i32
      %mul3A_601 = arith.constant 4 : i32
      %mul3A_602 = arith.muli %add3A_600, %mul3A_601 : i32
      %dma_start3A_603 = arith.constant 0 : i32
      %dma_start3A_604 = arith.constant 0 : i32
      %dma_start3A_605 = tpu.memref_slice %arg3[%mul3A_602, %dma_start3A_603, %dma_start3A_604] : memref<512x256x256xf32, #tpu.memory_space<hbm>> -> memref<4x256x256xf32, #tpu.memory_space<hbm>>
      tpu.enqueue_dma source(%arg8 : memref<4x256x256xf32, #tpu.memory_space<vmem_shared>>) target(%dma_start3A_605 : memref<4x256x256xf32, #tpu.memory_space<hbm>>) target_semaphore(%arg20 : memref<!tpu.dma_semaphore, #tpu.memory_space<semaphore_mem>>)
      %mul3A_606 = arith.constant 64 : i32
      %mul3A_607 = arith.muli %arg0, %mul3A_606 : i32
      %add3A_608 = arith.constant 31 : i32
      %add3A_609 = arith.addi %mul3A_607, %add3A_608 : i32
      %mul3A_610 = arith.constant 4 : i32
      %mul3A_611 = arith.muli %add3A_609, %mul3A_610 : i32
      %dma_wait3A_612 = arith.constant 0 : i32
      %dma_wait3A_613 = arith.constant 0 : i32
      %dma_wait3A_614 = tpu.memref_slice %arg3[%mul3A_611, %dma_wait3A_612, %dma_wait3A_613] : memref<512x256x256xf32, #tpu.memory_space<hbm>> -> memref<4x256x256xf32, #tpu.memory_space<hbm>>
      tpu.wait_dma2 semaphore(%arg19 : memref<!tpu.dma_semaphore, #tpu.memory_space<semaphore_mem>>) src(%arg7 : memref<4x256x256xf32, #tpu.memory_space<vmem_shared>>) dst(%dma_wait3A_614 : memref<4x256x256xf32, #tpu.memory_space<hbm>>)
      %mul3A_615 = arith.constant 64 : i32
      %mul3A_616 = arith.muli %arg0, %mul3A_615 : i32
      %add3A_617 = arith.constant 37 : i32
      %add3A_618 = arith.addi %mul3A_616, %add3A_617 : i32
      %mul3A_619 = arith.constant 4 : i32
      %mul3A_620 = arith.muli %add3A_618, %mul3A_619 : i32
      %dma_start3A_621 = arith.constant 0 : i32
      %dma_start3A_622 = arith.constant 0 : i32
      %dma_start3A_623 = tpu.memref_slice %arg2[%mul3A_620, %dma_start3A_621, %dma_start3A_622] : memref<512x256x256xf32, #tpu.memory_space<hbm>> -> memref<4x256x256xf32, #tpu.memory_space<hbm>>
      tpu.enqueue_dma source(%dma_start3A_623 : memref<4x256x256xf32, #tpu.memory_space<hbm>>) target(%arg7 : memref<4x256x256xf32, #tpu.memory_space<vmem_shared>>) target_semaphore(%arg13 : memref<!tpu.dma_semaphore, #tpu.memory_space<semaphore_mem>>)
      %mul3A_624 = arith.constant 64 : i32
      %mul3A_625 = arith.muli %arg0, %mul3A_624 : i32
      %add3A_626 = arith.constant 35 : i32
      %add3A_627 = arith.addi %mul3A_625, %add3A_626 : i32
      %mul3A_628 = arith.constant 4 : i32
      %mul3A_629 = arith.muli %add3A_627, %mul3A_628 : i32
      %dma_wait3A_630 = arith.constant 0 : i32
      %dma_wait3A_631 = arith.constant 0 : i32
      %dma_wait3A_632 = tpu.memref_slice %arg2[%mul3A_629, %dma_wait3A_630, %dma_wait3A_631] : memref<512x256x256xf32, #tpu.memory_space<hbm>> -> memref<4x256x256xf32, #tpu.memory_space<hbm>>
      tpu.wait_dma2 semaphore(%arg15 : memref<!tpu.dma_semaphore, #tpu.memory_space<semaphore_mem>>) src(%dma_wait3A_632 : memref<4x256x256xf32, #tpu.memory_space<hbm>>) dst(%arg9 : memref<4x256x256xf32, #tpu.memory_space<vmem_shared>>)
      %mul3A_633 = arith.constant 64 : i32
      %mul3A_634 = arith.muli %arg0, %mul3A_633 : i32
      %add3A_635 = arith.constant 35 : i32
      %add3A_636 = arith.addi %mul3A_634, %add3A_635 : i32
      %mul3A_637 = arith.constant 4 : i32
      %mul3A_638 = arith.muli %add3A_636, %mul3A_637 : i32
      %dma_start3A_639 = arith.constant 0 : i32
      %dma_start3A_640 = arith.constant 0 : i32
      %dma_start3A_641 = tpu.memref_slice %arg3[%mul3A_638, %dma_start3A_639, %dma_start3A_640] : memref<512x256x256xf32, #tpu.memory_space<hbm>> -> memref<4x256x256xf32, #tpu.memory_space<hbm>>
      tpu.enqueue_dma source(%arg9 : memref<4x256x256xf32, #tpu.memory_space<vmem_shared>>) target(%dma_start3A_641 : memref<4x256x256xf32, #tpu.memory_space<hbm>>) target_semaphore(%arg21 : memref<!tpu.dma_semaphore, #tpu.memory_space<semaphore_mem>>)
      %mul3A_642 = arith.constant 64 : i32
      %mul3A_643 = arith.muli %arg0, %mul3A_642 : i32
      %add3A_644 = arith.constant 33 : i32
      %add3A_645 = arith.addi %mul3A_643, %add3A_644 : i32
      %mul3A_646 = arith.constant 4 : i32
      %mul3A_647 = arith.muli %add3A_645, %mul3A_646 : i32
      %dma_wait3A_648 = arith.constant 0 : i32
      %dma_wait3A_649 = arith.constant 0 : i32
      %dma_wait3A_650 = tpu.memref_slice %arg3[%mul3A_647, %dma_wait3A_648, %dma_wait3A_649] : memref<512x256x256xf32, #tpu.memory_space<hbm>> -> memref<4x256x256xf32, #tpu.memory_space<hbm>>
      tpu.wait_dma2 semaphore(%arg20 : memref<!tpu.dma_semaphore, #tpu.memory_space<semaphore_mem>>) src(%arg8 : memref<4x256x256xf32, #tpu.memory_space<vmem_shared>>) dst(%dma_wait3A_650 : memref<4x256x256xf32, #tpu.memory_space<hbm>>)
      %mul3A_651 = arith.constant 64 : i32
      %mul3A_652 = arith.muli %arg0, %mul3A_651 : i32
      %add3A_653 = arith.constant 39 : i32
      %add3A_654 = arith.addi %mul3A_652, %add3A_653 : i32
      %mul3A_655 = arith.constant 4 : i32
      %mul3A_656 = arith.muli %add3A_654, %mul3A_655 : i32
      %dma_start3A_657 = arith.constant 0 : i32
      %dma_start3A_658 = arith.constant 0 : i32
      %dma_start3A_659 = tpu.memref_slice %arg2[%mul3A_656, %dma_start3A_657, %dma_start3A_658] : memref<512x256x256xf32, #tpu.memory_space<hbm>> -> memref<4x256x256xf32, #tpu.memory_space<hbm>>
      tpu.enqueue_dma source(%dma_start3A_659 : memref<4x256x256xf32, #tpu.memory_space<hbm>>) target(%arg8 : memref<4x256x256xf32, #tpu.memory_space<vmem_shared>>) target_semaphore(%arg14 : memref<!tpu.dma_semaphore, #tpu.memory_space<semaphore_mem>>)
      %mul3A_660 = arith.constant 64 : i32
      %mul3A_661 = arith.muli %arg0, %mul3A_660 : i32
      %add3A_662 = arith.constant 37 : i32
      %add3A_663 = arith.addi %mul3A_661, %add3A_662 : i32
      %mul3A_664 = arith.constant 4 : i32
      %mul3A_665 = arith.muli %add3A_663, %mul3A_664 : i32
      %dma_wait3A_666 = arith.constant 0 : i32
      %dma_wait3A_667 = arith.constant 0 : i32
      %dma_wait3A_668 = tpu.memref_slice %arg2[%mul3A_665, %dma_wait3A_666, %dma_wait3A_667] : memref<512x256x256xf32, #tpu.memory_space<hbm>> -> memref<4x256x256xf32, #tpu.memory_space<hbm>>
      tpu.wait_dma2 semaphore(%arg13 : memref<!tpu.dma_semaphore, #tpu.memory_space<semaphore_mem>>) src(%dma_wait3A_668 : memref<4x256x256xf32, #tpu.memory_space<hbm>>) dst(%arg7 : memref<4x256x256xf32, #tpu.memory_space<vmem_shared>>)
      %mul3A_669 = arith.constant 64 : i32
      %mul3A_670 = arith.muli %arg0, %mul3A_669 : i32
      %add3A_671 = arith.constant 37 : i32
      %add3A_672 = arith.addi %mul3A_670, %add3A_671 : i32
      %mul3A_673 = arith.constant 4 : i32
      %mul3A_674 = arith.muli %add3A_672, %mul3A_673 : i32
      %dma_start3A_675 = arith.constant 0 : i32
      %dma_start3A_676 = arith.constant 0 : i32
      %dma_start3A_677 = tpu.memref_slice %arg3[%mul3A_674, %dma_start3A_675, %dma_start3A_676] : memref<512x256x256xf32, #tpu.memory_space<hbm>> -> memref<4x256x256xf32, #tpu.memory_space<hbm>>
      tpu.enqueue_dma source(%arg7 : memref<4x256x256xf32, #tpu.memory_space<vmem_shared>>) target(%dma_start3A_677 : memref<4x256x256xf32, #tpu.memory_space<hbm>>) target_semaphore(%arg19 : memref<!tpu.dma_semaphore, #tpu.memory_space<semaphore_mem>>)
      %mul3A_678 = arith.constant 64 : i32
      %mul3A_679 = arith.muli %arg0, %mul3A_678 : i32
      %add3A_680 = arith.constant 35 : i32
      %add3A_681 = arith.addi %mul3A_679, %add3A_680 : i32
      %mul3A_682 = arith.constant 4 : i32
      %mul3A_683 = arith.muli %add3A_681, %mul3A_682 : i32
      %dma_wait3A_684 = arith.constant 0 : i32
      %dma_wait3A_685 = arith.constant 0 : i32
      %dma_wait3A_686 = tpu.memref_slice %arg3[%mul3A_683, %dma_wait3A_684, %dma_wait3A_685] : memref<512x256x256xf32, #tpu.memory_space<hbm>> -> memref<4x256x256xf32, #tpu.memory_space<hbm>>
      tpu.wait_dma2 semaphore(%arg21 : memref<!tpu.dma_semaphore, #tpu.memory_space<semaphore_mem>>) src(%arg9 : memref<4x256x256xf32, #tpu.memory_space<vmem_shared>>) dst(%dma_wait3A_686 : memref<4x256x256xf32, #tpu.memory_space<hbm>>)
      %mul3A_687 = arith.constant 64 : i32
      %mul3A_688 = arith.muli %arg0, %mul3A_687 : i32
      %add3A_689 = arith.constant 41 : i32
      %add3A_690 = arith.addi %mul3A_688, %add3A_689 : i32
      %mul3A_691 = arith.constant 4 : i32
      %mul3A_692 = arith.muli %add3A_690, %mul3A_691 : i32
      %dma_start3A_693 = arith.constant 0 : i32
      %dma_start3A_694 = arith.constant 0 : i32
      %dma_start3A_695 = tpu.memref_slice %arg2[%mul3A_692, %dma_start3A_693, %dma_start3A_694] : memref<512x256x256xf32, #tpu.memory_space<hbm>> -> memref<4x256x256xf32, #tpu.memory_space<hbm>>
      tpu.enqueue_dma source(%dma_start3A_695 : memref<4x256x256xf32, #tpu.memory_space<hbm>>) target(%arg9 : memref<4x256x256xf32, #tpu.memory_space<vmem_shared>>) target_semaphore(%arg15 : memref<!tpu.dma_semaphore, #tpu.memory_space<semaphore_mem>>)
      %mul3A_696 = arith.constant 64 : i32
      %mul3A_697 = arith.muli %arg0, %mul3A_696 : i32
      %add3A_698 = arith.constant 39 : i32
      %add3A_699 = arith.addi %mul3A_697, %add3A_698 : i32
      %mul3A_700 = arith.constant 4 : i32
      %mul3A_701 = arith.muli %add3A_699, %mul3A_700 : i32
      %dma_wait3A_702 = arith.constant 0 : i32
      %dma_wait3A_703 = arith.constant 0 : i32
      %dma_wait3A_704 = tpu.memref_slice %arg2[%mul3A_701, %dma_wait3A_702, %dma_wait3A_703] : memref<512x256x256xf32, #tpu.memory_space<hbm>> -> memref<4x256x256xf32, #tpu.memory_space<hbm>>
      tpu.wait_dma2 semaphore(%arg14 : memref<!tpu.dma_semaphore, #tpu.memory_space<semaphore_mem>>) src(%dma_wait3A_704 : memref<4x256x256xf32, #tpu.memory_space<hbm>>) dst(%arg8 : memref<4x256x256xf32, #tpu.memory_space<vmem_shared>>)
      %mul3A_705 = arith.constant 64 : i32
      %mul3A_706 = arith.muli %arg0, %mul3A_705 : i32
      %add3A_707 = arith.constant 39 : i32
      %add3A_708 = arith.addi %mul3A_706, %add3A_707 : i32
      %mul3A_709 = arith.constant 4 : i32
      %mul3A_710 = arith.muli %add3A_708, %mul3A_709 : i32
      %dma_start3A_711 = arith.constant 0 : i32
      %dma_start3A_712 = arith.constant 0 : i32
      %dma_start3A_713 = tpu.memref_slice %arg3[%mul3A_710, %dma_start3A_711, %dma_start3A_712] : memref<512x256x256xf32, #tpu.memory_space<hbm>> -> memref<4x256x256xf32, #tpu.memory_space<hbm>>
      tpu.enqueue_dma source(%arg8 : memref<4x256x256xf32, #tpu.memory_space<vmem_shared>>) target(%dma_start3A_713 : memref<4x256x256xf32, #tpu.memory_space<hbm>>) target_semaphore(%arg20 : memref<!tpu.dma_semaphore, #tpu.memory_space<semaphore_mem>>)
      %mul3A_714 = arith.constant 64 : i32
      %mul3A_715 = arith.muli %arg0, %mul3A_714 : i32
      %add3A_716 = arith.constant 37 : i32
      %add3A_717 = arith.addi %mul3A_715, %add3A_716 : i32
      %mul3A_718 = arith.constant 4 : i32
      %mul3A_719 = arith.muli %add3A_717, %mul3A_718 : i32
      %dma_wait3A_720 = arith.constant 0 : i32
      %dma_wait3A_721 = arith.constant 0 : i32
      %dma_wait3A_722 = tpu.memref_slice %arg3[%mul3A_719, %dma_wait3A_720, %dma_wait3A_721] : memref<512x256x256xf32, #tpu.memory_space<hbm>> -> memref<4x256x256xf32, #tpu.memory_space<hbm>>
      tpu.wait_dma2 semaphore(%arg19 : memref<!tpu.dma_semaphore, #tpu.memory_space<semaphore_mem>>) src(%arg7 : memref<4x256x256xf32, #tpu.memory_space<vmem_shared>>) dst(%dma_wait3A_722 : memref<4x256x256xf32, #tpu.memory_space<hbm>>)
      %mul3A_723 = arith.constant 64 : i32
      %mul3A_724 = arith.muli %arg0, %mul3A_723 : i32
      %add3A_725 = arith.constant 43 : i32
      %add3A_726 = arith.addi %mul3A_724, %add3A_725 : i32
      %mul3A_727 = arith.constant 4 : i32
      %mul3A_728 = arith.muli %add3A_726, %mul3A_727 : i32
      %dma_start3A_729 = arith.constant 0 : i32
      %dma_start3A_730 = arith.constant 0 : i32
      %dma_start3A_731 = tpu.memref_slice %arg2[%mul3A_728, %dma_start3A_729, %dma_start3A_730] : memref<512x256x256xf32, #tpu.memory_space<hbm>> -> memref<4x256x256xf32, #tpu.memory_space<hbm>>
      tpu.enqueue_dma source(%dma_start3A_731 : memref<4x256x256xf32, #tpu.memory_space<hbm>>) target(%arg7 : memref<4x256x256xf32, #tpu.memory_space<vmem_shared>>) target_semaphore(%arg13 : memref<!tpu.dma_semaphore, #tpu.memory_space<semaphore_mem>>)
      %mul3A_732 = arith.constant 64 : i32
      %mul3A_733 = arith.muli %arg0, %mul3A_732 : i32
      %add3A_734 = arith.constant 41 : i32
      %add3A_735 = arith.addi %mul3A_733, %add3A_734 : i32
      %mul3A_736 = arith.constant 4 : i32
      %mul3A_737 = arith.muli %add3A_735, %mul3A_736 : i32
      %dma_wait3A_738 = arith.constant 0 : i32
      %dma_wait3A_739 = arith.constant 0 : i32
      %dma_wait3A_740 = tpu.memref_slice %arg2[%mul3A_737, %dma_wait3A_738, %dma_wait3A_739] : memref<512x256x256xf32, #tpu.memory_space<hbm>> -> memref<4x256x256xf32, #tpu.memory_space<hbm>>
      tpu.wait_dma2 semaphore(%arg15 : memref<!tpu.dma_semaphore, #tpu.memory_space<semaphore_mem>>) src(%dma_wait3A_740 : memref<4x256x256xf32, #tpu.memory_space<hbm>>) dst(%arg9 : memref<4x256x256xf32, #tpu.memory_space<vmem_shared>>)
      %mul3A_741 = arith.constant 64 : i32
      %mul3A_742 = arith.muli %arg0, %mul3A_741 : i32
      %add3A_743 = arith.constant 41 : i32
      %add3A_744 = arith.addi %mul3A_742, %add3A_743 : i32
      %mul3A_745 = arith.constant 4 : i32
      %mul3A_746 = arith.muli %add3A_744, %mul3A_745 : i32
      %dma_start3A_747 = arith.constant 0 : i32
      %dma_start3A_748 = arith.constant 0 : i32
      %dma_start3A_749 = tpu.memref_slice %arg3[%mul3A_746, %dma_start3A_747, %dma_start3A_748] : memref<512x256x256xf32, #tpu.memory_space<hbm>> -> memref<4x256x256xf32, #tpu.memory_space<hbm>>
      tpu.enqueue_dma source(%arg9 : memref<4x256x256xf32, #tpu.memory_space<vmem_shared>>) target(%dma_start3A_749 : memref<4x256x256xf32, #tpu.memory_space<hbm>>) target_semaphore(%arg21 : memref<!tpu.dma_semaphore, #tpu.memory_space<semaphore_mem>>)
      %mul3A_750 = arith.constant 64 : i32
      %mul3A_751 = arith.muli %arg0, %mul3A_750 : i32
      %add3A_752 = arith.constant 39 : i32
      %add3A_753 = arith.addi %mul3A_751, %add3A_752 : i32
      %mul3A_754 = arith.constant 4 : i32
      %mul3A_755 = arith.muli %add3A_753, %mul3A_754 : i32
      %dma_wait3A_756 = arith.constant 0 : i32
      %dma_wait3A_757 = arith.constant 0 : i32
      %dma_wait3A_758 = tpu.memref_slice %arg3[%mul3A_755, %dma_wait3A_756, %dma_wait3A_757] : memref<512x256x256xf32, #tpu.memory_space<hbm>> -> memref<4x256x256xf32, #tpu.memory_space<hbm>>
      tpu.wait_dma2 semaphore(%arg20 : memref<!tpu.dma_semaphore, #tpu.memory_space<semaphore_mem>>) src(%arg8 : memref<4x256x256xf32, #tpu.memory_space<vmem_shared>>) dst(%dma_wait3A_758 : memref<4x256x256xf32, #tpu.memory_space<hbm>>)
      %mul3A_759 = arith.constant 64 : i32
      %mul3A_760 = arith.muli %arg0, %mul3A_759 : i32
      %add3A_761 = arith.constant 45 : i32
      %add3A_762 = arith.addi %mul3A_760, %add3A_761 : i32
      %mul3A_763 = arith.constant 4 : i32
      %mul3A_764 = arith.muli %add3A_762, %mul3A_763 : i32
      %dma_start3A_765 = arith.constant 0 : i32
      %dma_start3A_766 = arith.constant 0 : i32
      %dma_start3A_767 = tpu.memref_slice %arg2[%mul3A_764, %dma_start3A_765, %dma_start3A_766] : memref<512x256x256xf32, #tpu.memory_space<hbm>> -> memref<4x256x256xf32, #tpu.memory_space<hbm>>
      tpu.enqueue_dma source(%dma_start3A_767 : memref<4x256x256xf32, #tpu.memory_space<hbm>>) target(%arg8 : memref<4x256x256xf32, #tpu.memory_space<vmem_shared>>) target_semaphore(%arg14 : memref<!tpu.dma_semaphore, #tpu.memory_space<semaphore_mem>>)
      %mul3A_768 = arith.constant 64 : i32
      %mul3A_769 = arith.muli %arg0, %mul3A_768 : i32
      %add3A_770 = arith.constant 43 : i32
      %add3A_771 = arith.addi %mul3A_769, %add3A_770 : i32
      %mul3A_772 = arith.constant 4 : i32
      %mul3A_773 = arith.muli %add3A_771, %mul3A_772 : i32
      %dma_wait3A_774 = arith.constant 0 : i32
      %dma_wait3A_775 = arith.constant 0 : i32
      %dma_wait3A_776 = tpu.memref_slice %arg2[%mul3A_773, %dma_wait3A_774, %dma_wait3A_775] : memref<512x256x256xf32, #tpu.memory_space<hbm>> -> memref<4x256x256xf32, #tpu.memory_space<hbm>>
      tpu.wait_dma2 semaphore(%arg13 : memref<!tpu.dma_semaphore, #tpu.memory_space<semaphore_mem>>) src(%dma_wait3A_776 : memref<4x256x256xf32, #tpu.memory_space<hbm>>) dst(%arg7 : memref<4x256x256xf32, #tpu.memory_space<vmem_shared>>)
      %mul3A_777 = arith.constant 64 : i32
      %mul3A_778 = arith.muli %arg0, %mul3A_777 : i32
      %add3A_779 = arith.constant 43 : i32
      %add3A_780 = arith.addi %mul3A_778, %add3A_779 : i32
      %mul3A_781 = arith.constant 4 : i32
      %mul3A_782 = arith.muli %add3A_780, %mul3A_781 : i32
      %dma_start3A_783 = arith.constant 0 : i32
      %dma_start3A_784 = arith.constant 0 : i32
      %dma_start3A_785 = tpu.memref_slice %arg3[%mul3A_782, %dma_start3A_783, %dma_start3A_784] : memref<512x256x256xf32, #tpu.memory_space<hbm>> -> memref<4x256x256xf32, #tpu.memory_space<hbm>>
      tpu.enqueue_dma source(%arg7 : memref<4x256x256xf32, #tpu.memory_space<vmem_shared>>) target(%dma_start3A_785 : memref<4x256x256xf32, #tpu.memory_space<hbm>>) target_semaphore(%arg19 : memref<!tpu.dma_semaphore, #tpu.memory_space<semaphore_mem>>)
      %mul3A_786 = arith.constant 64 : i32
      %mul3A_787 = arith.muli %arg0, %mul3A_786 : i32
      %add3A_788 = arith.constant 41 : i32
      %add3A_789 = arith.addi %mul3A_787, %add3A_788 : i32
      %mul3A_790 = arith.constant 4 : i32
      %mul3A_791 = arith.muli %add3A_789, %mul3A_790 : i32
      %dma_wait3A_792 = arith.constant 0 : i32
      %dma_wait3A_793 = arith.constant 0 : i32
      %dma_wait3A_794 = tpu.memref_slice %arg3[%mul3A_791, %dma_wait3A_792, %dma_wait3A_793] : memref<512x256x256xf32, #tpu.memory_space<hbm>> -> memref<4x256x256xf32, #tpu.memory_space<hbm>>
      tpu.wait_dma2 semaphore(%arg21 : memref<!tpu.dma_semaphore, #tpu.memory_space<semaphore_mem>>) src(%arg9 : memref<4x256x256xf32, #tpu.memory_space<vmem_shared>>) dst(%dma_wait3A_794 : memref<4x256x256xf32, #tpu.memory_space<hbm>>)
      %mul3A_795 = arith.constant 64 : i32
      %mul3A_796 = arith.muli %arg0, %mul3A_795 : i32
      %add3A_797 = arith.constant 47 : i32
      %add3A_798 = arith.addi %mul3A_796, %add3A_797 : i32
      %mul3A_799 = arith.constant 4 : i32
      %mul3A_800 = arith.muli %add3A_798, %mul3A_799 : i32
      %dma_start3A_801 = arith.constant 0 : i32
      %dma_start3A_802 = arith.constant 0 : i32
      %dma_start3A_803 = tpu.memref_slice %arg2[%mul3A_800, %dma_start3A_801, %dma_start3A_802] : memref<512x256x256xf32, #tpu.memory_space<hbm>> -> memref<4x256x256xf32, #tpu.memory_space<hbm>>
      tpu.enqueue_dma source(%dma_start3A_803 : memref<4x256x256xf32, #tpu.memory_space<hbm>>) target(%arg9 : memref<4x256x256xf32, #tpu.memory_space<vmem_shared>>) target_semaphore(%arg15 : memref<!tpu.dma_semaphore, #tpu.memory_space<semaphore_mem>>)
      %mul3A_804 = arith.constant 64 : i32
      %mul3A_805 = arith.muli %arg0, %mul3A_804 : i32
      %add3A_806 = arith.constant 45 : i32
      %add3A_807 = arith.addi %mul3A_805, %add3A_806 : i32
      %mul3A_808 = arith.constant 4 : i32
      %mul3A_809 = arith.muli %add3A_807, %mul3A_808 : i32
      %dma_wait3A_810 = arith.constant 0 : i32
      %dma_wait3A_811 = arith.constant 0 : i32
      %dma_wait3A_812 = tpu.memref_slice %arg2[%mul3A_809, %dma_wait3A_810, %dma_wait3A_811] : memref<512x256x256xf32, #tpu.memory_space<hbm>> -> memref<4x256x256xf32, #tpu.memory_space<hbm>>
      tpu.wait_dma2 semaphore(%arg14 : memref<!tpu.dma_semaphore, #tpu.memory_space<semaphore_mem>>) src(%dma_wait3A_812 : memref<4x256x256xf32, #tpu.memory_space<hbm>>) dst(%arg8 : memref<4x256x256xf32, #tpu.memory_space<vmem_shared>>)
      %mul3A_813 = arith.constant 64 : i32
      %mul3A_814 = arith.muli %arg0, %mul3A_813 : i32
      %add3A_815 = arith.constant 45 : i32
      %add3A_816 = arith.addi %mul3A_814, %add3A_815 : i32
      %mul3A_817 = arith.constant 4 : i32
      %mul3A_818 = arith.muli %add3A_816, %mul3A_817 : i32
      %dma_start3A_819 = arith.constant 0 : i32
      %dma_start3A_820 = arith.constant 0 : i32
      %dma_start3A_821 = tpu.memref_slice %arg3[%mul3A_818, %dma_start3A_819, %dma_start3A_820] : memref<512x256x256xf32, #tpu.memory_space<hbm>> -> memref<4x256x256xf32, #tpu.memory_space<hbm>>
      tpu.enqueue_dma source(%arg8 : memref<4x256x256xf32, #tpu.memory_space<vmem_shared>>) target(%dma_start3A_821 : memref<4x256x256xf32, #tpu.memory_space<hbm>>) target_semaphore(%arg20 : memref<!tpu.dma_semaphore, #tpu.memory_space<semaphore_mem>>)
      %mul3A_822 = arith.constant 64 : i32
      %mul3A_823 = arith.muli %arg0, %mul3A_822 : i32
      %add3A_824 = arith.constant 43 : i32
      %add3A_825 = arith.addi %mul3A_823, %add3A_824 : i32
      %mul3A_826 = arith.constant 4 : i32
      %mul3A_827 = arith.muli %add3A_825, %mul3A_826 : i32
      %dma_wait3A_828 = arith.constant 0 : i32
      %dma_wait3A_829 = arith.constant 0 : i32
      %dma_wait3A_830 = tpu.memref_slice %arg3[%mul3A_827, %dma_wait3A_828, %dma_wait3A_829] : memref<512x256x256xf32, #tpu.memory_space<hbm>> -> memref<4x256x256xf32, #tpu.memory_space<hbm>>
      tpu.wait_dma2 semaphore(%arg19 : memref<!tpu.dma_semaphore, #tpu.memory_space<semaphore_mem>>) src(%arg7 : memref<4x256x256xf32, #tpu.memory_space<vmem_shared>>) dst(%dma_wait3A_830 : memref<4x256x256xf32, #tpu.memory_space<hbm>>)
      %mul3A_831 = arith.constant 64 : i32
      %mul3A_832 = arith.muli %arg0, %mul3A_831 : i32
      %add3A_833 = arith.constant 49 : i32
      %add3A_834 = arith.addi %mul3A_832, %add3A_833 : i32
      %mul3A_835 = arith.constant 4 : i32
      %mul3A_836 = arith.muli %add3A_834, %mul3A_835 : i32
      %dma_start3A_837 = arith.constant 0 : i32
      %dma_start3A_838 = arith.constant 0 : i32
      %dma_start3A_839 = tpu.memref_slice %arg2[%mul3A_836, %dma_start3A_837, %dma_start3A_838] : memref<512x256x256xf32, #tpu.memory_space<hbm>> -> memref<4x256x256xf32, #tpu.memory_space<hbm>>
      tpu.enqueue_dma source(%dma_start3A_839 : memref<4x256x256xf32, #tpu.memory_space<hbm>>) target(%arg7 : memref<4x256x256xf32, #tpu.memory_space<vmem_shared>>) target_semaphore(%arg13 : memref<!tpu.dma_semaphore, #tpu.memory_space<semaphore_mem>>)
      %mul3A_840 = arith.constant 64 : i32
      %mul3A_841 = arith.muli %arg0, %mul3A_840 : i32
      %add3A_842 = arith.constant 47 : i32
      %add3A_843 = arith.addi %mul3A_841, %add3A_842 : i32
      %mul3A_844 = arith.constant 4 : i32
      %mul3A_845 = arith.muli %add3A_843, %mul3A_844 : i32
      %dma_wait3A_846 = arith.constant 0 : i32
      %dma_wait3A_847 = arith.constant 0 : i32
      %dma_wait3A_848 = tpu.memref_slice %arg2[%mul3A_845, %dma_wait3A_846, %dma_wait3A_847] : memref<512x256x256xf32, #tpu.memory_space<hbm>> -> memref<4x256x256xf32, #tpu.memory_space<hbm>>
      tpu.wait_dma2 semaphore(%arg15 : memref<!tpu.dma_semaphore, #tpu.memory_space<semaphore_mem>>) src(%dma_wait3A_848 : memref<4x256x256xf32, #tpu.memory_space<hbm>>) dst(%arg9 : memref<4x256x256xf32, #tpu.memory_space<vmem_shared>>)
      %mul3A_849 = arith.constant 64 : i32
      %mul3A_850 = arith.muli %arg0, %mul3A_849 : i32
      %add3A_851 = arith.constant 47 : i32
      %add3A_852 = arith.addi %mul3A_850, %add3A_851 : i32
      %mul3A_853 = arith.constant 4 : i32
      %mul3A_854 = arith.muli %add3A_852, %mul3A_853 : i32
      %dma_start3A_855 = arith.constant 0 : i32
      %dma_start3A_856 = arith.constant 0 : i32
      %dma_start3A_857 = tpu.memref_slice %arg3[%mul3A_854, %dma_start3A_855, %dma_start3A_856] : memref<512x256x256xf32, #tpu.memory_space<hbm>> -> memref<4x256x256xf32, #tpu.memory_space<hbm>>
      tpu.enqueue_dma source(%arg9 : memref<4x256x256xf32, #tpu.memory_space<vmem_shared>>) target(%dma_start3A_857 : memref<4x256x256xf32, #tpu.memory_space<hbm>>) target_semaphore(%arg21 : memref<!tpu.dma_semaphore, #tpu.memory_space<semaphore_mem>>)
      %mul3A_858 = arith.constant 64 : i32
      %mul3A_859 = arith.muli %arg0, %mul3A_858 : i32
      %add3A_860 = arith.constant 45 : i32
      %add3A_861 = arith.addi %mul3A_859, %add3A_860 : i32
      %mul3A_862 = arith.constant 4 : i32
      %mul3A_863 = arith.muli %add3A_861, %mul3A_862 : i32
      %dma_wait3A_864 = arith.constant 0 : i32
      %dma_wait3A_865 = arith.constant 0 : i32
      %dma_wait3A_866 = tpu.memref_slice %arg3[%mul3A_863, %dma_wait3A_864, %dma_wait3A_865] : memref<512x256x256xf32, #tpu.memory_space<hbm>> -> memref<4x256x256xf32, #tpu.memory_space<hbm>>
      tpu.wait_dma2 semaphore(%arg20 : memref<!tpu.dma_semaphore, #tpu.memory_space<semaphore_mem>>) src(%arg8 : memref<4x256x256xf32, #tpu.memory_space<vmem_shared>>) dst(%dma_wait3A_866 : memref<4x256x256xf32, #tpu.memory_space<hbm>>)
      %mul3A_867 = arith.constant 64 : i32
      %mul3A_868 = arith.muli %arg0, %mul3A_867 : i32
      %add3A_869 = arith.constant 51 : i32
      %add3A_870 = arith.addi %mul3A_868, %add3A_869 : i32
      %mul3A_871 = arith.constant 4 : i32
      %mul3A_872 = arith.muli %add3A_870, %mul3A_871 : i32
      %dma_start3A_873 = arith.constant 0 : i32
      %dma_start3A_874 = arith.constant 0 : i32
      %dma_start3A_875 = tpu.memref_slice %arg2[%mul3A_872, %dma_start3A_873, %dma_start3A_874] : memref<512x256x256xf32, #tpu.memory_space<hbm>> -> memref<4x256x256xf32, #tpu.memory_space<hbm>>
      tpu.enqueue_dma source(%dma_start3A_875 : memref<4x256x256xf32, #tpu.memory_space<hbm>>) target(%arg8 : memref<4x256x256xf32, #tpu.memory_space<vmem_shared>>) target_semaphore(%arg14 : memref<!tpu.dma_semaphore, #tpu.memory_space<semaphore_mem>>)
      %mul3A_876 = arith.constant 64 : i32
      %mul3A_877 = arith.muli %arg0, %mul3A_876 : i32
      %add3A_878 = arith.constant 49 : i32
      %add3A_879 = arith.addi %mul3A_877, %add3A_878 : i32
      %mul3A_880 = arith.constant 4 : i32
      %mul3A_881 = arith.muli %add3A_879, %mul3A_880 : i32
      %dma_wait3A_882 = arith.constant 0 : i32
      %dma_wait3A_883 = arith.constant 0 : i32
      %dma_wait3A_884 = tpu.memref_slice %arg2[%mul3A_881, %dma_wait3A_882, %dma_wait3A_883] : memref<512x256x256xf32, #tpu.memory_space<hbm>> -> memref<4x256x256xf32, #tpu.memory_space<hbm>>
      tpu.wait_dma2 semaphore(%arg13 : memref<!tpu.dma_semaphore, #tpu.memory_space<semaphore_mem>>) src(%dma_wait3A_884 : memref<4x256x256xf32, #tpu.memory_space<hbm>>) dst(%arg7 : memref<4x256x256xf32, #tpu.memory_space<vmem_shared>>)
      %mul3A_885 = arith.constant 64 : i32
      %mul3A_886 = arith.muli %arg0, %mul3A_885 : i32
      %add3A_887 = arith.constant 49 : i32
      %add3A_888 = arith.addi %mul3A_886, %add3A_887 : i32
      %mul3A_889 = arith.constant 4 : i32
      %mul3A_890 = arith.muli %add3A_888, %mul3A_889 : i32
      %dma_start3A_891 = arith.constant 0 : i32
      %dma_start3A_892 = arith.constant 0 : i32
      %dma_start3A_893 = tpu.memref_slice %arg3[%mul3A_890, %dma_start3A_891, %dma_start3A_892] : memref<512x256x256xf32, #tpu.memory_space<hbm>> -> memref<4x256x256xf32, #tpu.memory_space<hbm>>
      tpu.enqueue_dma source(%arg7 : memref<4x256x256xf32, #tpu.memory_space<vmem_shared>>) target(%dma_start3A_893 : memref<4x256x256xf32, #tpu.memory_space<hbm>>) target_semaphore(%arg19 : memref<!tpu.dma_semaphore, #tpu.memory_space<semaphore_mem>>)
      %mul3A_894 = arith.constant 64 : i32
      %mul3A_895 = arith.muli %arg0, %mul3A_894 : i32
      %add3A_896 = arith.constant 47 : i32
      %add3A_897 = arith.addi %mul3A_895, %add3A_896 : i32
      %mul3A_898 = arith.constant 4 : i32
      %mul3A_899 = arith.muli %add3A_897, %mul3A_898 : i32
      %dma_wait3A_900 = arith.constant 0 : i32
      %dma_wait3A_901 = arith.constant 0 : i32
      %dma_wait3A_902 = tpu.memref_slice %arg3[%mul3A_899, %dma_wait3A_900, %dma_wait3A_901] : memref<512x256x256xf32, #tpu.memory_space<hbm>> -> memref<4x256x256xf32, #tpu.memory_space<hbm>>
      tpu.wait_dma2 semaphore(%arg21 : memref<!tpu.dma_semaphore, #tpu.memory_space<semaphore_mem>>) src(%arg9 : memref<4x256x256xf32, #tpu.memory_space<vmem_shared>>) dst(%dma_wait3A_902 : memref<4x256x256xf32, #tpu.memory_space<hbm>>)
      %mul3A_903 = arith.constant 64 : i32
      %mul3A_904 = arith.muli %arg0, %mul3A_903 : i32
      %add3A_905 = arith.constant 53 : i32
      %add3A_906 = arith.addi %mul3A_904, %add3A_905 : i32
      %mul3A_907 = arith.constant 4 : i32
      %mul3A_908 = arith.muli %add3A_906, %mul3A_907 : i32
      %dma_start3A_909 = arith.constant 0 : i32
      %dma_start3A_910 = arith.constant 0 : i32
      %dma_start3A_911 = tpu.memref_slice %arg2[%mul3A_908, %dma_start3A_909, %dma_start3A_910] : memref<512x256x256xf32, #tpu.memory_space<hbm>> -> memref<4x256x256xf32, #tpu.memory_space<hbm>>
      tpu.enqueue_dma source(%dma_start3A_911 : memref<4x256x256xf32, #tpu.memory_space<hbm>>) target(%arg9 : memref<4x256x256xf32, #tpu.memory_space<vmem_shared>>) target_semaphore(%arg15 : memref<!tpu.dma_semaphore, #tpu.memory_space<semaphore_mem>>)
      %mul3A_912 = arith.constant 64 : i32
      %mul3A_913 = arith.muli %arg0, %mul3A_912 : i32
      %add3A_914 = arith.constant 51 : i32
      %add3A_915 = arith.addi %mul3A_913, %add3A_914 : i32
      %mul3A_916 = arith.constant 4 : i32
      %mul3A_917 = arith.muli %add3A_915, %mul3A_916 : i32
      %dma_wait3A_918 = arith.constant 0 : i32
      %dma_wait3A_919 = arith.constant 0 : i32
      %dma_wait3A_920 = tpu.memref_slice %arg2[%mul3A_917, %dma_wait3A_918, %dma_wait3A_919] : memref<512x256x256xf32, #tpu.memory_space<hbm>> -> memref<4x256x256xf32, #tpu.memory_space<hbm>>
      tpu.wait_dma2 semaphore(%arg14 : memref<!tpu.dma_semaphore, #tpu.memory_space<semaphore_mem>>) src(%dma_wait3A_920 : memref<4x256x256xf32, #tpu.memory_space<hbm>>) dst(%arg8 : memref<4x256x256xf32, #tpu.memory_space<vmem_shared>>)
      %mul3A_921 = arith.constant 64 : i32
      %mul3A_922 = arith.muli %arg0, %mul3A_921 : i32
      %add3A_923 = arith.constant 51 : i32
      %add3A_924 = arith.addi %mul3A_922, %add3A_923 : i32
      %mul3A_925 = arith.constant 4 : i32
      %mul3A_926 = arith.muli %add3A_924, %mul3A_925 : i32
      %dma_start3A_927 = arith.constant 0 : i32
      %dma_start3A_928 = arith.constant 0 : i32
      %dma_start3A_929 = tpu.memref_slice %arg3[%mul3A_926, %dma_start3A_927, %dma_start3A_928] : memref<512x256x256xf32, #tpu.memory_space<hbm>> -> memref<4x256x256xf32, #tpu.memory_space<hbm>>
      tpu.enqueue_dma source(%arg8 : memref<4x256x256xf32, #tpu.memory_space<vmem_shared>>) target(%dma_start3A_929 : memref<4x256x256xf32, #tpu.memory_space<hbm>>) target_semaphore(%arg20 : memref<!tpu.dma_semaphore, #tpu.memory_space<semaphore_mem>>)
      %mul3A_930 = arith.constant 64 : i32
      %mul3A_931 = arith.muli %arg0, %mul3A_930 : i32
      %add3A_932 = arith.constant 49 : i32
      %add3A_933 = arith.addi %mul3A_931, %add3A_932 : i32
      %mul3A_934 = arith.constant 4 : i32
      %mul3A_935 = arith.muli %add3A_933, %mul3A_934 : i32
      %dma_wait3A_936 = arith.constant 0 : i32
      %dma_wait3A_937 = arith.constant 0 : i32
      %dma_wait3A_938 = tpu.memref_slice %arg3[%mul3A_935, %dma_wait3A_936, %dma_wait3A_937] : memref<512x256x256xf32, #tpu.memory_space<hbm>> -> memref<4x256x256xf32, #tpu.memory_space<hbm>>
      tpu.wait_dma2 semaphore(%arg19 : memref<!tpu.dma_semaphore, #tpu.memory_space<semaphore_mem>>) src(%arg7 : memref<4x256x256xf32, #tpu.memory_space<vmem_shared>>) dst(%dma_wait3A_938 : memref<4x256x256xf32, #tpu.memory_space<hbm>>)
      %mul3A_939 = arith.constant 64 : i32
      %mul3A_940 = arith.muli %arg0, %mul3A_939 : i32
      %add3A_941 = arith.constant 55 : i32
      %add3A_942 = arith.addi %mul3A_940, %add3A_941 : i32
      %mul3A_943 = arith.constant 4 : i32
      %mul3A_944 = arith.muli %add3A_942, %mul3A_943 : i32
      %dma_start3A_945 = arith.constant 0 : i32
      %dma_start3A_946 = arith.constant 0 : i32
      %dma_start3A_947 = tpu.memref_slice %arg2[%mul3A_944, %dma_start3A_945, %dma_start3A_946] : memref<512x256x256xf32, #tpu.memory_space<hbm>> -> memref<4x256x256xf32, #tpu.memory_space<hbm>>
      tpu.enqueue_dma source(%dma_start3A_947 : memref<4x256x256xf32, #tpu.memory_space<hbm>>) target(%arg7 : memref<4x256x256xf32, #tpu.memory_space<vmem_shared>>) target_semaphore(%arg13 : memref<!tpu.dma_semaphore, #tpu.memory_space<semaphore_mem>>)
      %mul3A_948 = arith.constant 64 : i32
      %mul3A_949 = arith.muli %arg0, %mul3A_948 : i32
      %add3A_950 = arith.constant 53 : i32
      %add3A_951 = arith.addi %mul3A_949, %add3A_950 : i32
      %mul3A_952 = arith.constant 4 : i32
      %mul3A_953 = arith.muli %add3A_951, %mul3A_952 : i32
      %dma_wait3A_954 = arith.constant 0 : i32
      %dma_wait3A_955 = arith.constant 0 : i32
      %dma_wait3A_956 = tpu.memref_slice %arg2[%mul3A_953, %dma_wait3A_954, %dma_wait3A_955] : memref<512x256x256xf32, #tpu.memory_space<hbm>> -> memref<4x256x256xf32, #tpu.memory_space<hbm>>
      tpu.wait_dma2 semaphore(%arg15 : memref<!tpu.dma_semaphore, #tpu.memory_space<semaphore_mem>>) src(%dma_wait3A_956 : memref<4x256x256xf32, #tpu.memory_space<hbm>>) dst(%arg9 : memref<4x256x256xf32, #tpu.memory_space<vmem_shared>>)
      %mul3A_957 = arith.constant 64 : i32
      %mul3A_958 = arith.muli %arg0, %mul3A_957 : i32
      %add3A_959 = arith.constant 53 : i32
      %add3A_960 = arith.addi %mul3A_958, %add3A_959 : i32
      %mul3A_961 = arith.constant 4 : i32
      %mul3A_962 = arith.muli %add3A_960, %mul3A_961 : i32
      %dma_start3A_963 = arith.constant 0 : i32
      %dma_start3A_964 = arith.constant 0 : i32
      %dma_start3A_965 = tpu.memref_slice %arg3[%mul3A_962, %dma_start3A_963, %dma_start3A_964] : memref<512x256x256xf32, #tpu.memory_space<hbm>> -> memref<4x256x256xf32, #tpu.memory_space<hbm>>
      tpu.enqueue_dma source(%arg9 : memref<4x256x256xf32, #tpu.memory_space<vmem_shared>>) target(%dma_start3A_965 : memref<4x256x256xf32, #tpu.memory_space<hbm>>) target_semaphore(%arg21 : memref<!tpu.dma_semaphore, #tpu.memory_space<semaphore_mem>>)
      %mul3A_966 = arith.constant 64 : i32
      %mul3A_967 = arith.muli %arg0, %mul3A_966 : i32
      %add3A_968 = arith.constant 51 : i32
      %add3A_969 = arith.addi %mul3A_967, %add3A_968 : i32
      %mul3A_970 = arith.constant 4 : i32
      %mul3A_971 = arith.muli %add3A_969, %mul3A_970 : i32
      %dma_wait3A_972 = arith.constant 0 : i32
      %dma_wait3A_973 = arith.constant 0 : i32
      %dma_wait3A_974 = tpu.memref_slice %arg3[%mul3A_971, %dma_wait3A_972, %dma_wait3A_973] : memref<512x256x256xf32, #tpu.memory_space<hbm>> -> memref<4x256x256xf32, #tpu.memory_space<hbm>>
      tpu.wait_dma2 semaphore(%arg20 : memref<!tpu.dma_semaphore, #tpu.memory_space<semaphore_mem>>) src(%arg8 : memref<4x256x256xf32, #tpu.memory_space<vmem_shared>>) dst(%dma_wait3A_974 : memref<4x256x256xf32, #tpu.memory_space<hbm>>)
      %mul3A_975 = arith.constant 64 : i32
      %mul3A_976 = arith.muli %arg0, %mul3A_975 : i32
      %add3A_977 = arith.constant 57 : i32
      %add3A_978 = arith.addi %mul3A_976, %add3A_977 : i32
      %mul3A_979 = arith.constant 4 : i32
      %mul3A_980 = arith.muli %add3A_978, %mul3A_979 : i32
      %dma_start3A_981 = arith.constant 0 : i32
      %dma_start3A_982 = arith.constant 0 : i32
      %dma_start3A_983 = tpu.memref_slice %arg2[%mul3A_980, %dma_start3A_981, %dma_start3A_982] : memref<512x256x256xf32, #tpu.memory_space<hbm>> -> memref<4x256x256xf32, #tpu.memory_space<hbm>>
      tpu.enqueue_dma source(%dma_start3A_983 : memref<4x256x256xf32, #tpu.memory_space<hbm>>) target(%arg8 : memref<4x256x256xf32, #tpu.memory_space<vmem_shared>>) target_semaphore(%arg14 : memref<!tpu.dma_semaphore, #tpu.memory_space<semaphore_mem>>)
      %mul3A_984 = arith.constant 64 : i32
      %mul3A_985 = arith.muli %arg0, %mul3A_984 : i32
      %add3A_986 = arith.constant 55 : i32
      %add3A_987 = arith.addi %mul3A_985, %add3A_986 : i32
      %mul3A_988 = arith.constant 4 : i32
      %mul3A_989 = arith.muli %add3A_987, %mul3A_988 : i32
      %dma_wait3A_990 = arith.constant 0 : i32
      %dma_wait3A_991 = arith.constant 0 : i32
      %dma_wait3A_992 = tpu.memref_slice %arg2[%mul3A_989, %dma_wait3A_990, %dma_wait3A_991] : memref<512x256x256xf32, #tpu.memory_space<hbm>> -> memref<4x256x256xf32, #tpu.memory_space<hbm>>
      tpu.wait_dma2 semaphore(%arg13 : memref<!tpu.dma_semaphore, #tpu.memory_space<semaphore_mem>>) src(%dma_wait3A_992 : memref<4x256x256xf32, #tpu.memory_space<hbm>>) dst(%arg7 : memref<4x256x256xf32, #tpu.memory_space<vmem_shared>>)
      %mul3A_993 = arith.constant 64 : i32
      %mul3A_994 = arith.muli %arg0, %mul3A_993 : i32
      %add3A_995 = arith.constant 55 : i32
      %add3A_996 = arith.addi %mul3A_994, %add3A_995 : i32
      %mul3A_997 = arith.constant 4 : i32
      %mul3A_998 = arith.muli %add3A_996, %mul3A_997 : i32
      %dma_start3A_999 = arith.constant 0 : i32
      %dma_start3A_1000 = arith.constant 0 : i32
      %dma_start3A_1001 = tpu.memref_slice %arg3[%mul3A_998, %dma_start3A_999, %dma_start3A_1000] : memref<512x256x256xf32, #tpu.memory_space<hbm>> -> memref<4x256x256xf32, #tpu.memory_space<hbm>>
      tpu.enqueue_dma source(%arg7 : memref<4x256x256xf32, #tpu.memory_space<vmem_shared>>) target(%dma_start3A_1001 : memref<4x256x256xf32, #tpu.memory_space<hbm>>) target_semaphore(%arg19 : memref<!tpu.dma_semaphore, #tpu.memory_space<semaphore_mem>>)
      %mul3A_1002 = arith.constant 64 : i32
      %mul3A_1003 = arith.muli %arg0, %mul3A_1002 : i32
      %add3A_1004 = arith.constant 53 : i32
      %add3A_1005 = arith.addi %mul3A_1003, %add3A_1004 : i32
      %mul3A_1006 = arith.constant 4 : i32
      %mul3A_1007 = arith.muli %add3A_1005, %mul3A_1006 : i32
      %dma_wait3A_1008 = arith.constant 0 : i32
      %dma_wait3A_1009 = arith.constant 0 : i32
      %dma_wait3A_1010 = tpu.memref_slice %arg3[%mul3A_1007, %dma_wait3A_1008, %dma_wait3A_1009] : memref<512x256x256xf32, #tpu.memory_space<hbm>> -> memref<4x256x256xf32, #tpu.memory_space<hbm>>
      tpu.wait_dma2 semaphore(%arg21 : memref<!tpu.dma_semaphore, #tpu.memory_space<semaphore_mem>>) src(%arg9 : memref<4x256x256xf32, #tpu.memory_space<vmem_shared>>) dst(%dma_wait3A_1010 : memref<4x256x256xf32, #tpu.memory_space<hbm>>)
      %mul3A_1011 = arith.constant 64 : i32
      %mul3A_1012 = arith.muli %arg0, %mul3A_1011 : i32
      %add3A_1013 = arith.constant 59 : i32
      %add3A_1014 = arith.addi %mul3A_1012, %add3A_1013 : i32
      %mul3A_1015 = arith.constant 4 : i32
      %mul3A_1016 = arith.muli %add3A_1014, %mul3A_1015 : i32
      %dma_start3A_1017 = arith.constant 0 : i32
      %dma_start3A_1018 = arith.constant 0 : i32
      %dma_start3A_1019 = tpu.memref_slice %arg2[%mul3A_1016, %dma_start3A_1017, %dma_start3A_1018] : memref<512x256x256xf32, #tpu.memory_space<hbm>> -> memref<4x256x256xf32, #tpu.memory_space<hbm>>
      tpu.enqueue_dma source(%dma_start3A_1019 : memref<4x256x256xf32, #tpu.memory_space<hbm>>) target(%arg9 : memref<4x256x256xf32, #tpu.memory_space<vmem_shared>>) target_semaphore(%arg15 : memref<!tpu.dma_semaphore, #tpu.memory_space<semaphore_mem>>)
      %mul3A_1020 = arith.constant 64 : i32
      %mul3A_1021 = arith.muli %arg0, %mul3A_1020 : i32
      %add3A_1022 = arith.constant 57 : i32
      %add3A_1023 = arith.addi %mul3A_1021, %add3A_1022 : i32
      %mul3A_1024 = arith.constant 4 : i32
      %mul3A_1025 = arith.muli %add3A_1023, %mul3A_1024 : i32
      %dma_wait3A_1026 = arith.constant 0 : i32
      %dma_wait3A_1027 = arith.constant 0 : i32
      %dma_wait3A_1028 = tpu.memref_slice %arg2[%mul3A_1025, %dma_wait3A_1026, %dma_wait3A_1027] : memref<512x256x256xf32, #tpu.memory_space<hbm>> -> memref<4x256x256xf32, #tpu.memory_space<hbm>>
      tpu.wait_dma2 semaphore(%arg14 : memref<!tpu.dma_semaphore, #tpu.memory_space<semaphore_mem>>) src(%dma_wait3A_1028 : memref<4x256x256xf32, #tpu.memory_space<hbm>>) dst(%arg8 : memref<4x256x256xf32, #tpu.memory_space<vmem_shared>>)
      %mul3A_1029 = arith.constant 64 : i32
      %mul3A_1030 = arith.muli %arg0, %mul3A_1029 : i32
      %add3A_1031 = arith.constant 57 : i32
      %add3A_1032 = arith.addi %mul3A_1030, %add3A_1031 : i32
      %mul3A_1033 = arith.constant 4 : i32
      %mul3A_1034 = arith.muli %add3A_1032, %mul3A_1033 : i32
      %dma_start3A_1035 = arith.constant 0 : i32
      %dma_start3A_1036 = arith.constant 0 : i32
      %dma_start3A_1037 = tpu.memref_slice %arg3[%mul3A_1034, %dma_start3A_1035, %dma_start3A_1036] : memref<512x256x256xf32, #tpu.memory_space<hbm>> -> memref<4x256x256xf32, #tpu.memory_space<hbm>>
      tpu.enqueue_dma source(%arg8 : memref<4x256x256xf32, #tpu.memory_space<vmem_shared>>) target(%dma_start3A_1037 : memref<4x256x256xf32, #tpu.memory_space<hbm>>) target_semaphore(%arg20 : memref<!tpu.dma_semaphore, #tpu.memory_space<semaphore_mem>>)
      %mul3A_1038 = arith.constant 64 : i32
      %mul3A_1039 = arith.muli %arg0, %mul3A_1038 : i32
      %add3A_1040 = arith.constant 55 : i32
      %add3A_1041 = arith.addi %mul3A_1039, %add3A_1040 : i32
      %mul3A_1042 = arith.constant 4 : i32
      %mul3A_1043 = arith.muli %add3A_1041, %mul3A_1042 : i32
      %dma_wait3A_1044 = arith.constant 0 : i32
      %dma_wait3A_1045 = arith.constant 0 : i32
      %dma_wait3A_1046 = tpu.memref_slice %arg3[%mul3A_1043, %dma_wait3A_1044, %dma_wait3A_1045] : memref<512x256x256xf32, #tpu.memory_space<hbm>> -> memref<4x256x256xf32, #tpu.memory_space<hbm>>
      tpu.wait_dma2 semaphore(%arg19 : memref<!tpu.dma_semaphore, #tpu.memory_space<semaphore_mem>>) src(%arg7 : memref<4x256x256xf32, #tpu.memory_space<vmem_shared>>) dst(%dma_wait3A_1046 : memref<4x256x256xf32, #tpu.memory_space<hbm>>)
      %mul3A_1047 = arith.constant 64 : i32
      %mul3A_1048 = arith.muli %arg0, %mul3A_1047 : i32
      %add3A_1049 = arith.constant 61 : i32
      %add3A_1050 = arith.addi %mul3A_1048, %add3A_1049 : i32
      %mul3A_1051 = arith.constant 4 : i32
      %mul3A_1052 = arith.muli %add3A_1050, %mul3A_1051 : i32
      %dma_start3A_1053 = arith.constant 0 : i32
      %dma_start3A_1054 = arith.constant 0 : i32
      %dma_start3A_1055 = tpu.memref_slice %arg2[%mul3A_1052, %dma_start3A_1053, %dma_start3A_1054] : memref<512x256x256xf32, #tpu.memory_space<hbm>> -> memref<4x256x256xf32, #tpu.memory_space<hbm>>
      tpu.enqueue_dma source(%dma_start3A_1055 : memref<4x256x256xf32, #tpu.memory_space<hbm>>) target(%arg7 : memref<4x256x256xf32, #tpu.memory_space<vmem_shared>>) target_semaphore(%arg13 : memref<!tpu.dma_semaphore, #tpu.memory_space<semaphore_mem>>)
      %mul3A_1056 = arith.constant 64 : i32
      %mul3A_1057 = arith.muli %arg0, %mul3A_1056 : i32
      %add3A_1058 = arith.constant 59 : i32
      %add3A_1059 = arith.addi %mul3A_1057, %add3A_1058 : i32
      %mul3A_1060 = arith.constant 4 : i32
      %mul3A_1061 = arith.muli %add3A_1059, %mul3A_1060 : i32
      %dma_wait3A_1062 = arith.constant 0 : i32
      %dma_wait3A_1063 = arith.constant 0 : i32
      %dma_wait3A_1064 = tpu.memref_slice %arg2[%mul3A_1061, %dma_wait3A_1062, %dma_wait3A_1063] : memref<512x256x256xf32, #tpu.memory_space<hbm>> -> memref<4x256x256xf32, #tpu.memory_space<hbm>>
      tpu.wait_dma2 semaphore(%arg15 : memref<!tpu.dma_semaphore, #tpu.memory_space<semaphore_mem>>) src(%dma_wait3A_1064 : memref<4x256x256xf32, #tpu.memory_space<hbm>>) dst(%arg9 : memref<4x256x256xf32, #tpu.memory_space<vmem_shared>>)
      %mul3A_1065 = arith.constant 64 : i32
      %mul3A_1066 = arith.muli %arg0, %mul3A_1065 : i32
      %add3A_1067 = arith.constant 59 : i32
      %add3A_1068 = arith.addi %mul3A_1066, %add3A_1067 : i32
      %mul3A_1069 = arith.constant 4 : i32
      %mul3A_1070 = arith.muli %add3A_1068, %mul3A_1069 : i32
      %dma_start3A_1071 = arith.constant 0 : i32
      %dma_start3A_1072 = arith.constant 0 : i32
      %dma_start3A_1073 = tpu.memref_slice %arg3[%mul3A_1070, %dma_start3A_1071, %dma_start3A_1072] : memref<512x256x256xf32, #tpu.memory_space<hbm>> -> memref<4x256x256xf32, #tpu.memory_space<hbm>>
      tpu.enqueue_dma source(%arg9 : memref<4x256x256xf32, #tpu.memory_space<vmem_shared>>) target(%dma_start3A_1073 : memref<4x256x256xf32, #tpu.memory_space<hbm>>) target_semaphore(%arg21 : memref<!tpu.dma_semaphore, #tpu.memory_space<semaphore_mem>>)
      %mul3A_1074 = arith.constant 64 : i32
      %mul3A_1075 = arith.muli %arg0, %mul3A_1074 : i32
      %add3A_1076 = arith.constant 57 : i32
      %add3A_1077 = arith.addi %mul3A_1075, %add3A_1076 : i32
      %mul3A_1078 = arith.constant 4 : i32
      %mul3A_1079 = arith.muli %add3A_1077, %mul3A_1078 : i32
      %dma_wait3A_1080 = arith.constant 0 : i32
      %dma_wait3A_1081 = arith.constant 0 : i32
      %dma_wait3A_1082 = tpu.memref_slice %arg3[%mul3A_1079, %dma_wait3A_1080, %dma_wait3A_1081] : memref<512x256x256xf32, #tpu.memory_space<hbm>> -> memref<4x256x256xf32, #tpu.memory_space<hbm>>
      tpu.wait_dma2 semaphore(%arg20 : memref<!tpu.dma_semaphore, #tpu.memory_space<semaphore_mem>>) src(%arg8 : memref<4x256x256xf32, #tpu.memory_space<vmem_shared>>) dst(%dma_wait3A_1082 : memref<4x256x256xf32, #tpu.memory_space<hbm>>)
      %mul3A_1083 = arith.constant 64 : i32
      %mul3A_1084 = arith.muli %arg0, %mul3A_1083 : i32
      %add3A_1085 = arith.constant 63 : i32
      %add3A_1086 = arith.addi %mul3A_1084, %add3A_1085 : i32
      %mul3A_1087 = arith.constant 4 : i32
      %mul3A_1088 = arith.muli %add3A_1086, %mul3A_1087 : i32
      %dma_start3A_1089 = arith.constant 0 : i32
      %dma_start3A_1090 = arith.constant 0 : i32
      %dma_start3A_1091 = tpu.memref_slice %arg2[%mul3A_1088, %dma_start3A_1089, %dma_start3A_1090] : memref<512x256x256xf32, #tpu.memory_space<hbm>> -> memref<4x256x256xf32, #tpu.memory_space<hbm>>
      tpu.enqueue_dma source(%dma_start3A_1091 : memref<4x256x256xf32, #tpu.memory_space<hbm>>) target(%arg8 : memref<4x256x256xf32, #tpu.memory_space<vmem_shared>>) target_semaphore(%arg14 : memref<!tpu.dma_semaphore, #tpu.memory_space<semaphore_mem>>)
      %mul3A_1092 = arith.constant 64 : i32
      %mul3A_1093 = arith.muli %arg0, %mul3A_1092 : i32
      %add3A_1094 = arith.constant 61 : i32
      %add3A_1095 = arith.addi %mul3A_1093, %add3A_1094 : i32
      %mul3A_1096 = arith.constant 4 : i32
      %mul3A_1097 = arith.muli %add3A_1095, %mul3A_1096 : i32
      %dma_wait3A_1098 = arith.constant 0 : i32
      %dma_wait3A_1099 = arith.constant 0 : i32
      %dma_wait3A_1100 = tpu.memref_slice %arg2[%mul3A_1097, %dma_wait3A_1098, %dma_wait3A_1099] : memref<512x256x256xf32, #tpu.memory_space<hbm>> -> memref<4x256x256xf32, #tpu.memory_space<hbm>>
      tpu.wait_dma2 semaphore(%arg13 : memref<!tpu.dma_semaphore, #tpu.memory_space<semaphore_mem>>) src(%dma_wait3A_1100 : memref<4x256x256xf32, #tpu.memory_space<hbm>>) dst(%arg7 : memref<4x256x256xf32, #tpu.memory_space<vmem_shared>>)
      %mul3A_1101 = arith.constant 64 : i32
      %mul3A_1102 = arith.muli %arg0, %mul3A_1101 : i32
      %add3A_1103 = arith.constant 61 : i32
      %add3A_1104 = arith.addi %mul3A_1102, %add3A_1103 : i32
      %mul3A_1105 = arith.constant 4 : i32
      %mul3A_1106 = arith.muli %add3A_1104, %mul3A_1105 : i32
      %dma_start3A_1107 = arith.constant 0 : i32
      %dma_start3A_1108 = arith.constant 0 : i32
      %dma_start3A_1109 = tpu.memref_slice %arg3[%mul3A_1106, %dma_start3A_1107, %dma_start3A_1108] : memref<512x256x256xf32, #tpu.memory_space<hbm>> -> memref<4x256x256xf32, #tpu.memory_space<hbm>>
      tpu.enqueue_dma source(%arg7 : memref<4x256x256xf32, #tpu.memory_space<vmem_shared>>) target(%dma_start3A_1109 : memref<4x256x256xf32, #tpu.memory_space<hbm>>) target_semaphore(%arg19 : memref<!tpu.dma_semaphore, #tpu.memory_space<semaphore_mem>>)
      %mul3A_1110 = arith.constant 64 : i32
      %mul3A_1111 = arith.muli %arg0, %mul3A_1110 : i32
      %add3A_1112 = arith.constant 63 : i32
      %add3A_1113 = arith.addi %mul3A_1111, %add3A_1112 : i32
      %mul3A_1114 = arith.constant 4 : i32
      %mul3A_1115 = arith.muli %add3A_1113, %mul3A_1114 : i32
      %dma_wait3A_1116 = arith.constant 0 : i32
      %dma_wait3A_1117 = arith.constant 0 : i32
      %dma_wait3A_1118 = tpu.memref_slice %arg2[%mul3A_1115, %dma_wait3A_1116, %dma_wait3A_1117] : memref<512x256x256xf32, #tpu.memory_space<hbm>> -> memref<4x256x256xf32, #tpu.memory_space<hbm>>
      tpu.wait_dma2 semaphore(%arg14 : memref<!tpu.dma_semaphore, #tpu.memory_space<semaphore_mem>>) src(%dma_wait3A_1118 : memref<4x256x256xf32, #tpu.memory_space<hbm>>) dst(%arg8 : memref<4x256x256xf32, #tpu.memory_space<vmem_shared>>)
      %mul3A_1119 = arith.constant 64 : i32
      %mul3A_1120 = arith.muli %arg0, %mul3A_1119 : i32
      %add3A_1121 = arith.constant 63 : i32
      %add3A_1122 = arith.addi %mul3A_1120, %add3A_1121 : i32
      %mul3A_1123 = arith.constant 4 : i32
      %mul3A_1124 = arith.muli %add3A_1122, %mul3A_1123 : i32
      %dma_start3A_1125 = arith.constant 0 : i32
      %dma_start3A_1126 = arith.constant 0 : i32
      %dma_start3A_1127 = tpu.memref_slice %arg3[%mul3A_1124, %dma_start3A_1125, %dma_start3A_1126] : memref<512x256x256xf32, #tpu.memory_space<hbm>> -> memref<4x256x256xf32, #tpu.memory_space<hbm>>
      tpu.enqueue_dma source(%arg8 : memref<4x256x256xf32, #tpu.memory_space<vmem_shared>>) target(%dma_start3A_1127 : memref<4x256x256xf32, #tpu.memory_space<hbm>>) target_semaphore(%arg20 : memref<!tpu.dma_semaphore, #tpu.memory_space<semaphore_mem>>)
      %mul3A_1128 = arith.constant 64 : i32
      %mul3A_1129 = arith.muli %arg0, %mul3A_1128 : i32
      %add3A_1130 = arith.constant 59 : i32
      %add3A_1131 = arith.addi %mul3A_1129, %add3A_1130 : i32
      %mul3A_1132 = arith.constant 4 : i32
      %mul3A_1133 = arith.muli %add3A_1131, %mul3A_1132 : i32
      %dma_wait3A_1134 = arith.constant 0 : i32
      %dma_wait3A_1135 = arith.constant 0 : i32
      %dma_wait3A_1136 = tpu.memref_slice %arg3[%mul3A_1133, %dma_wait3A_1134, %dma_wait3A_1135] : memref<512x256x256xf32, #tpu.memory_space<hbm>> -> memref<4x256x256xf32, #tpu.memory_space<hbm>>
      tpu.wait_dma2 semaphore(%arg21 : memref<!tpu.dma_semaphore, #tpu.memory_space<semaphore_mem>>) src(%arg9 : memref<4x256x256xf32, #tpu.memory_space<vmem_shared>>) dst(%dma_wait3A_1136 : memref<4x256x256xf32, #tpu.memory_space<hbm>>)
      %mul3A_1137 = arith.constant 64 : i32
      %mul3A_1138 = arith.muli %arg0, %mul3A_1137 : i32
      %add3A_1139 = arith.constant 61 : i32
      %add3A_1140 = arith.addi %mul3A_1138, %add3A_1139 : i32
      %mul3A_1141 = arith.constant 4 : i32
      %mul3A_1142 = arith.muli %add3A_1140, %mul3A_1141 : i32
      %dma_wait3A_1143 = arith.constant 0 : i32
      %dma_wait3A_1144 = arith.constant 0 : i32
      %dma_wait3A_1145 = tpu.memref_slice %arg3[%mul3A_1142, %dma_wait3A_1143, %dma_wait3A_1144] : memref<512x256x256xf32, #tpu.memory_space<hbm>> -> memref<4x256x256xf32, #tpu.memory_space<hbm>>
      tpu.wait_dma2 semaphore(%arg19 : memref<!tpu.dma_semaphore, #tpu.memory_space<semaphore_mem>>) src(%arg7 : memref<4x256x256xf32, #tpu.memory_space<vmem_shared>>) dst(%dma_wait3A_1145 : memref<4x256x256xf32, #tpu.memory_space<hbm>>)
      %mul3A_1146 = arith.constant 64 : i32
      %mul3A_1147 = arith.muli %arg0, %mul3A_1146 : i32
      %add3A_1148 = arith.constant 63 : i32
      %add3A_1149 = arith.addi %mul3A_1147, %add3A_1148 : i32
      %mul3A_1150 = arith.constant 4 : i32
      %mul3A_1151 = arith.muli %add3A_1149, %mul3A_1150 : i32
      %dma_wait3A_1152 = arith.constant 0 : i32
      %dma_wait3A_1153 = arith.constant 0 : i32
      %dma_wait3A_1154 = tpu.memref_slice %arg3[%mul3A_1151, %dma_wait3A_1152, %dma_wait3A_1153] : memref<512x256x256xf32, #tpu.memory_space<hbm>> -> memref<4x256x256xf32, #tpu.memory_space<hbm>>
      tpu.wait_dma2 semaphore(%arg20 : memref<!tpu.dma_semaphore, #tpu.memory_space<semaphore_mem>>) src(%arg8 : memref<4x256x256xf32, #tpu.memory_space<vmem_shared>>) dst(%dma_wait3A_1154 : memref<4x256x256xf32, #tpu.memory_space<hbm>>)
    } else {
    }
    return
  }
}

</mosaic_0001>

<sc_bundles>
// kernel: kernel.3.cloned.1.call-start
scs
__scs_entry_jumppad:
0x0: {  	(pc) =	sbr.rel $0x88, $3  }
0x1: {  	(tag) =	ssettag $0x0;
	lr =	simm.s32 $0x1  }
0x2: {  	[smem:$0x3FA0] =	sst lr;
	_ =	strace $0xD0000000  }
0x3: {  	_ = 	snop  }
0x4: {  	_ = 	snop  }
0x5: {  	_ = 	snop  }
0x6: {  	_ = 	snop  }
0x7: {  	_ = 	snop  }
__scs_overlays_trampoline_lowered:
0x8: {  	[smem:$0x3FAF] =	sst s0  }
0x9: {  	[smem:$0x3FB0] =	sst s1  }
0xa: {  	[smem:$0x3FB1] =	sst s2  }
0xb: {  	[smem:$0x3FB2] =	sst s3  }
0xc: {  	[smem:$0x3FB3] =	sst s4  }
0xd: {  	[smem:$0x3FB4] =	sst s5  }
0xe: {  	[smem:$0x3FB5] =	sst s6  }
0xf: {  	[smem:$0x3FB6] =	sst s7  }
0x10: {  	[smem:$0x3FB7] =	sst s8  }
0x11: {  	[smem:$0x3FB8] =	sst s9;
	s0 =	simm.s32 @!p0 $0x0  }
0x12: {  	s1 =	sld [smem:$0x3F9E];
	s0 =	simm.s32 @p0 $0x1  }
0x13: {  	[smem:$0x3FB9] =	sst s0;
	s0 =	simm.s32 @!p1 $0x0  }
0x14: {  	s2 =	sld [smem:$0x3F9D];
	s0 =	simm.s32 @p1 $0x1  }
0x15: {  	[smem:$0x3FBA] =	sst s0;
	s0 =	simm.s32 @!p2 $0x0  }
0x16: {  	s3 =	sld [smem:$0x3FDB];
	s0 =	simm.s32 @p2 $0x1  }
0x17: {  	s4 =	simm.s32 $0x1BF5;
	[smem:$0x3FBC] =	sst s0  }
0x18: {  	s0 =	sld [smem:$0x3F9F];
	_ =	swait.ge [sflag:s4], $0x0  }
0x19: {  	s7 =	sld [smem:$0x3FA0]  }
0x1a: {  	s8 =	sadd.s32 $0xFFFFE003, lr  }
0x1b: {  	s9 =	sadd.s32 $0xFFFFFEF7, lr;
	s5 =	simm.s32 $0xFFFFFFFF;
	p2 =	slt.u32 s8, $0xFFFFF086  }
0x1c: {  	p1 =	slt.u32 s9, $0xF7A;
	s5 =	simm.s32 @!p2 $0x0  }
0x1d: {  	s5 =	simm.s32 @p1 $0x1;
	p0 =	seq.s32 s7, s2  }
0x1e: {  	s7 =	smul.u32 @!p0 $0xF7A, s2;
	p2 =	seq.s32 @!p0 s5, $0x0  }
0x1f: {  	s9 =	smul.u32 $0xF7A, s1;
	s8 =	simm.s32 @!p0 $0x1BF5;
	p2 =	por !p2, p0  }
0x20: {  	[sflag:s8] =	ssyncset.s32 @!p0 $0xFFFFF086;
	s6 =	sadd.s32 @!p0 s3, s7;
	s7 =	simm.s32 @!p0 $0x108  }
0x21: {  	s3 =	sadd.s32 s3, s9;
	s6 =	sadd.s32 @!p0 $0x88, s6;
	s7 =	simm.s32 @p2 $0x1082  }
0x22: {  	[simem:s7], [sflag:s8] =	dma.local @!p0 [hbm:s6], $0xF7A  }
0x23: {  	s9 =	sor.u32 $0xD0000000, s2;
	s6 =	simm.s32 $0x108;
	_ =	swait.ge @!p0 [sflag:s8], $0x0  }
0x24: {  	s3 =	sadd.s32 $0x88, s3;
	s6 =	simm.s32 @!p1 $0x1082;
	[sflag:s4] =	ssyncset.s32 $0xFFFFF086  }
0x25: {  	[simem:s6], [sflag:s4] =	dma.local [hbm:s3], $0xF7A  }
0x26: {  	[smem:$0x3FA0] =	sst s1;
	(tag) =	ssettag s2;
	_ =	strace s9  }
0x27: {  	s1 =	sld [smem:$0x3FB0]  }
0x28: {  	s2 =	sld [smem:$0x3FB1]  }
0x29: {  	s4 =	sld [smem:$0x3FB3]  }
0x2a: {  	p0 =	seq.s32 s5, $0x0;
	s5 =	sld [smem:$0x3FB4]  }
0x2b: {  	s6 =	sld [smem:$0x3FB5]  }
0x2c: {  	s7 =	sld [smem:$0x3FB6]  }
0x2d: {  	s3 =	simm.s32 $0x108;
	s8 =	sld [smem:$0x3FB7]  }
0x2e: {  	s3 =	simm.s32 @!p0 $0x1082;
	s9 =	sld [smem:$0x3FB8]  }
0x2f: {  	lr =	sadd.s32 s0, s3;
	s0 =	sld [smem:$0x3FAF]  }
0x30: {  	s3 =	sld [smem:$0x3FB2]  }
0x31: {  	[smem:$0x3FBB] =	sst s10  }
0x32: {  	s10 =	sld [smem:$0x3FB9];
	_ =	sdelay $0x3  }
0x33: {  	p0 =	seq.s32 s10, $0x1;
	s10 =	sld [smem:$0x3FBB];
	_ =	sdelay $0x3  }
0x34: {  	[smem:$0x3FBB] =	sst s10  }
0x35: {  	s10 =	sld [smem:$0x3FBA];
	_ =	sdelay $0x3  }
0x36: {  	p1 =	seq.s32 s10, $0x1;
	s10 =	sld [smem:$0x3FBB];
	_ =	sdelay $0x3  }
0x37: {  	[smem:$0x3FBB] =	sst s10  }
0x38: {  	s10 =	sld [smem:$0x3FBC]  }
0x39: {  	_ = 	snop;
	(pc) =	sbr.ind lr, $3  }
0x3a: {  	_ = 	snop  }
0x3b: {  	_ = 	snop  }
0x3c: {  	p2 =	seq.s32 s10, $0x1;
	s10 =	sld [smem:$0x3FBB]  }
0x3d: {  	_ =	shalt  }
0x3e: {  	_ =	shalt  }
0x3f: {  	_ =	shalt  }
0x40: {  	_ =	shalt  }
0x41: {  	_ =	shalt  }
0x42: {  	_ =	shalt  }
0x43: {  	_ =	shalt  }
0x44: {  	_ =	shalt  }
0x45: {  	_ =	shalt  }
0x46: {  	_ =	shalt  }
0x47: {  	_ =	shalt  }
0x48: {  	_ =	shalt  }
0x49: {  	_ =	shalt  }
0x4a: {  	_ =	shalt  }
0x4b: {  	_ =	shalt  }
0x4c: {  	_ =	shalt  }
0x4d: {  	_ =	shalt  }
0x4e: {  	_ =	shalt  }
0x4f: {  	_ =	shalt  }
0x50: {  	_ =	shalt  }
0x51: {  	_ =	shalt  }
0x52: {  	_ =	shalt  }
0x53: {  	_ =	shalt  }
0x54: {  	_ =	shalt  }
0x55: {  	_ =	shalt  }
0x56: {  	_ =	shalt  }
0x57: {  	_ =	shalt  }
0x58: {  	_ =	shalt  }
0x59: {  	_ =	shalt  }
0x5a: {  	_ =	shalt  }
0x5b: {  	_ =	shalt  }
0x5c: {  	_ =	shalt  }
0x5d: {  	_ =	shalt  }
0x5e: {  	_ =	shalt  }
0x5f: {  	_ =	shalt  }
0x60: {  	_ =	shalt  }
0x61: {  	_ =	shalt  }
0x62: {  	_ =	shalt  }
0x63: {  	_ =	shalt  }
0x64: {  	_ =	shalt  }
0x65: {  	_ =	shalt  }
0x66: {  	_ =	shalt  }
0x67: {  	_ =	shalt  }
0x68: {  	_ =	shalt  }
0x69: {  	_ =	shalt  }
0x6a: {  	_ =	shalt  }
0x6b: {  	_ =	shalt  }
0x6c: {  	_ =	shalt  }
0x6d: {  	_ =	shalt  }
0x6e: {  	_ =	shalt  }
0x6f: {  	_ =	shalt  }
0x70: {  	_ =	shalt  }
0x71: {  	_ =	shalt  }
0x72: {  	_ =	shalt  }
0x73: {  	_ =	shalt  }
0x74: {  	_ =	shalt  }
0x75: {  	_ =	shalt  }
0x76: {  	_ =	shalt  }
0x77: {  	_ =	shalt  }
0x78: {  	_ =	shalt  }
0x79: {  	_ =	shalt  }
0x7a: {  	_ =	shalt  }
0x7b: {  	_ =	shalt  }
0x7c: {  	_ =	shalt  }
0x7d: {  	_ =	shalt  }
0x7e: {  	_ =	shalt  }
0x7f: {  	_ =	shalt  }
0x80: {  	_ =	shalt  }
0x81: {  	_ =	shalt  }
0x82: {  	_ =	shalt  }
0x83: {  	_ =	shalt  }
0x84: {  	_ =	shalt  }
0x85: {  	_ =	shalt  }
0x86: {  	_ =	shalt  }
0x87: {  	_ =	shalt  }
.Lfunc_end0:
.L_simem_size_0:
called_computation_lowered:
.L_overlay_start_0:
0x88: {  	s2 =	sld [smem:$0x3FD9]  }
0x89: {  	s3 =	sld [smem:$0x3FFE];
	_ =	sdelay $0x1  }
0x8a: {  	s1 =	srdreg.scid  }
0x8b: {  	s0 =	sand.u32 $0x1, s1  }
0x8c: {  	s18 =	sshll.u32 s0, $0xA;
	s2 =	sadd.s32 s3, s2  }
0x8d: {  	s2 =	sadd.s32 s2, s18  }
0x8e: {  	[smem:$0x3FC7] =	sst s2  }
0x8f: {  	_ = 	snop  }
0x90: {  	s2 =	sld [smem:$0x3FC9]  }
0x91: {  	s19 =	sld [smem:$0x3FD0];
	(tm) =	ssettm $0x1  }
0x92: {  	s4 =	sld [smem:$0x3FFB];
	_ =	sdelay $0x3  }
0x93: {  	_ =	strace s4  }
0x94: {  	s4 =	sld [smem:$0x3FFC];
	_ =	sdelay $0x3  }
0x95: {  	_ =	strace s4  }
0x96: {  	s4 =	sld [smem:$0x3FFD];
	_ =	sdelay $0x3  }
0x97: {  	_ =	strace s4  }
0x98: {  	_ =	strace $0x8FFFFFFF  }
0x99: {  	s20 =	sld [smem:$0x3FDB];
	_ =	sdelay $0x1  }
0x9a: {  	s5 =	simm.s32 $_scs_section_size  }
0x9b: {  	s6 =	simm.s32 $_size__tile_overlayer_lowered;
	s7 =	simm.s32 $_tile_overlayer_lowered  }
0x9c: {  	s23 =	simm.s32 $0x1BFF;
	s22 =	sshll.u32 s7, $0x1;
	s4 =	sadd.s32 s5, s20  }
0x9d: {  	s8 =	simm.s32 $0x0;
	s21 =	sshll.u32 s6, $0x1;
	s6 =	sadd.s32 s22, s4  }
0x9e: {  	[timem:s8], [sflag:s23] =	dma.local [hbm:s6], s21  }
0x9f: {  	_ =	swait.ge [sflag:s23], s21  }
0xa0: {  	s5 =	ssub.s32 $0x0, s21;
	[sflag:s23] =	ssyncset.done $0x0  }
0xa1: {  	[sflag:s23] =	ssyncadd.s32 s5;
	_ =	sdelay $0x1  }
0xa2: {  	s24 =	simm.s32 $0x1B8B  }
0xa3: {  	_ =	swait.ge [sflag:s24], $0x1  }
0xa4: {  	[sflag:s24] =	ssyncset.done $0x0  }
0xa5: {  	s25 =	simm.s32 $0x1B8E;
	[sflag:s24] =	ssyncadd.s32 $0xFFFFFFFF  }
0xa6: {  	s26 =	simm.s32 $execute0_lowered;
	[smem:$0x3FD2] =	sst s25  }
0xa7: {  	s5 =	sshll.u32 s26, $0x1;
	_ =	strace $0x80000046;
	[dreg:$0x1] =	wrdreg $0xFFFFFFFF  }
0xa8: {  	s28 =	simm.s32 $_size_execute0_lowered;
	s4 =	sadd.s32 s4, s5;
	[dreg:$0x0] =	wrdreg $0x0  }
0xa9: {  	s5 =	sshll.u32 s28, $0x1;
	[dreg:$0x2] =	wrdreg s4  }
0xaa: {  	[dreg:$0x3] =	wrdreg s5  }
0xab: {  	[dreg:$0x4] =	wrdreg $0xC0  }
0xac: {  	_ =	task [dreg:s8], $0x5FFFF  }
0xad: {  	[dreg:$0x1] =	wrdreg $0xFFFFFFFF  }
0xae: {  	[dreg:$0x0] =	wrdreg $0x60  }
0xaf: {  	[dreg:$0x2] =	wrdreg s2  }
0xb0: {  	[dreg:$0x3] =	wrdreg s19  }
0xb1: {  	[dreg:$0x4] =	wrdreg $0x0  }
0xb2: {  	[dreg:$0x5] =	wrdreg $0x40000  }
0xb3: {  	[dreg:$0x6] =	wrdreg $0x80000  }
0xb4: {  	[dreg:$0x7] =	wrdreg $0xC0000  }
0xb5: {  	[dreg:$0x8] =	wrdreg $0x100000  }
0xb6: {  	[dreg:$0x9] =	wrdreg $0x140000  }
0xb7: {  	[dreg:$0xa] =	wrdreg $0x9  }
0xb8: {  	_ =	task.clear_ibuf [dreg:s8], $0xBFFFF;
	_ =	strace $0x90000046  }
0xb9: {  	s29 =	simm.s32 $0x9;
	_ =	strace $0x80000048  }
0xba: {  	_ =	swait.ge [sflag:s29], $0x1  }
0xbb: {  	[sflag:s29] =	ssyncadd.s32 $0xFFFFFFFF  }
0xbc: {  	_ =	strace $0x90000048  }
0xbd: {  	_ =	sfence  }
0xbe: {  	s30 =	sld [smem:$0x0];
	_ =	sdelay $0x2  }
0xbf: {  	s31 =	sshll.u32 s1, $0xD;
	s1 =	sshrl.u32 s1, $0x2  }
0xc0: {  	s3 =	sand.u32 $0x4000, s31;
	s1 =	sadd.s32 s1, s30  }
0xc1: {  	s0 =	sor.u32 s3, s0;
	s1 =	sshll.u32 s1, $0x11  }
0xc2: {  	s0 =	sor.u32 s1, s0  }
0xc3: {  	s0 =	sadd.s32 $0x8F2B, s0  }
0xc4: {  	[sflag:s0] =	ssyncadd.remote.s32 $0x1  }
0xc5: {  	_ =	sfence.sel $0xFFFF  }
0xc6: {  	[dreg:$0x0] =	wrdreg $0xFFFFFFFF;
	(pc) =	sbr.abs _section_cstart, $3  }
0xc7: {  	[dreg:$0x1] =	wrdreg $0xFFFFFFFF  }
0xc8: {  	_ =	task.clear_ibuf [dreg:s8], $0x2FFFF;
	_ =	strace $0x9FFFFFFF  }
0xc9: {  	(tm) =	ssettm $0x7FFFFFFF  }
tec
execute0_lowered:
.L_overlay_start_1:
0x0: {  	(tag) =	ssettag $0x1  }
0x1: {  	s0 =	srdreg.scid  }
0x2: {  	s2 =	sand.u32 $0x1, s0  }
0x3: {  	s1 =	rddreg [dreg:$0x0];
	s4 =	ssub.s32 $0x2, s2;
	s2 =	sshll.u32 s2, $0x15  }
0x4: {  	s3 =	simm.s32 $0x0;
	s0 =	rddreg [dreg:$0x1];
	s13 =	sor.u32 $0x8000, s2  }
0x5: {  	[smem:$0x7FF] =	sst s3;
	s5 =	sor.u32 $0x18000, s2;
	s6 =	sadd.s32 s1, s13  }
0x6: {  	s14 =	sadd.s32 s1, s5;
	[dreg:$0x9] =	wrdreg s6  }
0x7: {  	s15 =	sor.u32 $0x28000, s2;
	s3 =	sadd.s32 s0, s13;
	[dreg:$0xa] =	wrdreg s14  }
0x8: {  	s12 =	sshrl.u32 s4, $0x1;
	s16 =	sadd.s32 s1, s15;
	[dreg:$0xb] =	wrdreg s3  }
0x9: {  	s17 =	sor.u32 $0x38000, s2;
	s5 =	sadd.s32 s0, s5;
	[dreg:$0xc] =	wrdreg s16  }
0xa: {  	s19 =	sor.u32 $0x48000, s2;
	s18 =	sadd.s32 s1, s17;
	[dreg:$0xd] =	wrdreg s5  }
0xb: {  	s21 =	sor.u32 $0x58000, s2;
	s20 =	sadd.s32 s1, s19;
	[dreg:$0xe] =	wrdreg s18  }
0xc: {  	s23 =	sor.u32 $0x68000, s2;
	s22 =	sadd.s32 s1, s21;
	[dreg:$0x10] =	wrdreg s20  }
0xd: {  	s25 =	sor.u32 $0x78000, s2;
	s24 =	sadd.s32 s1, s23;
	[dreg:$0x12] =	wrdreg s22  }
0xe: {  	s30 =	sor.u32 $0x88000, s2;
	s26 =	sadd.s32 s1, s25;
	[dreg:$0x14] =	wrdreg s24  }
0xf: {  	s7 =	sor.u32 $0x98000, s2;
	s31 =	sadd.s32 s1, s30;
	[dreg:$0x16] =	wrdreg s26  }
0x10: {  	s10 =	sor.u32 $0xA8000, s2;
	s8 =	sadd.s32 s1, s7;
	[dreg:$0x18] =	wrdreg s31  }
0x11: {  	s11 =	sor.u32 $0xB8000, s2;
	s9 =	sadd.s32 s0, s30;
	[dreg:$0x1a] =	wrdreg s8  }
0x12: {  	s4 =	ssub.s32 s4, s12;
	s12 =	sadd.s32 s1, s10;
	[dreg:$0x1b] =	wrdreg s9  }
0x13: {  	s13 =	sadd.s32 s1, s11;
	[dreg:$0x1d] =	wrdreg s12  }
0x14: {  	s6 =	sadd.s32 s0, s15;
	[dreg:$0x1f] =	wrdreg s13  }
0x15: {  	s3 =	sadd.s32 s0, s17;
	[dreg:$0xf] =	wrdreg s6  }
0x16: {  	s5 =	sadd.s32 s0, s19;
	[dreg:$0x11] =	wrdreg s3  }
0x17: {  	[dreg:$0x13] =	wrdreg s5;
	s6 =	sadd.s32 s0, s21  }
0x18: {  	s3 =	sadd.s32 s0, s23;
	[dreg:$0x15] =	wrdreg s6  }
0x19: {  	s14 =	sor.u32 $0xC8000, s2;
	s5 =	sadd.s32 s0, s25;
	[dreg:$0x17] =	wrdreg s3  }
0x1a: {  	s15 =	sor.u32 $0xD8000, s2;
	s16 =	sadd.s32 s1, s14;
	[dreg:$0x19] =	wrdreg s5  }
0x1b: {  	s17 =	sadd.s32 s1, s15;
	[smem:$0x798] =	sst s16  }
0x1c: {  	s19 =	sor.u32 $0xE8000, s2;
	s18 =	sadd.s32 s0, s15;
	[smem:$0x79A] =	sst s17  }
0x1d: {  	s20 =	sor.u32 $0xF8000, s2;
	s21 =	sadd.s32 s1, s19;
	[smem:$0x79B] =	sst s18  }
0x1e: {  	s22 =	sadd.s32 s1, s20;
	[smem:$0x79C] =	sst s21  }
0x1f: {  	s24 =	sor.u32 $0x108000, s2;
	s23 =	sadd.s32 s0, s20;
	[smem:$0x79E] =	sst s22  }
0x20: {  	s12 =	sor.u32 $0x158000, s2;
	s26 =	sadd.s32 s1, s24;
	[smem:$0x79F] =	sst s23  }
0x21: {  	s15 =	sadd.s32 s0, s12;
	[smem:$0x7A0] =	sst s26  }
0x22: {  	s3 =	sadd.s32 s0, s7;
	[smem:$0x7AB] =	sst s15  }
0x23: {  	s25 =	sor.u32 $0x118000, s2;
	s5 =	sadd.s32 s0, s10;
	[dreg:$0x1c] =	wrdreg s3  }
0x24: {  	s30 =	sadd.s32 s1, s25;
	[dreg:$0x1e] =	wrdreg s5  }
0x25: {  	s31 =	sadd.s32 s0, s25;
	[smem:$0x7A2] =	sst s30  }
0x26: {  	s7 =	sor.u32 $0x138000, s2;
	s3 =	sadd.s32 s0, s11;
	[smem:$0x7A3] =	sst s31  }
0x27: {  	s9 =	sadd.s32 s1, s7;
	[smem:$0x797] =	sst s3  }
0x28: {  	s16 =	sor.u32 $0x168000, s2;
	s10 =	sadd.s32 s0, s7;
	[smem:$0x7A6] =	sst s9  }
0x29: {  	s17 =	sor.u32 $0x178000, s2;
	s18 =	sadd.s32 s1, s16;
	[smem:$0x7A7] =	sst s10  }
0x2a: {  	s21 =	sor.u32 $0x188000, s2;
	s20 =	sadd.s32 s0, s17;
	[smem:$0x7AC] =	sst s18  }
0x2b: {  	s22 =	sor.u32 $0x198000, s2;
	s23 =	sadd.s32 s1, s21;
	[smem:$0x7AF] =	sst s20  }
0x2c: {  	s26 =	sor.u32 $0x1A8000, s2;
	s25 =	sadd.s32 s0, s22;
	[smem:$0x7B0] =	sst s23  }
0x2d: {  	s31 =	sadd.s32 s1, s26;
	[smem:$0x7B3] =	sst s25  }
0x2e: {  	s5 =	sor.u32 $0x128000, s2;
	s3 =	sadd.s32 s0, s14;
	[smem:$0x7B4] =	sst s31  }
0x2f: {  	s11 =	sor.u32 $0x148000, s2;
	s8 =	sadd.s32 s1, s5;
	[smem:$0x799] =	sst s3  }
0x30: {  	s13 =	sadd.s32 s1, s11;
	[smem:$0x7A4] =	sst s8  }
0x31: {  	s30 =	sor.u32 $0x1B8000, s2;
	s14 =	sadd.s32 s1, s12;
	[smem:$0x7A8] =	sst s13  }
0x32: {  	s15 =	sor.u32 $0x1F8000, s2;
	s7 =	sadd.s32 s1, s30;
	[smem:$0x7AA] =	sst s14  }
0x33: {  	s18 =	sadd.s32 s0, s15;
	[smem:$0x7B6] =	sst s7  }
0x34: {  	s3 =	sadd.s32 s0, s19;
	[smem:$0x7BF] =	sst s18  }
0x35: {  	s19 =	sadd.s32 s1, s17;
	[smem:$0x79D] =	sst s3  }
0x36: {  	s10 =	sor.u32 $0x1D8000, s2;
	s8 =	sadd.s32 s0, s30;
	[smem:$0x7AE] =	sst s19  }
0x37: {  	s12 =	sadd.s32 s1, s10;
	[smem:$0x7B7] =	sst s8  }
0x38: {  	s13 =	sadd.s32 s0, s10;
	[smem:$0x7BA] =	sst s12  }
0x39: {  	s20 =	sor.u32 $0x20000, s2;
	s17 =	sadd.s32 s1, s15;
	[smem:$0x7BB] =	sst s13  }
0x3a: {  	s25 =	sor.u32 $0x40000, s2;
	s23 =	sadd.s32 s0, s20;
	[smem:$0x7BE] =	sst s17  }
0x3b: {  	s30 =	sadd.s32 s1, s25;
	[smem:$0x7C3] =	sst s23  }
0x3c: {  	s31 =	sadd.s32 s0, s25;
	[smem:$0x7C6] =	sst s30  }
0x3d: {  	s3 =	sadd.s32 s0, s24;
	[smem:$0x7C7] =	sst s31  }
0x3e: {  	s24 =	sadd.s32 s1, s22;
	[smem:$0x7A1] =	sst s3  }
0x3f: {  	s7 =	sor.u32 $0x60000, s2;
	s22 =	sadd.s32 s1, s20;
	[smem:$0x7B2] =	sst s24  }
0x40: {  	s10 =	sadd.s32 s0, s7;
	[smem:$0x7C2] =	sst s22  }
0x41: {  	s12 =	sor.u32 $0x80000, s2;
	s3 =	sadd.s32 s0, s5;
	[smem:$0x7CB] =	sst s10  }
0x42: {  	s17 =	sor.u32 $0xA0000, s2;
	s15 =	sadd.s32 s0, s12;
	[smem:$0x7A5] =	sst s3  }
0x43: {  	s20 =	sadd.s32 s0, s17;
	[smem:$0x7CF] =	sst s15  }
0x44: {  	s9 =	sor.u32 $0x1C8000, s2;
	s3 =	sadd.s32 s0, s11;
	[smem:$0x7D3] =	sst s20  }
0x45: {  	s5 =	sor.u32 $0x50000, s2;
	s11 =	sadd.s32 s1, s9;
	[smem:$0x7A9] =	sst s3  }
0x46: {  	s22 =	sor.u32 $0xC0000, s2;
	s8 =	sadd.s32 s1, s5;
	[smem:$0x7B8] =	sst s11  }
0x47: {  	s25 =	sadd.s32 s0, s22;
	[smem:$0x7C8] =	sst s8  }
0x48: {  	s14 =	sor.u32 $0x1E8000, s2;
	s3 =	sadd.s32 s0, s16;
	[smem:$0x7D7] =	sst s25  }
0x49: {  	s30 =	sor.u32 $0xE0000, s2;
	s16 =	sadd.s32 s1, s14;
	[smem:$0x7AD] =	sst s3  }
0x4a: {  	s8 =	sadd.s32 s0, s30;
	[smem:$0x7BC] =	sst s16  }
0x4b: {  	s19 =	sor.u32 $0x10000, s2;
	s3 =	sadd.s32 s0, s21;
	[smem:$0x7DB] =	sst s8  }
0x4c: {  	s11 =	sor.u32 $0x70000, s2;
	s21 =	sadd.s32 s1, s19;
	[smem:$0x7B1] =	sst s3  }
0x4d: {  	s13 =	sadd.s32 s1, s11;
	[smem:$0x7C0] =	sst s21  }
0x4e: {  	s24 =	sor.u32 $0x30000, s2;
	s3 =	sadd.s32 s0, s26;
	[smem:$0x7CC] =	sst s13  }
0x4f: {  	s16 =	sor.u32 $0x90000, s2;
	s26 =	sadd.s32 s1, s24;
	[smem:$0x7B5] =	sst s3  }
0x50: {  	s10 =	sor.u32 $0x100000, s2;
	s18 =	sadd.s32 s1, s16;
	[smem:$0x7C4] =	sst s26  }
0x51: {  	s13 =	sadd.s32 s0, s10;
	[smem:$0x7D0] =	sst s18  }
0x52: {  	s3 =	sadd.s32 s0, s9;
	[smem:$0x7DF] =	sst s13  }
0x53: {  	s21 =	sor.u32 $0xB0000, s2;
	s9 =	sadd.s32 s1, s7;
	[smem:$0x7B9] =	sst s3  }
0x54: {  	s23 =	sadd.s32 s1, s21;
	[smem:$0x7CA] =	sst s9  }
0x55: {  	s15 =	sor.u32 $0x120000, s2;
	s7 =	sadd.s32 s1, s30;
	[smem:$0x7D4] =	sst s23  }
0x56: {  	s25 =	sor.u32 $0x160000, s2;
	s18 =	sadd.s32 s0, s15;
	[smem:$0x7DA] =	sst s7  }
0x57: {  	s30 =	sadd.s32 s1, s25;
	[smem:$0x7E3] =	sst s18  }
0x58: {  	[smem:$0x7EA] =	sst s30  }
0x59: {  	s3 =	sadd.s32 s0, s14;
	s30 =	rddreg [dreg:$0x5]  }
0x5a: {  	s26 =	sor.u32 $0xD0000, s2;
	s14 =	sadd.s32 s1, s12;
	[smem:$0x7BD] =	sst s3  }
0x5b: {  	s31 =	sadd.s32 s1, s26;
	[smem:$0x7CE] =	sst s14  }
0x5c: {  	s20 =	sor.u32 $0x140000, s2;
	s12 =	sadd.s32 s1, s10;
	[smem:$0x7D8] =	sst s31  }
0x5d: {  	s23 =	sadd.s32 s0, s20;
	[smem:$0x7DE] =	sst s12  }
0x5e: {  	s3 =	sadd.s32 s0, s19;
	[smem:$0x7E7] =	sst s23  }
0x5f: {  	s19 =	sadd.s32 s1, s17;
	[smem:$0x7C1] =	sst s3  }
0x60: {  	s17 =	sadd.s32 s1, s15;
	[smem:$0x7D2] =	sst s19  }
0x61: {  	s7 =	sor.u32 $0x180000, s2;
	s31 =	sadd.s32 s0, s25;
	[smem:$0x7E2] =	sst s17  }
0x62: {  	s10 =	sadd.s32 s0, s7;
	[smem:$0x7EB] =	sst s31  }
0x63: {  	[smem:$0x7EF] =	sst s10  }
0x64: {  	s23 =	sadd.s32 s1, s2;
	s10 =	rddreg [dreg:$0x4]  }
0x65: {  	s3 =	sadd.s32 s0, s24;
	[smem:$0x7FA] =	sst s23  }
0x66: {  	s24 =	sadd.s32 s1, s22;
	[smem:$0x7C5] =	sst s3  }
0x67: {  	s12 =	sor.u32 $0x1A0000, s2;
	s22 =	sadd.s32 s1, s20;
	[smem:$0x7D6] =	sst s24  }
0x68: {  	s25 =	sor.u32 $0x1E0000, s2;
	s15 =	sadd.s32 s0, s12;
	[smem:$0x7E6] =	sst s22  }
0x69: {  	s31 =	sadd.s32 s1, s25;
	[smem:$0x7F3] =	sst s15  }
0x6a: {  	s17 =	sor.u32 $0x1C0000, s2;
	s3 =	sadd.s32 s0, s5;
	[smem:$0x7FC] =	sst s31  }
0x6b: {  	s20 =	sadd.s32 s0, s17;
	[smem:$0x7C9] =	sst s3  }
0x6c: {  	s9 =	sor.u32 $0xF0000, s2;
	s3 =	sadd.s32 s0, s11;
	[smem:$0x7F7] =	sst s20  }
0x6d: {  	s5 =	sor.u32 $0x170000, s2;
	s11 =	sadd.s32 s1, s9;
	[smem:$0x7CD] =	sst s3  }
0x6e: {  	s28 =	simm.s32 $0x3;
	s8 =	sadd.s32 s1, s5;
	[smem:$0x7DC] =	sst s11  }
0x6f: {  	s29 =	simm.s32 $0x1C09;
	s4 =	smax.u32 s4, $0x1;
	[smem:$0x7EC] =	sst s8  }
0x70: {  	s14 =	sor.u32 $0x110000, s2;
	s3 =	sadd.s32 s0, s16;
	s8 =	rddreg [dreg:$0x2]  }
0x71: {  	s19 =	sor.u32 $0x130000, s2;
	s16 =	sadd.s32 s1, s14;
	[smem:$0x7D1] =	sst s3  }
0x72: {  	s23 =	simm.s32 $0x1C07;
	s3 =	sadd.s32 s0, s21;
	[smem:$0x7E0] =	sst s16  }
0x73: {  	s11 =	sor.u32 $0x190000, s2;
	s21 =	sadd.s32 s1, s19;
	[smem:$0x7D5] =	sst s3  }
0x74: {  	s24 =	sor.u32 $0x150000, s2;
	s13 =	sadd.s32 s1, s11;
	[smem:$0x7E4] =	sst s21  }
0x75: {  	s10 =	sshrl.u32 s10, $0x3;
	s3 =	sadd.s32 s0, s26;
	[smem:$0x7F0] =	sst s13  }
0x76: {  	s16 =	sor.u32 $0x1B0000, s2;
	s26 =	sadd.s32 s1, s24;
	[smem:$0x7D9] =	sst s3  }
0x77: {  	s15 =	simm.s32 $0x1C46;
	s18 =	sadd.s32 s1, s16;
	[smem:$0x7E8] =	sst s26  }
0x78: {  	s20 =	simm.s32 $0x1C01;
	s8 =	sshrl.u32 s8, $0x3;
	[smem:$0x7F4] =	sst s18  }
0x79: {  	s3 =	sadd.s32 s0, s9;
	s9 =	sadd.s32 s1, s7;
	s7 =	rddreg [dreg:$0x6]  }
0x7a: {  	s21 =	sor.u32 $0x1D0000, s2;
	s13 =	simm.s32 $0x4;
	[smem:$0x7DD] =	sst s3  }
0x7b: {  	s22 =	sadd.s32 s1, s21;
	s26 =	sor.u32 $0x1F0000, s2;
	[smem:$0x7EE] =	sst s9  }
0x7c: {  	s18 =	simm.s32 $0x6;
	s3 =	sadd.s32 s0, s14;
	[smem:$0x7F8] =	sst s22  }
0x7d: {  	s14 =	sadd.s32 s1, s12;
	s9 =	rddreg [dreg:$0x3];
	s12 =	stileid.u32  }
0x7e: {  	s6 =	sshrl.u32 s7, $0x3;
	s22 =	simm.s32 $0x1;
	[smem:$0x7E1] =	sst s3  }
0x7f: {  	s3 =	sadd.s32 s0, s19;
	[smem:$0x7F2] =	sst s14;
	s19 =	sadd.s32 s1, s17  }
0x80: {  	s1 =	sadd.s32 s1, s26;
	p1 =	seq.s32 s12, $0x1;
	p0 =	sne.s32 s12, $0x0  }
0x81: {  	s9 =	sshrl.u32 s9, $0x3;
	s12 =	simm.s32 $0x1C45;
	[smem:$0x7E5] =	sst s3  }
0x82: {  	s14 =	simm.s32 $0x1C4A;
	s17 =	simm.s32 $0x1C4B;
	[smem:$0x7F6] =	sst s19  }
0x83: {  	s3 =	sadd.s32 s0, s24;
	s24 =	sadd.s32 s0, s2;
	[smem:$0x7FD] =	sst s1  }
0x84: {  	s2 =	sadd.s32 s0, s25;
	s19 =	simm.s32 $0x1C4C;
	[smem:$0x7E9] =	sst s3  }
0x85: {  	s25 =	simm.s32 $0x2;
	s3 =	sadd.s32 s0, s5;
	[smem:$0x7FB] =	sst s24  }
0x86: {  	s5 =	sshrl.u32 s30, $0x3;
	s24 =	simm.s32 $0x1C03;
	[smem:$0x7ED] =	sst s3  }
.Ltmp0:
0x87: {  	s3 =	sadd.s32 s0, s11;
	s11 =	rddreg [dreg:$0x7];
	(pc) =	sbr.rel .LBB2_1-.Ltmp0, $4  }
0x88: {  	[smem:$0x7F1] =	sst s3;
	s3 =	sadd.s32 s0, s16;
	s7 =	sshrl.u32 s11, $0x3  }
0x89: {  	s11 =	simm.s32 $0x1C44;
	[smem:$0x7F5] =	sst s3;
	s3 =	sadd.s32 s0, s21  }
0x8a: {  	s16 =	simm.s32 $0x5;
	s21 =	simm.s32 $0x1C02;
	[smem:$0x7F9] =	sst s3  }
0x8b: {  	s3 =	sadd.s32 s0, s26;
	s26 =	simm.s32 $0x1C08;
	_ =	strace $0x80000047  }
.LBB2_4:
0x8c: {  	s0 =	rddreg [dreg:$0x9]  }
0x8d: {  	[spmem:s5], [sflag:s11] =	dma.local [hbm:s0], $0x8000  }
0x8e: {  	s0 =	rddreg [dreg:$0xa]  }
0x8f: {  	[spmem:s6], [sflag:s12] =	dma.local [hbm:s0], $0x8000  }
0x90: {  	_ =	swait.ge [sflag:s13], $0x8000  }
0x91: {  	[sflag:s13] =	ssyncset.done $0x0  }
0x92: {  	s1 =	rddreg [dreg:$0xb];
	[sflag:s13] =	ssyncadd.s32 $0xFFFF8000  }
0x93: {  	[hbm:s1], [sflag:s14] =	dma.local [spmem:s5], $0x8000  }
0x94: {  	s0 =	rddreg [dreg:$0xc]  }
0x95: {  	[spmem:s7], [sflag:s15] =	dma.local [hbm:s0], $0x8000  }
0x96: {  	_ =	swait.ge [sflag:s16], $0x8000  }
0x97: {  	[sflag:s16] =	ssyncset.done $0x0  }
0x98: {  	s30 =	simm.s32 $0xA;
	s1 =	rddreg [dreg:$0xd];
	[sflag:s16] =	ssyncadd.s32 $0xFFFF8000  }
0x99: {  	[hbm:s1], [sflag:s17] =	dma.local [spmem:s6], $0x8000  }
0x9a: {  	_ =	swait.ge [sflag:s30], $0x8000  }
0x9b: {  	[sflag:s30] =	ssyncset.done $0x0  }
0x9c: {  	s1 =	rddreg [dreg:$0xe];
	[sflag:s30] =	ssyncadd.s32 $0xFFFF8000  }
0x9d: {  	[spmem:s5], [sflag:s11] =	dma.local [hbm:s1], $0x8000  }
0x9e: {  	_ =	swait.ge [sflag:s18], $0x8000  }
0x9f: {  	[sflag:s18] =	ssyncset.done $0x0  }
0xa0: {  	s31 =	simm.s32 $0xB;
	s1 =	rddreg [dreg:$0xf];
	[sflag:s18] =	ssyncadd.s32 $0xFFFF8000  }
0xa1: {  	[hbm:s1], [sflag:s19] =	dma.local [spmem:s7], $0x8000  }
0xa2: {  	_ =	swait.ge [sflag:s31], $0x8000  }
0xa3: {  	[sflag:s31] =	ssyncset.done $0x0  }
0xa4: {  	s1 =	rddreg [dreg:$0x10];
	[sflag:s31] =	ssyncadd.s32 $0xFFFF8000  }
0xa5: {  	[spmem:s6], [sflag:s12] =	dma.local [hbm:s1], $0x8000  }
0xa6: {  	_ =	swait.ge [sflag:s13], $0x8000  }
0xa7: {  	[sflag:s13] =	ssyncset.done $0x0  }
0xa8: {  	s0 =	simm.s32 $0xC;
	s1 =	rddreg [dreg:$0x11];
	[sflag:s13] =	ssyncadd.s32 $0xFFFF8000  }
0xa9: {  	[hbm:s1], [sflag:s14] =	dma.local [spmem:s5], $0x8000  }
0xaa: {  	_ =	swait.ge [sflag:s0], $0x8000  }
0xab: {  	[sflag:s0] =	ssyncset.done $0x0  }
0xac: {  	s1 =	rddreg [dreg:$0x12];
	[sflag:s0] =	ssyncadd.s32 $0xFFFF8000  }
0xad: {  	[spmem:s7], [sflag:s15] =	dma.local [hbm:s1], $0x8000  }
0xae: {  	_ =	swait.ge [sflag:s16], $0x8000  }
0xaf: {  	[sflag:s16] =	ssyncset.done $0x0  }
0xb0: {  	s1 =	rddreg [dreg:$0x13];
	[sflag:s16] =	ssyncadd.s32 $0xFFFF8000  }
0xb1: {  	[hbm:s1], [sflag:s17] =	dma.local [spmem:s6], $0x8000  }
0xb2: {  	_ =	swait.ge [sflag:s30], $0x8000  }
0xb3: {  	[sflag:s30] =	ssyncset.done $0x0  }
0xb4: {  	s1 =	rddreg [dreg:$0x14];
	[sflag:s30] =	ssyncadd.s32 $0xFFFF8000  }
0xb5: {  	[spmem:s5], [sflag:s11] =	dma.local [hbm:s1], $0x8000  }
0xb6: {  	_ =	swait.ge [sflag:s18], $0x8000  }
0xb7: {  	[sflag:s18] =	ssyncset.done $0x0  }
0xb8: {  	s1 =	rddreg [dreg:$0x15];
	[sflag:s18] =	ssyncadd.s32 $0xFFFF8000  }
0xb9: {  	[hbm:s1], [sflag:s19] =	dma.local [spmem:s7], $0x8000  }
0xba: {  	_ =	swait.ge [sflag:s31], $0x8000  }
0xbb: {  	[sflag:s31] =	ssyncset.done $0x0  }
0xbc: {  	s1 =	rddreg [dreg:$0x16];
	[sflag:s31] =	ssyncadd.s32 $0xFFFF8000  }
0xbd: {  	[spmem:s6], [sflag:s12] =	dma.local [hbm:s1], $0x8000  }
0xbe: {  	_ =	swait.ge [sflag:s13], $0x8000  }
0xbf: {  	[sflag:s13] =	ssyncset.done $0x0  }
0xc0: {  	s1 =	rddreg [dreg:$0x17];
	[sflag:s13] =	ssyncadd.s32 $0xFFFF8000  }
0xc1: {  	[hbm:s1], [sflag:s14] =	dma.local [spmem:s5], $0x8000  }
0xc2: {  	_ =	swait.ge [sflag:s0], $0x8000  }
0xc3: {  	[sflag:s0] =	ssyncset.done $0x0  }
0xc4: {  	s1 =	rddreg [dreg:$0x18];
	[sflag:s0] =	ssyncadd.s32 $0xFFFF8000  }
0xc5: {  	[spmem:s7], [sflag:s15] =	dma.local [hbm:s1], $0x8000  }
0xc6: {  	_ =	swait.ge [sflag:s16], $0x8000  }
0xc7: {  	[sflag:s16] =	ssyncset.done $0x0  }
0xc8: {  	s1 =	rddreg [dreg:$0x19];
	[sflag:s16] =	ssyncadd.s32 $0xFFFF8000  }
0xc9: {  	[hbm:s1], [sflag:s17] =	dma.local [spmem:s6], $0x8000  }
0xca: {  	_ =	swait.ge [sflag:s30], $0x8000  }
0xcb: {  	[sflag:s30] =	ssyncset.done $0x0  }
0xcc: {  	s1 =	rddreg [dreg:$0x1a];
	[sflag:s30] =	ssyncadd.s32 $0xFFFF8000  }
0xcd: {  	[spmem:s5], [sflag:s11] =	dma.local [hbm:s1], $0x8000  }
0xce: {  	_ =	swait.ge [sflag:s18], $0x8000  }
0xcf: {  	[sflag:s18] =	ssyncset.done $0x0  }
0xd0: {  	s1 =	rddreg [dreg:$0x1b];
	[sflag:s18] =	ssyncadd.s32 $0xFFFF8000  }
0xd1: {  	[hbm:s1], [sflag:s19] =	dma.local [spmem:s7], $0x8000  }
0xd2: {  	_ =	swait.ge [sflag:s31], $0x8000  }
0xd3: {  	[sflag:s31] =	ssyncset.done $0x0  }
0xd4: {  	s1 =	rddreg [dreg:$0x1d];
	[sflag:s31] =	ssyncadd.s32 $0xFFFF8000  }
0xd5: {  	[spmem:s6], [sflag:s12] =	dma.local [hbm:s1], $0x8000  }
0xd6: {  	_ =	swait.ge [sflag:s13], $0x8000  }
0xd7: {  	[sflag:s13] =	ssyncset.done $0x0  }
0xd8: {  	s1 =	rddreg [dreg:$0x1c];
	[sflag:s13] =	ssyncadd.s32 $0xFFFF8000  }
0xd9: {  	[hbm:s1], [sflag:s14] =	dma.local [spmem:s5], $0x8000  }
0xda: {  	_ =	swait.ge [sflag:s0], $0x8000  }
0xdb: {  	[sflag:s0] =	ssyncset.done $0x0  }
0xdc: {  	s1 =	rddreg [dreg:$0x1f];
	[sflag:s0] =	ssyncadd.s32 $0xFFFF8000  }
0xdd: {  	[spmem:s7], [sflag:s15] =	dma.local [hbm:s1], $0x8000  }
0xde: {  	_ =	swait.ge [sflag:s16], $0x8000  }
0xdf: {  	[sflag:s16] =	ssyncset.done $0x0  }
0xe0: {  	s1 =	rddreg [dreg:$0x1e];
	[sflag:s16] =	ssyncadd.s32 $0xFFFF8000  }
0xe1: {  	[hbm:s1], [sflag:s17] =	dma.local [spmem:s6], $0x8000  }
0xe2: {  	_ =	swait.ge [sflag:s30], $0x8000  }
0xe3: {  	s1 =	sld [smem:$0x798]  }
0xe4: {  	[sflag:s30] =	ssyncset.done $0x0  }
0xe5: {  	[sflag:s30] =	ssyncadd.s32 $0xFFFF8000  }
0xe6: {  	[spmem:s5], [sflag:s11] =	dma.local [hbm:s1], $0x8000  }
0xe7: {  	_ =	swait.ge [sflag:s18], $0x8000  }
0xe8: {  	s1 =	sld [smem:$0x797]  }
0xe9: {  	[sflag:s18] =	ssyncset.done $0x0  }
0xea: {  	[sflag:s18] =	ssyncadd.s32 $0xFFFF8000  }
0xeb: {  	[hbm:s1], [sflag:s19] =	dma.local [spmem:s7], $0x8000  }
0xec: {  	_ =	swait.ge [sflag:s31], $0x8000  }
0xed: {  	s1 =	sld [smem:$0x79A]  }
0xee: {  	[sflag:s31] =	ssyncset.done $0x0  }
0xef: {  	[sflag:s31] =	ssyncadd.s32 $0xFFFF8000  }
0xf0: {  	[spmem:s6], [sflag:s12] =	dma.local [hbm:s1], $0x8000  }
0xf1: {  	_ =	swait.ge [sflag:s13], $0x8000  }
0xf2: {  	s1 =	sld [smem:$0x799]  }
0xf3: {  	[sflag:s13] =	ssyncset.done $0x0  }
0xf4: {  	[sflag:s13] =	ssyncadd.s32 $0xFFFF8000  }
0xf5: {  	[hbm:s1], [sflag:s14] =	dma.local [spmem:s5], $0x8000  }
0xf6: {  	_ =	swait.ge [sflag:s0], $0x8000  }
0xf7: {  	s1 =	sld [smem:$0x79C]  }
0xf8: {  	[sflag:s0] =	ssyncset.done $0x0  }
0xf9: {  	[sflag:s0] =	ssyncadd.s32 $0xFFFF8000  }
0xfa: {  	[spmem:s7], [sflag:s15] =	dma.local [hbm:s1], $0x8000  }
0xfb: {  	_ =	swait.ge [sflag:s16], $0x8000  }
0xfc: {  	s1 =	sld [smem:$0x79B]  }
0xfd: {  	[sflag:s16] =	ssyncset.done $0x0  }
0xfe: {  	[sflag:s16] =	ssyncadd.s32 $0xFFFF8000  }
0xff: {  	[hbm:s1], [sflag:s17] =	dma.local [spmem:s6], $0x8000  }
0x100: {  	_ =	swait.ge [sflag:s30], $0x8000  }
0x101: {  	s1 =	sld [smem:$0x79E]  }
0x102: {  	[sflag:s30] =	ssyncset.done $0x0  }
0x103: {  	[sflag:s30] =	ssyncadd.s32 $0xFFFF8000  }
0x104: {  	[spmem:s5], [sflag:s11] =	dma.local [hbm:s1], $0x8000  }
0x105: {  	_ =	swait.ge [sflag:s18], $0x8000  }
0x106: {  	s1 =	sld [smem:$0x79D]  }
0x107: {  	[sflag:s18] =	ssyncset.done $0x0  }
0x108: {  	[sflag:s18] =	ssyncadd.s32 $0xFFFF8000  }
0x109: {  	[hbm:s1], [sflag:s19] =	dma.local [spmem:s7], $0x8000  }
0x10a: {  	_ =	swait.ge [sflag:s31], $0x8000  }
0x10b: {  	s1 =	sld [smem:$0x7A0]  }
0x10c: {  	[sflag:s31] =	ssyncset.done $0x0  }
0x10d: {  	[sflag:s31] =	ssyncadd.s32 $0xFFFF8000  }
0x10e: {  	[spmem:s6], [sflag:s12] =	dma.local [hbm:s1], $0x8000  }
0x10f: {  	_ =	swait.ge [sflag:s13], $0x8000  }
0x110: {  	s1 =	sld [smem:$0x79F]  }
0x111: {  	[sflag:s13] =	ssyncset.done $0x0  }
0x112: {  	[sflag:s13] =	ssyncadd.s32 $0xFFFF8000  }
0x113: {  	[hbm:s1], [sflag:s14] =	dma.local [spmem:s5], $0x8000  }
0x114: {  	_ =	swait.ge [sflag:s0], $0x8000  }
0x115: {  	s1 =	sld [smem:$0x7A2]  }
0x116: {  	[sflag:s0] =	ssyncset.done $0x0  }
0x117: {  	[sflag:s0] =	ssyncadd.s32 $0xFFFF8000  }
0x118: {  	[spmem:s7], [sflag:s15] =	dma.local [hbm:s1], $0x8000  }
0x119: {  	_ =	swait.ge [sflag:s16], $0x8000  }
0x11a: {  	s1 =	sld [smem:$0x7A1]  }
0x11b: {  	[sflag:s16] =	ssyncset.done $0x0  }
0x11c: {  	[sflag:s16] =	ssyncadd.s32 $0xFFFF8000  }
0x11d: {  	[hbm:s1], [sflag:s17] =	dma.local [spmem:s6], $0x8000  }
0x11e: {  	_ =	swait.ge [sflag:s30], $0x8000  }
0x11f: {  	s1 =	sld [smem:$0x7A4]  }
0x120: {  	[sflag:s30] =	ssyncset.done $0x0  }
0x121: {  	[sflag:s30] =	ssyncadd.s32 $0xFFFF8000  }
0x122: {  	[spmem:s5], [sflag:s11] =	dma.local [hbm:s1], $0x8000  }
0x123: {  	_ =	swait.ge [sflag:s18], $0x8000  }
0x124: {  	s1 =	sld [smem:$0x7A3]  }
0x125: {  	[sflag:s18] =	ssyncset.done $0x0  }
0x126: {  	[sflag:s18] =	ssyncadd.s32 $0xFFFF8000  }
0x127: {  	[hbm:s1], [sflag:s19] =	dma.local [spmem:s7], $0x8000  }
0x128: {  	_ =	swait.ge [sflag:s31], $0x8000  }
0x129: {  	s1 =	sld [smem:$0x7A6]  }
0x12a: {  	[sflag:s31] =	ssyncset.done $0x0  }
0x12b: {  	[sflag:s31] =	ssyncadd.s32 $0xFFFF8000  }
0x12c: {  	[spmem:s6], [sflag:s12] =	dma.local [hbm:s1], $0x8000  }
0x12d: {  	_ =	swait.ge [sflag:s13], $0x8000  }
0x12e: {  	s1 =	sld [smem:$0x7A5]  }
0x12f: {  	[sflag:s13] =	ssyncset.done $0x0  }
0x130: {  	[sflag:s13] =	ssyncadd.s32 $0xFFFF8000  }
0x131: {  	[hbm:s1], [sflag:s14] =	dma.local [spmem:s5], $0x8000  }
0x132: {  	_ =	swait.ge [sflag:s0], $0x8000  }
0x133: {  	s1 =	sld [smem:$0x7A8]  }
0x134: {  	[sflag:s0] =	ssyncset.done $0x0  }
0x135: {  	[sflag:s0] =	ssyncadd.s32 $0xFFFF8000  }
0x136: {  	[spmem:s7], [sflag:s15] =	dma.local [hbm:s1], $0x8000  }
0x137: {  	_ =	swait.ge [sflag:s16], $0x8000  }
0x138: {  	s1 =	sld [smem:$0x7A7]  }
0x139: {  	[sflag:s16] =	ssyncset.done $0x0  }
0x13a: {  	[sflag:s16] =	ssyncadd.s32 $0xFFFF8000  }
0x13b: {  	[hbm:s1], [sflag:s17] =	dma.local [spmem:s6], $0x8000  }
0x13c: {  	_ =	swait.ge [sflag:s30], $0x8000  }
0x13d: {  	s1 =	sld [smem:$0x7AA]  }
0x13e: {  	[sflag:s30] =	ssyncset.done $0x0  }
0x13f: {  	[sflag:s30] =	ssyncadd.s32 $0xFFFF8000  }
0x140: {  	[spmem:s5], [sflag:s11] =	dma.local [hbm:s1], $0x8000  }
0x141: {  	_ =	swait.ge [sflag:s18], $0x8000  }
0x142: {  	s1 =	sld [smem:$0x7A9]  }
0x143: {  	[sflag:s18] =	ssyncset.done $0x0  }
0x144: {  	[sflag:s18] =	ssyncadd.s32 $0xFFFF8000  }
0x145: {  	[hbm:s1], [sflag:s19] =	dma.local [spmem:s7], $0x8000  }
0x146: {  	_ =	swait.ge [sflag:s31], $0x8000  }
0x147: {  	s1 =	sld [smem:$0x7AC]  }
0x148: {  	[sflag:s31] =	ssyncset.done $0x0  }
0x149: {  	[sflag:s31] =	ssyncadd.s32 $0xFFFF8000  }
0x14a: {  	[spmem:s6], [sflag:s12] =	dma.local [hbm:s1], $0x8000  }
0x14b: {  	_ =	swait.ge [sflag:s13], $0x8000  }
0x14c: {  	s1 =	sld [smem:$0x7AB]  }
0x14d: {  	[sflag:s13] =	ssyncset.done $0x0  }
0x14e: {  	[sflag:s13] =	ssyncadd.s32 $0xFFFF8000  }
0x14f: {  	[hbm:s1], [sflag:s14] =	dma.local [spmem:s5], $0x8000  }
0x150: {  	_ =	swait.ge [sflag:s0], $0x8000  }
0x151: {  	s1 =	sld [smem:$0x7AE]  }
0x152: {  	[sflag:s0] =	ssyncset.done $0x0  }
0x153: {  	[sflag:s0] =	ssyncadd.s32 $0xFFFF8000  }
0x154: {  	[spmem:s7], [sflag:s15] =	dma.local [hbm:s1], $0x8000  }
0x155: {  	_ =	swait.ge [sflag:s16], $0x8000  }
0x156: {  	s1 =	sld [smem:$0x7AD]  }
0x157: {  	[sflag:s16] =	ssyncset.done $0x0  }
0x158: {  	[sflag:s16] =	ssyncadd.s32 $0xFFFF8000  }
0x159: {  	[hbm:s1], [sflag:s17] =	dma.local [spmem:s6], $0x8000  }
0x15a: {  	_ =	swait.ge [sflag:s30], $0x8000  }
0x15b: {  	s1 =	sld [smem:$0x7B0]  }
0x15c: {  	[sflag:s30] =	ssyncset.done $0x0  }
0x15d: {  	[sflag:s30] =	ssyncadd.s32 $0xFFFF8000  }
0x15e: {  	[spmem:s5], [sflag:s11] =	dma.local [hbm:s1], $0x8000  }
0x15f: {  	_ =	swait.ge [sflag:s18], $0x8000  }
0x160: {  	s1 =	sld [smem:$0x7AF]  }
0x161: {  	[sflag:s18] =	ssyncset.done $0x0  }
0x162: {  	[sflag:s18] =	ssyncadd.s32 $0xFFFF8000  }
0x163: {  	[hbm:s1], [sflag:s19] =	dma.local [spmem:s7], $0x8000  }
0x164: {  	_ =	swait.ge [sflag:s31], $0x8000  }
0x165: {  	s1 =	sld [smem:$0x7B2]  }
0x166: {  	[sflag:s31] =	ssyncset.done $0x0  }
0x167: {  	[sflag:s31] =	ssyncadd.s32 $0xFFFF8000  }
0x168: {  	[spmem:s6], [sflag:s12] =	dma.local [hbm:s1], $0x8000  }
0x169: {  	_ =	swait.ge [sflag:s13], $0x8000  }
0x16a: {  	s1 =	sld [smem:$0x7B1]  }
0x16b: {  	[sflag:s13] =	ssyncset.done $0x0  }
0x16c: {  	[sflag:s13] =	ssyncadd.s32 $0xFFFF8000  }
0x16d: {  	[hbm:s1], [sflag:s14] =	dma.local [spmem:s5], $0x8000  }
0x16e: {  	_ =	swait.ge [sflag:s0], $0x8000  }
0x16f: {  	s1 =	sld [smem:$0x7B4]  }
0x170: {  	[sflag:s0] =	ssyncset.done $0x0  }
0x171: {  	[sflag:s0] =	ssyncadd.s32 $0xFFFF8000  }
0x172: {  	[spmem:s7], [sflag:s15] =	dma.local [hbm:s1], $0x8000  }
0x173: {  	_ =	swait.ge [sflag:s16], $0x8000  }
0x174: {  	s1 =	sld [smem:$0x7B3]  }
0x175: {  	[sflag:s16] =	ssyncset.done $0x0  }
0x176: {  	[sflag:s16] =	ssyncadd.s32 $0xFFFF8000  }
0x177: {  	[hbm:s1], [sflag:s17] =	dma.local [spmem:s6], $0x8000  }
0x178: {  	_ =	swait.ge [sflag:s30], $0x8000  }
0x179: {  	s1 =	sld [smem:$0x7B6]  }
0x17a: {  	[sflag:s30] =	ssyncset.done $0x0  }
0x17b: {  	[sflag:s30] =	ssyncadd.s32 $0xFFFF8000  }
0x17c: {  	[spmem:s5], [sflag:s11] =	dma.local [hbm:s1], $0x8000  }
0x17d: {  	_ =	swait.ge [sflag:s18], $0x8000  }
0x17e: {  	s1 =	sld [smem:$0x7B5]  }
0x17f: {  	[sflag:s18] =	ssyncset.done $0x0  }
0x180: {  	[sflag:s18] =	ssyncadd.s32 $0xFFFF8000  }
0x181: {  	[hbm:s1], [sflag:s19] =	dma.local [spmem:s7], $0x8000  }
0x182: {  	_ =	swait.ge [sflag:s31], $0x8000  }
0x183: {  	s1 =	sld [smem:$0x7B8]  }
0x184: {  	[sflag:s31] =	ssyncset.done $0x0  }
0x185: {  	[sflag:s31] =	ssyncadd.s32 $0xFFFF8000  }
0x186: {  	[spmem:s6], [sflag:s12] =	dma.local [hbm:s1], $0x8000  }
0x187: {  	_ =	swait.ge [sflag:s13], $0x8000  }
0x188: {  	s1 =	sld [smem:$0x7B7]  }
0x189: {  	[sflag:s13] =	ssyncset.done $0x0  }
0x18a: {  	[sflag:s13] =	ssyncadd.s32 $0xFFFF8000  }
0x18b: {  	[hbm:s1], [sflag:s14] =	dma.local [spmem:s5], $0x8000  }
0x18c: {  	_ =	swait.ge [sflag:s0], $0x8000  }
0x18d: {  	s1 =	sld [smem:$0x7BA]  }
0x18e: {  	[sflag:s0] =	ssyncset.done $0x0  }
0x18f: {  	[sflag:s0] =	ssyncadd.s32 $0xFFFF8000  }
0x190: {  	[spmem:s7], [sflag:s15] =	dma.local [hbm:s1], $0x8000  }
0x191: {  	_ =	swait.ge [sflag:s16], $0x8000  }
0x192: {  	s1 =	sld [smem:$0x7B9]  }
0x193: {  	[sflag:s16] =	ssyncset.done $0x0  }
0x194: {  	[sflag:s16] =	ssyncadd.s32 $0xFFFF8000  }
0x195: {  	[hbm:s1], [sflag:s17] =	dma.local [spmem:s6], $0x8000  }
0x196: {  	_ =	swait.ge [sflag:s30], $0x8000  }
0x197: {  	s1 =	sld [smem:$0x7BC]  }
0x198: {  	[sflag:s30] =	ssyncset.done $0x0  }
0x199: {  	[sflag:s30] =	ssyncadd.s32 $0xFFFF8000  }
0x19a: {  	[spmem:s5], [sflag:s11] =	dma.local [hbm:s1], $0x8000  }
0x19b: {  	_ =	swait.ge [sflag:s18], $0x8000  }
0x19c: {  	s1 =	sld [smem:$0x7BB]  }
0x19d: {  	[sflag:s18] =	ssyncset.done $0x0  }
0x19e: {  	[sflag:s18] =	ssyncadd.s32 $0xFFFF8000  }
0x19f: {  	[hbm:s1], [sflag:s19] =	dma.local [spmem:s7], $0x8000  }
0x1a0: {  	_ =	swait.ge [sflag:s31], $0x8000  }
0x1a1: {  	s1 =	sld [smem:$0x7BE]  }
0x1a2: {  	[sflag:s31] =	ssyncset.done $0x0  }
0x1a3: {  	[sflag:s31] =	ssyncadd.s32 $0xFFFF8000  }
0x1a4: {  	[spmem:s6], [sflag:s12] =	dma.local [hbm:s1], $0x8000  }
0x1a5: {  	_ =	swait.ge [sflag:s13], $0x8000  }
0x1a6: {  	s1 =	sld [smem:$0x7BD]  }
0x1a7: {  	[sflag:s13] =	ssyncset.done $0x0  }
0x1a8: {  	[sflag:s13] =	ssyncadd.s32 $0xFFFF8000  }
0x1a9: {  	[hbm:s1], [sflag:s14] =	dma.local [spmem:s5], $0x8000  }
0x1aa: {  	_ =	swait.ge [sflag:s16], $0x8000  }
0x1ab: {  	s1 =	sld [smem:$0x7BF]  }
0x1ac: {  	[sflag:s16] =	ssyncset.done $0x0  }
0x1ad: {  	[sflag:s16] =	ssyncadd.s32 $0xFFFF8000  }
0x1ae: {  	[hbm:s1], [sflag:s17] =	dma.local [spmem:s6], $0x8000  }
.LBB2_5:
0x1af: {  	_ =	swait.ge [sflag:s0], $0x8000  }
0x1b0: {  	[sflag:s0] =	ssyncset.done $0x0  }
0x1b1: {  	[sflag:s0] =	ssyncadd.s32 $0xFFFF8000  }
0x1b2: {  	_ =	swait.ge [sflag:s30], $0x8000  }
0x1b3: {  	[sflag:s30] =	ssyncset.done $0x0  }
0x1b4: {  	[sflag:s30] =	ssyncadd.s32 $0xFFFF8000  }
0x1b5: {  	_ =	swait.ge [sflag:s31], $0x8000  }
0x1b6: {  	[sflag:s31] =	ssyncset.done $0x0  }
0x1b7: {  	[sflag:s31] =	ssyncadd.s32 $0xFFFF8000  }
.LBB2_6:
0x1b8: {  	s4 =	sadd.s32 $0xFFFFFFFF, s4  }
0x1b9: {  	p2 =	sne.s32 s4, $0x0  }
.Ltmp1:
0x1ba: {  	_ = 	snop;
	(pc) =	sbr.rel @!p2 .LBB2_7-.Ltmp1, $1  }
0x1bb: {  	_ =	sdelay $0x3  }
.LBB2_1:
.Ltmp2:
0x1bc: {  	(pc) =	sbr.rel @p1 .LBB2_4-.Ltmp2, $1  }
0x1bd: {  	_ =	sdelay $0x3  }
.Ltmp3:
0x1be: {  	(pc) =	sbr.rel @p0 .LBB2_6-.Ltmp3, $1  }
0x1bf: {  	_ =	sdelay $0x3  }
0x1c0: {  	s0 =	sld [smem:$0x7FA];
	_ =	sdelay $0x2  }
0x1c1: {  	[spmem:s8], [sflag:s20] =	dma.local [hbm:s0], $0x8000  }
0x1c2: {  	s0 =	sld [smem:$0x7C0];
	_ =	sdelay $0x2  }
0x1c3: {  	[spmem:s9], [sflag:s21] =	dma.local [hbm:s0], $0x8000  }
0x1c4: {  	_ =	swait.ge [sflag:s22], $0x8000  }
0x1c5: {  	s1 =	sld [smem:$0x7FB]  }
0x1c6: {  	[sflag:s22] =	ssyncset.done $0x0  }
0x1c7: {  	[sflag:s22] =	ssyncadd.s32 $0xFFFF8000  }
0x1c8: {  	[hbm:s1], [sflag:s23] =	dma.local [spmem:s8], $0x8000  }
0x1c9: {  	s0 =	sld [smem:$0x7C2];
	_ =	sdelay $0x2  }
0x1ca: {  	[spmem:s10], [sflag:s24] =	dma.local [hbm:s0], $0x8000  }
0x1cb: {  	_ =	swait.ge [sflag:s25], $0x8000  }
0x1cc: {  	s1 =	sld [smem:$0x7C1]  }
0x1cd: {  	[sflag:s25] =	ssyncset.done $0x0  }
0x1ce: {  	s30 =	simm.s32 $0x7;
	[sflag:s25] =	ssyncadd.s32 $0xFFFF8000  }
0x1cf: {  	[hbm:s1], [sflag:s26] =	dma.local [spmem:s9], $0x8000  }
0x1d0: {  	_ =	swait.ge [sflag:s30], $0x8000  }
0x1d1: {  	s1 =	sld [smem:$0x7C4]  }
0x1d2: {  	[sflag:s30] =	ssyncset.done $0x0  }
0x1d3: {  	[sflag:s30] =	ssyncadd.s32 $0xFFFF8000  }
0x1d4: {  	[spmem:s8], [sflag:s20] =	dma.local [hbm:s1], $0x8000  }
0x1d5: {  	_ =	swait.ge [sflag:s28], $0x8000  }
0x1d6: {  	s1 =	sld [smem:$0x7C3]  }
0x1d7: {  	[sflag:s28] =	ssyncset.done $0x0  }
0x1d8: {  	s31 =	simm.s32 $0x8;
	[sflag:s28] =	ssyncadd.s32 $0xFFFF8000  }
0x1d9: {  	[hbm:s1], [sflag:s29] =	dma.local [spmem:s10], $0x8000  }
0x1da: {  	_ =	swait.ge [sflag:s31], $0x8000  }
0x1db: {  	s1 =	sld [smem:$0x7C6]  }
0x1dc: {  	[sflag:s31] =	ssyncset.done $0x0  }
0x1dd: {  	[sflag:s31] =	ssyncadd.s32 $0xFFFF8000  }
0x1de: {  	[spmem:s9], [sflag:s21] =	dma.local [hbm:s1], $0x8000  }
0x1df: {  	_ =	swait.ge [sflag:s22], $0x8000  }
0x1e0: {  	s1 =	sld [smem:$0x7C5]  }
0x1e1: {  	[sflag:s22] =	ssyncset.done $0x0  }
0x1e2: {  	s0 =	simm.s32 $0x9;
	[sflag:s22] =	ssyncadd.s32 $0xFFFF8000  }
0x1e3: {  	[hbm:s1], [sflag:s23] =	dma.local [spmem:s8], $0x8000  }
0x1e4: {  	_ =	swait.ge [sflag:s0], $0x8000  }
0x1e5: {  	s1 =	sld [smem:$0x7C8]  }
0x1e6: {  	[sflag:s0] =	ssyncset.done $0x0  }
0x1e7: {  	[sflag:s0] =	ssyncadd.s32 $0xFFFF8000  }
0x1e8: {  	[spmem:s10], [sflag:s24] =	dma.local [hbm:s1], $0x8000  }
0x1e9: {  	_ =	swait.ge [sflag:s25], $0x8000  }
0x1ea: {  	s1 =	sld [smem:$0x7C7]  }
0x1eb: {  	[sflag:s25] =	ssyncset.done $0x0  }
0x1ec: {  	[sflag:s25] =	ssyncadd.s32 $0xFFFF8000  }
0x1ed: {  	[hbm:s1], [sflag:s26] =	dma.local [spmem:s9], $0x8000  }
0x1ee: {  	_ =	swait.ge [sflag:s30], $0x8000  }
0x1ef: {  	s1 =	sld [smem:$0x7CA]  }
0x1f0: {  	[sflag:s30] =	ssyncset.done $0x0  }
0x1f1: {  	[sflag:s30] =	ssyncadd.s32 $0xFFFF8000  }
0x1f2: {  	[spmem:s8], [sflag:s20] =	dma.local [hbm:s1], $0x8000  }
0x1f3: {  	_ =	swait.ge [sflag:s28], $0x8000  }
0x1f4: {  	s1 =	sld [smem:$0x7C9]  }
0x1f5: {  	[sflag:s28] =	ssyncset.done $0x0  }
0x1f6: {  	[sflag:s28] =	ssyncadd.s32 $0xFFFF8000  }
0x1f7: {  	[hbm:s1], [sflag:s29] =	dma.local [spmem:s10], $0x8000  }
0x1f8: {  	_ =	swait.ge [sflag:s31], $0x8000  }
0x1f9: {  	s1 =	sld [smem:$0x7CC]  }
0x1fa: {  	[sflag:s31] =	ssyncset.done $0x0  }
0x1fb: {  	[sflag:s31] =	ssyncadd.s32 $0xFFFF8000  }
0x1fc: {  	[spmem:s9], [sflag:s21] =	dma.local [hbm:s1], $0x8000  }
0x1fd: {  	_ =	swait.ge [sflag:s22], $0x8000  }
0x1fe: {  	s1 =	sld [smem:$0x7CB]  }
0x1ff: {  	[sflag:s22] =	ssyncset.done $0x0  }
0x200: {  	[sflag:s22] =	ssyncadd.s32 $0xFFFF8000  }
0x201: {  	[hbm:s1], [sflag:s23] =	dma.local [spmem:s8], $0x8000  }
0x202: {  	_ =	swait.ge [sflag:s0], $0x8000  }
0x203: {  	s1 =	sld [smem:$0x7CE]  }
0x204: {  	[sflag:s0] =	ssyncset.done $0x0  }
0x205: {  	[sflag:s0] =	ssyncadd.s32 $0xFFFF8000  }
0x206: {  	[spmem:s10], [sflag:s24] =	dma.local [hbm:s1], $0x8000  }
0x207: {  	_ =	swait.ge [sflag:s25], $0x8000  }
0x208: {  	s1 =	sld [smem:$0x7CD]  }
0x209: {  	[sflag:s25] =	ssyncset.done $0x0  }
0x20a: {  	[sflag:s25] =	ssyncadd.s32 $0xFFFF8000  }
0x20b: {  	[hbm:s1], [sflag:s26] =	dma.local [spmem:s9], $0x8000  }
0x20c: {  	_ =	swait.ge [sflag:s30], $0x8000  }
0x20d: {  	s1 =	sld [smem:$0x7D0]  }
0x20e: {  	[sflag:s30] =	ssyncset.done $0x0  }
0x20f: {  	[sflag:s30] =	ssyncadd.s32 $0xFFFF8000  }
0x210: {  	[spmem:s8], [sflag:s20] =	dma.local [hbm:s1], $0x8000  }
0x211: {  	_ =	swait.ge [sflag:s28], $0x8000  }
0x212: {  	s1 =	sld [smem:$0x7CF]  }
0x213: {  	[sflag:s28] =	ssyncset.done $0x0  }
0x214: {  	[sflag:s28] =	ssyncadd.s32 $0xFFFF8000  }
0x215: {  	[hbm:s1], [sflag:s29] =	dma.local [spmem:s10], $0x8000  }
0x216: {  	_ =	swait.ge [sflag:s31], $0x8000  }
0x217: {  	s1 =	sld [smem:$0x7D2]  }
0x218: {  	[sflag:s31] =	ssyncset.done $0x0  }
0x219: {  	[sflag:s31] =	ssyncadd.s32 $0xFFFF8000  }
0x21a: {  	[spmem:s9], [sflag:s21] =	dma.local [hbm:s1], $0x8000  }
0x21b: {  	_ =	swait.ge [sflag:s22], $0x8000  }
0x21c: {  	s1 =	sld [smem:$0x7D1]  }
0x21d: {  	[sflag:s22] =	ssyncset.done $0x0  }
0x21e: {  	[sflag:s22] =	ssyncadd.s32 $0xFFFF8000  }
0x21f: {  	[hbm:s1], [sflag:s23] =	dma.local [spmem:s8], $0x8000  }
0x220: {  	_ =	swait.ge [sflag:s0], $0x8000  }
0x221: {  	s1 =	sld [smem:$0x7D4]  }
0x222: {  	[sflag:s0] =	ssyncset.done $0x0  }
0x223: {  	[sflag:s0] =	ssyncadd.s32 $0xFFFF8000  }
0x224: {  	[spmem:s10], [sflag:s24] =	dma.local [hbm:s1], $0x8000  }
0x225: {  	_ =	swait.ge [sflag:s25], $0x8000  }
0x226: {  	s1 =	sld [smem:$0x7D3]  }
0x227: {  	[sflag:s25] =	ssyncset.done $0x0  }
0x228: {  	[sflag:s25] =	ssyncadd.s32 $0xFFFF8000  }
0x229: {  	[hbm:s1], [sflag:s26] =	dma.local [spmem:s9], $0x8000  }
0x22a: {  	_ =	swait.ge [sflag:s30], $0x8000  }
0x22b: {  	s1 =	sld [smem:$0x7D6]  }
0x22c: {  	[sflag:s30] =	ssyncset.done $0x0  }
0x22d: {  	[sflag:s30] =	ssyncadd.s32 $0xFFFF8000  }
0x22e: {  	[spmem:s8], [sflag:s20] =	dma.local [hbm:s1], $0x8000  }
0x22f: {  	_ =	swait.ge [sflag:s28], $0x8000  }
0x230: {  	s1 =	sld [smem:$0x7D5]  }
0x231: {  	[sflag:s28] =	ssyncset.done $0x0  }
0x232: {  	[sflag:s28] =	ssyncadd.s32 $0xFFFF8000  }
0x233: {  	[hbm:s1], [sflag:s29] =	dma.local [spmem:s10], $0x8000  }
0x234: {  	_ =	swait.ge [sflag:s31], $0x8000  }
0x235: {  	s1 =	sld [smem:$0x7D8]  }
0x236: {  	[sflag:s31] =	ssyncset.done $0x0  }
0x237: {  	[sflag:s31] =	ssyncadd.s32 $0xFFFF8000  }
0x238: {  	[spmem:s9], [sflag:s21] =	dma.local [hbm:s1], $0x8000  }
0x239: {  	_ =	swait.ge [sflag:s22], $0x8000  }
0x23a: {  	s1 =	sld [smem:$0x7D7]  }
0x23b: {  	[sflag:s22] =	ssyncset.done $0x0  }
0x23c: {  	[sflag:s22] =	ssyncadd.s32 $0xFFFF8000  }
0x23d: {  	[hbm:s1], [sflag:s23] =	dma.local [spmem:s8], $0x8000  }
0x23e: {  	_ =	swait.ge [sflag:s0], $0x8000  }
0x23f: {  	s1 =	sld [smem:$0x7DA]  }
0x240: {  	[sflag:s0] =	ssyncset.done $0x0  }
0x241: {  	[sflag:s0] =	ssyncadd.s32 $0xFFFF8000  }
0x242: {  	[spmem:s10], [sflag:s24] =	dma.local [hbm:s1], $0x8000  }
0x243: {  	_ =	swait.ge [sflag:s25], $0x8000  }
0x244: {  	s1 =	sld [smem:$0x7D9]  }
0x245: {  	[sflag:s25] =	ssyncset.done $0x0  }
0x246: {  	[sflag:s25] =	ssyncadd.s32 $0xFFFF8000  }
0x247: {  	[hbm:s1], [sflag:s26] =	dma.local [spmem:s9], $0x8000  }
0x248: {  	_ =	swait.ge [sflag:s30], $0x8000  }
0x249: {  	s1 =	sld [smem:$0x7DC]  }
0x24a: {  	[sflag:s30] =	ssyncset.done $0x0  }
0x24b: {  	[sflag:s30] =	ssyncadd.s32 $0xFFFF8000  }
0x24c: {  	[spmem:s8], [sflag:s20] =	dma.local [hbm:s1], $0x8000  }
0x24d: {  	_ =	swait.ge [sflag:s28], $0x8000  }
0x24e: {  	s1 =	sld [smem:$0x7DB]  }
0x24f: {  	[sflag:s28] =	ssyncset.done $0x0  }
0x250: {  	[sflag:s28] =	ssyncadd.s32 $0xFFFF8000  }
0x251: {  	[hbm:s1], [sflag:s29] =	dma.local [spmem:s10], $0x8000  }
0x252: {  	_ =	swait.ge [sflag:s31], $0x8000  }
0x253: {  	s1 =	sld [smem:$0x7DE]  }
0x254: {  	[sflag:s31] =	ssyncset.done $0x0  }
0x255: {  	[sflag:s31] =	ssyncadd.s32 $0xFFFF8000  }
0x256: {  	[spmem:s9], [sflag:s21] =	dma.local [hbm:s1], $0x8000  }
0x257: {  	_ =	swait.ge [sflag:s22], $0x8000  }
0x258: {  	s1 =	sld [smem:$0x7DD]  }
0x259: {  	[sflag:s22] =	ssyncset.done $0x0  }
0x25a: {  	[sflag:s22] =	ssyncadd.s32 $0xFFFF8000  }
0x25b: {  	[hbm:s1], [sflag:s23] =	dma.local [spmem:s8], $0x8000  }
0x25c: {  	_ =	swait.ge [sflag:s0], $0x8000  }
0x25d: {  	s1 =	sld [smem:$0x7E0]  }
0x25e: {  	[sflag:s0] =	ssyncset.done $0x0  }
0x25f: {  	[sflag:s0] =	ssyncadd.s32 $0xFFFF8000  }
0x260: {  	[spmem:s10], [sflag:s24] =	dma.local [hbm:s1], $0x8000  }
0x261: {  	_ =	swait.ge [sflag:s25], $0x8000  }
0x262: {  	s1 =	sld [smem:$0x7DF]  }
0x263: {  	[sflag:s25] =	ssyncset.done $0x0  }
0x264: {  	[sflag:s25] =	ssyncadd.s32 $0xFFFF8000  }
0x265: {  	[hbm:s1], [sflag:s26] =	dma.local [spmem:s9], $0x8000  }
0x266: {  	_ =	swait.ge [sflag:s30], $0x8000  }
0x267: {  	s1 =	sld [smem:$0x7E2]  }
0x268: {  	[sflag:s30] =	ssyncset.done $0x0  }
0x269: {  	[sflag:s30] =	ssyncadd.s32 $0xFFFF8000  }
0x26a: {  	[spmem:s8], [sflag:s20] =	dma.local [hbm:s1], $0x8000  }
0x26b: {  	_ =	swait.ge [sflag:s28], $0x8000  }
0x26c: {  	s1 =	sld [smem:$0x7E1]  }
0x26d: {  	[sflag:s28] =	ssyncset.done $0x0  }
0x26e: {  	[sflag:s28] =	ssyncadd.s32 $0xFFFF8000  }
0x26f: {  	[hbm:s1], [sflag:s29] =	dma.local [spmem:s10], $0x8000  }
0x270: {  	_ =	swait.ge [sflag:s31], $0x8000  }
0x271: {  	s1 =	sld [smem:$0x7E4]  }
0x272: {  	[sflag:s31] =	ssyncset.done $0x0  }
0x273: {  	[sflag:s31] =	ssyncadd.s32 $0xFFFF8000  }
0x274: {  	[spmem:s9], [sflag:s21] =	dma.local [hbm:s1], $0x8000  }
0x275: {  	_ =	swait.ge [sflag:s22], $0x8000  }
0x276: {  	s1 =	sld [smem:$0x7E3]  }
0x277: {  	[sflag:s22] =	ssyncset.done $0x0  }
0x278: {  	[sflag:s22] =	ssyncadd.s32 $0xFFFF8000  }
0x279: {  	[hbm:s1], [sflag:s23] =	dma.local [spmem:s8], $0x8000  }
0x27a: {  	_ =	swait.ge [sflag:s0], $0x8000  }
0x27b: {  	s1 =	sld [smem:$0x7E6]  }
0x27c: {  	[sflag:s0] =	ssyncset.done $0x0  }
0x27d: {  	[sflag:s0] =	ssyncadd.s32 $0xFFFF8000  }
0x27e: {  	[spmem:s10], [sflag:s24] =	dma.local [hbm:s1], $0x8000  }
0x27f: {  	_ =	swait.ge [sflag:s25], $0x8000  }
0x280: {  	s1 =	sld [smem:$0x7E5]  }
0x281: {  	[sflag:s25] =	ssyncset.done $0x0  }
0x282: {  	[sflag:s25] =	ssyncadd.s32 $0xFFFF8000  }
0x283: {  	[hbm:s1], [sflag:s26] =	dma.local [spmem:s9], $0x8000  }
0x284: {  	_ =	swait.ge [sflag:s30], $0x8000  }
0x285: {  	s1 =	sld [smem:$0x7E8]  }
0x286: {  	[sflag:s30] =	ssyncset.done $0x0  }
0x287: {  	[sflag:s30] =	ssyncadd.s32 $0xFFFF8000  }
0x288: {  	[spmem:s8], [sflag:s20] =	dma.local [hbm:s1], $0x8000  }
0x289: {  	_ =	swait.ge [sflag:s28], $0x8000  }
0x28a: {  	s1 =	sld [smem:$0x7E7]  }
0x28b: {  	[sflag:s28] =	ssyncset.done $0x0  }
0x28c: {  	[sflag:s28] =	ssyncadd.s32 $0xFFFF8000  }
0x28d: {  	[hbm:s1], [sflag:s29] =	dma.local [spmem:s10], $0x8000  }
0x28e: {  	_ =	swait.ge [sflag:s31], $0x8000  }
0x28f: {  	s1 =	sld [smem:$0x7EA]  }
0x290: {  	[sflag:s31] =	ssyncset.done $0x0  }
0x291: {  	[sflag:s31] =	ssyncadd.s32 $0xFFFF8000  }
0x292: {  	[spmem:s9], [sflag:s21] =	dma.local [hbm:s1], $0x8000  }
0x293: {  	_ =	swait.ge [sflag:s22], $0x8000  }
0x294: {  	s1 =	sld [smem:$0x7E9]  }
0x295: {  	[sflag:s22] =	ssyncset.done $0x0  }
0x296: {  	[sflag:s22] =	ssyncadd.s32 $0xFFFF8000  }
0x297: {  	[hbm:s1], [sflag:s23] =	dma.local [spmem:s8], $0x8000  }
0x298: {  	_ =	swait.ge [sflag:s0], $0x8000  }
0x299: {  	s1 =	sld [smem:$0x7EC]  }
0x29a: {  	[sflag:s0] =	ssyncset.done $0x0  }
0x29b: {  	[sflag:s0] =	ssyncadd.s32 $0xFFFF8000  }
0x29c: {  	[spmem:s10], [sflag:s24] =	dma.local [hbm:s1], $0x8000  }
0x29d: {  	_ =	swait.ge [sflag:s25], $0x8000  }
0x29e: {  	s1 =	sld [smem:$0x7EB]  }
0x29f: {  	[sflag:s25] =	ssyncset.done $0x0  }
0x2a0: {  	[sflag:s25] =	ssyncadd.s32 $0xFFFF8000  }
0x2a1: {  	[hbm:s1], [sflag:s26] =	dma.local [spmem:s9], $0x8000  }
0x2a2: {  	_ =	swait.ge [sflag:s30], $0x8000  }
0x2a3: {  	s1 =	sld [smem:$0x7EE]  }
0x2a4: {  	[sflag:s30] =	ssyncset.done $0x0  }
0x2a5: {  	[sflag:s30] =	ssyncadd.s32 $0xFFFF8000  }
0x2a6: {  	[spmem:s8], [sflag:s20] =	dma.local [hbm:s1], $0x8000  }
0x2a7: {  	_ =	swait.ge [sflag:s28], $0x8000  }
0x2a8: {  	s1 =	sld [smem:$0x7ED]  }
0x2a9: {  	[sflag:s28] =	ssyncset.done $0x0  }
0x2aa: {  	[sflag:s28] =	ssyncadd.s32 $0xFFFF8000  }
0x2ab: {  	[hbm:s1], [sflag:s29] =	dma.local [spmem:s10], $0x8000  }
0x2ac: {  	_ =	swait.ge [sflag:s31], $0x8000  }
0x2ad: {  	s1 =	sld [smem:$0x7F0]  }
0x2ae: {  	[sflag:s31] =	ssyncset.done $0x0  }
0x2af: {  	[sflag:s31] =	ssyncadd.s32 $0xFFFF8000  }
0x2b0: {  	[spmem:s9], [sflag:s21] =	dma.local [hbm:s1], $0x8000  }
0x2b1: {  	_ =	swait.ge [sflag:s22], $0x8000  }
0x2b2: {  	s1 =	sld [smem:$0x7EF]  }
0x2b3: {  	[sflag:s22] =	ssyncset.done $0x0  }
0x2b4: {  	[sflag:s22] =	ssyncadd.s32 $0xFFFF8000  }
0x2b5: {  	[hbm:s1], [sflag:s23] =	dma.local [spmem:s8], $0x8000  }
0x2b6: {  	_ =	swait.ge [sflag:s0], $0x8000  }
0x2b7: {  	s1 =	sld [smem:$0x7F2]  }
0x2b8: {  	[sflag:s0] =	ssyncset.done $0x0  }
0x2b9: {  	[sflag:s0] =	ssyncadd.s32 $0xFFFF8000  }
0x2ba: {  	[spmem:s10], [sflag:s24] =	dma.local [hbm:s1], $0x8000  }
0x2bb: {  	_ =	swait.ge [sflag:s25], $0x8000  }
0x2bc: {  	s1 =	sld [smem:$0x7F1]  }
0x2bd: {  	[sflag:s25] =	ssyncset.done $0x0  }
0x2be: {  	[sflag:s25] =	ssyncadd.s32 $0xFFFF8000  }
0x2bf: {  	[hbm:s1], [sflag:s26] =	dma.local [spmem:s9], $0x8000  }
0x2c0: {  	_ =	swait.ge [sflag:s30], $0x8000  }
0x2c1: {  	s1 =	sld [smem:$0x7F4]  }
0x2c2: {  	[sflag:s30] =	ssyncset.done $0x0  }
0x2c3: {  	[sflag:s30] =	ssyncadd.s32 $0xFFFF8000  }
0x2c4: {  	[spmem:s8], [sflag:s20] =	dma.local [hbm:s1], $0x8000  }
0x2c5: {  	_ =	swait.ge [sflag:s28], $0x8000  }
0x2c6: {  	s1 =	sld [smem:$0x7F3]  }
0x2c7: {  	[sflag:s28] =	ssyncset.done $0x0  }
0x2c8: {  	[sflag:s28] =	ssyncadd.s32 $0xFFFF8000  }
0x2c9: {  	[hbm:s1], [sflag:s29] =	dma.local [spmem:s10], $0x8000  }
0x2ca: {  	_ =	swait.ge [sflag:s31], $0x8000  }
0x2cb: {  	s1 =	sld [smem:$0x7F6]  }
0x2cc: {  	[sflag:s31] =	ssyncset.done $0x0  }
0x2cd: {  	[sflag:s31] =	ssyncadd.s32 $0xFFFF8000  }
0x2ce: {  	[spmem:s9], [sflag:s21] =	dma.local [hbm:s1], $0x8000  }
0x2cf: {  	_ =	swait.ge [sflag:s22], $0x8000  }
0x2d0: {  	s1 =	sld [smem:$0x7F5]  }
0x2d1: {  	[sflag:s22] =	ssyncset.done $0x0  }
0x2d2: {  	[sflag:s22] =	ssyncadd.s32 $0xFFFF8000  }
0x2d3: {  	[hbm:s1], [sflag:s23] =	dma.local [spmem:s8], $0x8000  }
0x2d4: {  	_ =	swait.ge [sflag:s0], $0x8000  }
0x2d5: {  	s1 =	sld [smem:$0x7F8]  }
0x2d6: {  	[sflag:s0] =	ssyncset.done $0x0  }
0x2d7: {  	[sflag:s0] =	ssyncadd.s32 $0xFFFF8000  }
0x2d8: {  	[spmem:s10], [sflag:s24] =	dma.local [hbm:s1], $0x8000  }
0x2d9: {  	_ =	swait.ge [sflag:s25], $0x8000  }
0x2da: {  	s1 =	sld [smem:$0x7F7]  }
0x2db: {  	[sflag:s25] =	ssyncset.done $0x0  }
0x2dc: {  	[sflag:s25] =	ssyncadd.s32 $0xFFFF8000  }
0x2dd: {  	[hbm:s1], [sflag:s26] =	dma.local [spmem:s9], $0x8000  }
0x2de: {  	_ =	swait.ge [sflag:s30], $0x8000  }
0x2df: {  	s1 =	sld [smem:$0x7FC]  }
0x2e0: {  	[sflag:s30] =	ssyncset.done $0x0  }
0x2e1: {  	[sflag:s30] =	ssyncadd.s32 $0xFFFF8000  }
0x2e2: {  	[spmem:s8], [sflag:s20] =	dma.local [hbm:s1], $0x8000  }
0x2e3: {  	_ =	swait.ge [sflag:s28], $0x8000  }
0x2e4: {  	s1 =	sld [smem:$0x7F9]  }
0x2e5: {  	[sflag:s28] =	ssyncset.done $0x0  }
0x2e6: {  	[sflag:s28] =	ssyncadd.s32 $0xFFFF8000  }
0x2e7: {  	[hbm:s1], [sflag:s29] =	dma.local [spmem:s10], $0x8000  }
0x2e8: {  	_ =	swait.ge [sflag:s31], $0x8000  }
0x2e9: {  	s1 =	sld [smem:$0x7FD]  }
0x2ea: {  	[sflag:s31] =	ssyncset.done $0x0  }
0x2eb: {  	[sflag:s31] =	ssyncadd.s32 $0xFFFF8000  }
0x2ec: {  	[spmem:s9], [sflag:s21] =	dma.local [hbm:s1], $0x8000  }
0x2ed: {  	_ =	swait.ge [sflag:s22], $0x8000  }
0x2ee: {  	[sflag:s22] =	ssyncset.done $0x0  }
0x2ef: {  	[sflag:s22] =	ssyncadd.s32 $0xFFFF8000  }
0x2f0: {  	[hbm:s2], [sflag:s23] =	dma.local [spmem:s8], $0x8000  }
.Ltmp4:
0x2f1: {  	_ = 	snop;
	(pc) =	sbr.rel .LBB2_5-.Ltmp4, $4  }
0x2f2: {  	_ =	swait.ge [sflag:s25], $0x8000  }
0x2f3: {  	[sflag:s25] =	ssyncset.done $0x0  }
0x2f4: {  	[sflag:s25] =	ssyncadd.s32 $0xFFFF8000  }
0x2f5: {  	[hbm:s3], [sflag:s26] =	dma.local [spmem:s9], $0x8000  }
.LBB2_7:
0x2f6: {  	_ =	sfence.sel $0x180000  }
0x2f7: {  	[bflag:$0x0] =	sbarrier.arrive $0xFFFF  }
0x2f8: {  	_ =	strace $0x90000047  }
0x2f9: {  	[bflag:$0x2] =	sbarrier.arrive $0xFFFF  }
0x2fa: {  	s0 =	rddreg [dreg:$0x8]  }
0x2fb: {  	s0 =	sadd.s32 @!p0 $0x100000, s0  }
0x2fc: {  	[sflag:s0] =	ssyncadd.tile.s32 @!p0 $0x1;
	_ =	shalt  }
.Lfunc_end2:
_tile_overlayer_lowered:
.L_overlay_start_2:
0x2fd: {  	(tag) =	ssettag $0x2  }
0x2fe: {  	s0 =	rddreg [dreg:$0x0];
	s2 =	stileid.u32  }
0x2ff: {  	s1 =	rddreg [dreg:$0x1];
	p0 =	sne.s32 s2, $0x0  }
0x300: {  	s3 =	rddreg [dreg:$0x2];
	[bflag:$0x3] =	sbarrier.arrive $0xFFFF;
	s2 =	simm.s32 @!p0 $0x1C0D  }
0x301: {  	[timem:s3], [sflag:s2] =	dma.local @!p0 [hbm:s0], s1  }
0x302: {  	s0 =	simm.s32 @!p0 $0xD  }
0x303: {  	_ =	swait.ge @!p0 [sflag:s0], s1  }
0x304: {  	s1 =	ssub.s32 @!p0 $0x0, s1;
	[sflag:s0] =	ssyncset.done @!p0 $0x0  }
0x305: {  	[sflag:s0] =	ssyncadd.s32 @!p0 s1  }
0x306: {  	[bflag:$0x3] =	sbarrier.arrive $0xFFFF  }
0x307: {  	_ =	shalt  }

</sc_bundles>
